<compile_context>
chip_gen: v7x
topology: tpu7x:2x2x1
jax: 0.10.2.dev20260603
libtpu: 0.0.44.dev20260713+nightly
codegen_flags: <defaults>
</compile_context>

<pallas_src>
import functools

import jax
import jax.numpy as jnp
from jax import lax
from jax.experimental import pallas as pl
from jax.experimental.pallas import tpu as pltpu
from jax.experimental.pallas import tpu_sc as plsc

N = 16384
D = 256
K = 8192
COMMITMENT = 0.25

TN = 512

NC = 2
NS = 16
L = 16
NW = NC * NS
BPW = N // NW
CH = 128
NCH = BPW // CH



def _argmin_body(z_ref, w_ref, z2_ref, w2_ref, idx_ref):
    z = z_ref[...]
    dot = lax.dot_general(z.astype(jnp.bfloat16),
                          w_ref[...].astype(jnp.bfloat16),
                          (((1,), (1,)), ((), ())),
                          preferred_element_type=jnp.float32)
    dist = (z2_ref[...][:, None] + w2_ref[...][None, :]) - 2.0 * dot
    ids = lax.broadcasted_iota(jnp.int32, dist.shape, 1)
    acc_v = None
    acc_i = None
    for lo, hi in ((0, 2736), (2736, 5472), (5472, K)):
        dc = jnp.where((ids >= lo) & (ids < hi), dist, jnp.float32(jnp.inf))
        m = jnp.min(dc, axis=1)
        im = jnp.min(jnp.where(dc == m[:, None], ids, jnp.int32(K)), axis=1)
        mr = m.astype(jnp.bfloat16).astype(jnp.float32)
        if acc_v is None:
            acc_v, acc_i = mr, im
        else:
            keep = acc_v <= m
            acc_v = jnp.where(keep, acc_v, mr)
            acc_i = jnp.where(keep, acc_i, im)
    idx_ref[...] = acc_i


def _argmin(z, w, z2, w2):
    return pl.pallas_call(
        _argmin_body,
        grid=(N // TN,),
        in_specs=[
            pl.BlockSpec((TN, D), lambda i: (i, 0)),
            pl.BlockSpec((K, D), lambda i: (0, 0)),
            pl.BlockSpec((TN,), lambda i: (i,)),
            pl.BlockSpec((K,), lambda i: (0,)),
        ],
        out_specs=pl.BlockSpec((TN,), lambda i: (i,)),
        out_shape=jax.ShapeDtypeStruct((N,), jnp.int32),
        compiler_params=pltpu.CompilerParams(
            dimension_semantics=("arbitrary",),
        ),
    )(z, w, z2, w2)



def _sc_body(z_hbm, w_hbm, idx_hbm, zeros_hbm,
             qst_hbm, cnt_hbm, part_hbm,
             idx_v, rows_v, z_v, ones_v, acc_v, cnt_sh, sem):
    cid = lax.axis_index("c")
    sid = lax.axis_index("s")
    wid = sid * NC + cid
    base = wid * BPW

    @pl.when(sid == 0)
    def _():
        pltpu.sync_copy(zeros_hbm, cnt_sh)

    for j in range(NCH):
        pltpu.sync_copy(idx_hbm.at[pl.ds(base + j * CH, CH)], idx_v.at[j])

    def _fill(i, _):
        ones_v[pl.ds(i * L, L)] = jnp.full((L,), 1.0, jnp.float32)
        return 0
    lax.fori_loop(0, CH // L, _fill, 0)

    plsc.subcore_barrier()

    for j in range(NCH):
        pltpu.sync_copy(ones_v, cnt_sh.at[idx_v.at[j]], add=True)

    acc = jnp.zeros((L,), jnp.float32)
    for j in range(NCH):
        rowbase = base + j * CH
        cp = pltpu.async_copy(w_hbm.at[idx_v.at[j]], rows_v, sem)
        pltpu.sync_copy(z_hbm.at[pl.ds(rowbase, CH)], z_v)
        cp.wait()

        def _row(r, a):
            for c in range(D // L):
                sl = pl.ds(c * L, L)
                zv = z_v[r, sl]
                qv = rows_v[r, sl]
                d = qv - zv
                rows_v[r, sl] = zv + d
                a = a + d * d
            return a
        acc = lax.fori_loop(0, CH, _row, acc)

        pltpu.sync_copy(rows_v, qst_hbm.at[pl.ds(rowbase, CH)])

    acc_v[...] = acc
    pltpu.sync_copy(acc_v, part_hbm.at[wid])

    plsc.subcore_barrier()

    @pl.when(sid == 0)
    def _():
        pltpu.sync_copy(cnt_sh, cnt_hbm.at[cid])


def _sc_gather(z, w, idx, zeros_k):
    mesh = plsc.VectorSubcoreMesh(core_axis_name="c", subcore_axis_name="s",
                                  num_cores=NC, num_subcores=NS)
    fn = pl.kernel(
        _sc_body,
        out_type=(
            jax.ShapeDtypeStruct((N, D), jnp.float32),
            jax.ShapeDtypeStruct((NC, K), jnp.float32),
            jax.ShapeDtypeStruct((NW, L), jnp.float32),
        ),
        mesh=mesh,
        scratch_types=[
            pltpu.VMEM((NCH, CH), jnp.int32),
            pltpu.VMEM((CH, D), jnp.float32),
            pltpu.VMEM((CH, D), jnp.float32),
            pltpu.VMEM((CH,), jnp.float32),
            pltpu.VMEM((L,), jnp.float32),
            pltpu.VMEM_SHARED((K,), jnp.float32),
            pltpu.SemaphoreType.DMA,
        ],
    )
    return fn(z, w, idx, zeros_k)



def _scalars_body(cnt_ref, part_ref, loss_ref, perp_ref):
    counts = cnt_ref[0, :] + cnt_ref[1, :]
    avg = counts / jnp.float32(N)
    ent = jnp.sum(avg * jnp.log(avg + 1e-10))
    perp = jnp.minimum(jnp.exp(-ent), jnp.float32(K))
    perp = jnp.where(jnp.isnan(perp) | jnp.isinf(perp), jnp.float32(0.0),
                     perp)
    loss = COMMITMENT * (jnp.sum(part_ref[...]) / jnp.float32(N * D))
    loss_ref[0, 0] = loss
    perp_ref[0, 0] = perp


def _scalars(cnt, part):
    return pl.pallas_call(
        _scalars_body,
        out_specs=(pl.BlockSpec(memory_space=pltpu.SMEM),
                   pl.BlockSpec(memory_space=pltpu.SMEM)),
        out_shape=(jax.ShapeDtypeStruct((1, 1), jnp.float32),
                   jax.ShapeDtypeStruct((1, 1), jnp.float32)),
    )(cnt, part)



@jax.jit
def kernel(inputs, W):
    B, T, Dd = inputs.shape
    z = inputs.reshape(N, D)
    z2 = jnp.sum(inputs ** 2, axis=2).reshape(N)
    w2 = jnp.sum(W ** 2, axis=1)
    idx = _argmin(z, W, z2, w2)
    zeros_k = jnp.zeros((K,), jnp.float32)
    qst, cnt, part = _sc_gather(z, W, idx, zeros_k)
    loss, perp = _scalars(cnt, part)
    return (qst.reshape(B, T, Dd), loss[0, 0], perp[0, 0])

# --- scband reference (transcript-rebuilt; emitter-appended) ---
"""Pipeline reference for scband-vector-quantizer-ema-65532611002587 (READ-ONLY COPY).

The authoritative reference and input builder live on the scoring server;
editing this copy changes nothing except your own understanding.
"""

import jax, jax.numpy as jnp
import numpy as np

NUM_EMBEDDINGS = 8192
EMBEDDING_DIM = 256
COMMITMENT_COST = 0.25


def setup_inputs(seed: int = 0) -> dict:
    key = jax.random.key(seed)
    k1, k2 = jax.random.split(key)
    inputs = jax.random.normal(k1, (16, 1024, 256), dtype=jnp.float32)
    # codebook initialized ~ N(0,1) like nn.Embedding.weight.data.normal_()
    W = jax.random.normal(k2, (NUM_EMBEDDINGS, EMBEDDING_DIM), dtype=jnp.float32)
    return {"inputs": inputs, "W": W}


def reference(inputs, W):
    # inputs: (B, T, D); W: (K, D). Eval-path forward (EMA buffer update does not
    # affect this step's outputs, since quantized is computed before the update).
    B, T, D = inputs.shape
    K = W.shape[0]
    flat_z = inputs.reshape(-1, D)
    distances = (jnp.sum(flat_z ** 2, axis=1, keepdims=True)
                 + jnp.sum(W ** 2, axis=1)
                 - 2.0 * jnp.matmul(flat_z, W.T))
    encoding_indices = jnp.argmin(distances, axis=1)
    # quantized = one_hot @ W == gather rows of W
    quantized = jnp.take(W, encoding_indices, axis=0).reshape(B, T, D)
    quantized_st = inputs + jax.lax.stop_gradient(quantized - inputs)
    loss = COMMITMENT_COST * jnp.mean((inputs - jax.lax.stop_gradient(quantized)) ** 2)
    counts = jnp.bincount(encoding_indices, length=K).astype(jnp.float32)
    avg_probs = counts / flat_z.shape[0]
    entropy_raw = jnp.sum(avg_probs * jnp.log(avg_probs + 1e-10))
    perplexity = jnp.minimum(jnp.exp(-entropy_raw), jnp.float32(K))
    perplexity = jnp.where(jnp.isnan(perplexity) | jnp.isinf(perplexity),
                           jnp.float32(0.0), perplexity)
    return (quantized_st, loss, perplexity)

if __name__ == "__main__":
    import jax
    _d = setup_inputs()
    print(jax.jit(kernel)(*tuple(_d.values())))

</pallas_src>

<mosaic_0001>
#map = affine_map<(d0, d1) -> (0, 0)>
#map1 = affine_map<(d0, d1) -> (0)>
module attributes {stable_mosaic.version = 14 : i64} {
  func.func @_sc_body(%arg0: i32, %arg1: i32, %arg2: memref<16384x256xf32, #tpu.memory_space<hbm>>, %arg3: memref<8192x256xf32, #tpu.memory_space<hbm>>, %arg4: memref<16384xi32, #tpu.memory_space<hbm>>, %arg5: memref<8192xf32, #tpu.memory_space<hbm>>, %arg6: memref<16384x256xf32, #tpu.memory_space<hbm>>, %arg7: memref<2x8192xf32, #tpu.memory_space<hbm>>, %arg8: memref<32x16xf32, #tpu.memory_space<hbm>>, %arg9: memref<4x128xi32, #tpu.memory_space<vmem>>, %arg10: memref<128x256xf32, #tpu.memory_space<vmem>>, %arg11: memref<128x256xf32, #tpu.memory_space<vmem>>, %arg12: memref<128xf32, #tpu.memory_space<vmem>>, %arg13: memref<16xf32, #tpu.memory_space<vmem>>, %arg14: memref<8192xf32, #tpu.memory_space<vmem_shared>>, %arg15: memref<!tpu.dma_semaphore, #tpu.memory_space<semaphore_mem>>) attributes {dimension_semantics = [#tpu.dimension_semantics<core_parallel>, #tpu.dimension_semantics<subcore_parallel>], iteration_bounds = array<i64: 2, 16>, scalar_prefetch = 0 : i64, scratch_operands = 7 : i64, tpu.core_type = #tpu.core_type<sc_vector_subcore>, window_params = [{transform_indices = #map}, {transform_indices = #map}, {transform_indices = #map1}, {transform_indices = #map1}, {transform_indices = #map}, {transform_indices = #map}, {transform_indices = #map}]} {
    %mul3A = arith.constant 2 : i32
    %mul3A_0 = arith.muli %arg1, %mul3A : i32
    %add3A = arith.addi %mul3A_0, %arg0 : i32
    %mul3A_1 = arith.constant 512 : i32
    %mul3A_2 = arith.muli %add3A, %mul3A_1 : i32
    %eq3A = arith.constant 0 : i32
    %eq3A_3 = arith.cmpi eq, %arg1, %eq3A : i32
    %convert_element_type3A = arith.extui %eq3A_3 : i1 to i32
    %cond3A = arith.constant 0 : i32
    %cond3A_4 = arith.cmpi ne, %convert_element_type3A, %cond3A : i32
    scf.if %cond3A_4 {
      "tpu.region"() ({
        %run_scoped3A_122 = tpu.sem_alloc : memref<!tpu.dma_semaphore, #tpu.memory_space<semaphore_mem>>
        tpu.enqueue_dma source(%arg5 : memref<8192xf32, #tpu.memory_space<hbm>>) target(%arg14 : memref<8192xf32, #tpu.memory_space<vmem_shared>>) target_semaphore(%run_scoped3A_122 : memref<!tpu.dma_semaphore, #tpu.memory_space<semaphore_mem>>)
        tpu.wait_dma2 semaphore(%run_scoped3A_122 : memref<!tpu.dma_semaphore, #tpu.memory_space<semaphore_mem>>) src(%arg5 : memref<8192xf32, #tpu.memory_space<hbm>>) dst(%arg14 : memref<8192xf32, #tpu.memory_space<vmem_shared>>)
        tpu.yield
      }) : () -> ()
    } else {
    }
    %add3A_5 = arith.constant 0 : i32
    %add3A_6 = arith.addi %mul3A_2, %add3A_5 : i32
    %run_scoped3A = arith.constant 0 : i32
    "tpu.region"() ({
      %run_scoped3A_122 = tpu.sem_alloc : memref<!tpu.dma_semaphore, #tpu.memory_space<semaphore_mem>>
      %dma_start3A_123 = arith.constant 0 : i32
      %dma_start3A_124 = tpu.memref_slice %arg9[%run_scoped3A, %dma_start3A_123] : memref<4x128xi32, #tpu.memory_space<vmem>> -> memref<1x128xi32, #tpu.memory_space<vmem>>
      %dma_start3A_125 = tpu.memref_squeeze %dma_start3A_124 : memref<1x128xi32, #tpu.memory_space<vmem>> -> memref<128xi32, #tpu.memory_space<vmem>>
      %dma_start3A_126 = tpu.memref_slice %arg4[%add3A_6] : memref<16384xi32, #tpu.memory_space<hbm>> -> memref<128xi32, #tpu.memory_space<hbm>>
      %dma_start3A_127 = arith.constant 0 : i32
      %dma_start3A_128 = tpu.memref_slice %arg9[%run_scoped3A, %dma_start3A_127] : memref<4x128xi32, #tpu.memory_space<vmem>> -> memref<1x128xi32, #tpu.memory_space<vmem>>
      %dma_start3A_129 = tpu.memref_squeeze %dma_start3A_128 : memref<1x128xi32, #tpu.memory_space<vmem>> -> memref<128xi32, #tpu.memory_space<vmem>>
      %dma_start3A_130 = tpu.memref_slice %arg4[%add3A_6] : memref<16384xi32, #tpu.memory_space<hbm>> -> memref<128xi32, #tpu.memory_space<hbm>>
      tpu.enqueue_dma source(%dma_start3A_130 : memref<128xi32, #tpu.memory_space<hbm>>) target(%dma_start3A_129 : memref<128xi32, #tpu.memory_space<vmem>>) target_semaphore(%run_scoped3A_122 : memref<!tpu.dma_semaphore, #tpu.memory_space<semaphore_mem>>)
      %dma_wait3A_131 = arith.constant 0 : i32
      %dma_wait3A_132 = tpu.memref_slice %arg9[%run_scoped3A, %dma_wait3A_131] : memref<4x128xi32, #tpu.memory_space<vmem>> -> memref<1x128xi32, #tpu.memory_space<vmem>>
      %dma_wait3A_133 = tpu.memref_squeeze %dma_wait3A_132 : memref<1x128xi32, #tpu.memory_space<vmem>> -> memref<128xi32, #tpu.memory_space<vmem>>
      %dma_wait3A_134 = tpu.memref_slice %arg4[%add3A_6] : memref<16384xi32, #tpu.memory_space<hbm>> -> memref<128xi32, #tpu.memory_space<hbm>>
      %dma_wait3A_135 = arith.constant 0 : i32
      %dma_wait3A_136 = tpu.memref_slice %arg9[%run_scoped3A, %dma_wait3A_135] : memref<4x128xi32, #tpu.memory_space<vmem>> -> memref<1x128xi32, #tpu.memory_space<vmem>>
      %dma_wait3A_137 = tpu.memref_squeeze %dma_wait3A_136 : memref<1x128xi32, #tpu.memory_space<vmem>> -> memref<128xi32, #tpu.memory_space<vmem>>
      %dma_wait3A_138 = tpu.memref_slice %arg4[%add3A_6] : memref<16384xi32, #tpu.memory_space<hbm>> -> memref<128xi32, #tpu.memory_space<hbm>>
      tpu.wait_dma2 semaphore(%run_scoped3A_122 : memref<!tpu.dma_semaphore, #tpu.memory_space<semaphore_mem>>) src(%dma_wait3A_138 : memref<128xi32, #tpu.memory_space<hbm>>) dst(%dma_wait3A_137 : memref<128xi32, #tpu.memory_space<vmem>>)
      tpu.yield
    }) : () -> ()
    %add3A_7 = arith.constant 128 : i32
    %add3A_8 = arith.addi %mul3A_2, %add3A_7 : i32
    %run_scoped3A_9 = arith.constant 1 : i32
    "tpu.region"() ({
      %run_scoped3A_122 = tpu.sem_alloc : memref<!tpu.dma_semaphore, #tpu.memory_space<semaphore_mem>>
      %dma_start3A_123 = arith.constant 0 : i32
      %dma_start3A_124 = tpu.memref_slice %arg9[%run_scoped3A_9, %dma_start3A_123] : memref<4x128xi32, #tpu.memory_space<vmem>> -> memref<1x128xi32, #tpu.memory_space<vmem>>
      %dma_start3A_125 = tpu.memref_squeeze %dma_start3A_124 : memref<1x128xi32, #tpu.memory_space<vmem>> -> memref<128xi32, #tpu.memory_space<vmem>>
      %dma_start3A_126 = tpu.memref_slice %arg4[%add3A_8] : memref<16384xi32, #tpu.memory_space<hbm>> -> memref<128xi32, #tpu.memory_space<hbm>>
      %dma_start3A_127 = arith.constant 0 : i32
      %dma_start3A_128 = tpu.memref_slice %arg9[%run_scoped3A_9, %dma_start3A_127] : memref<4x128xi32, #tpu.memory_space<vmem>> -> memref<1x128xi32, #tpu.memory_space<vmem>>
      %dma_start3A_129 = tpu.memref_squeeze %dma_start3A_128 : memref<1x128xi32, #tpu.memory_space<vmem>> -> memref<128xi32, #tpu.memory_space<vmem>>
      %dma_start3A_130 = tpu.memref_slice %arg4[%add3A_8] : memref<16384xi32, #tpu.memory_space<hbm>> -> memref<128xi32, #tpu.memory_space<hbm>>
      tpu.enqueue_dma source(%dma_start3A_130 : memref<128xi32, #tpu.memory_space<hbm>>) target(%dma_start3A_129 : memref<128xi32, #tpu.memory_space<vmem>>) target_semaphore(%run_scoped3A_122 : memref<!tpu.dma_semaphore, #tpu.memory_space<semaphore_mem>>)
      %dma_wait3A_131 = arith.constant 0 : i32
      %dma_wait3A_132 = tpu.memref_slice %arg9[%run_scoped3A_9, %dma_wait3A_131] : memref<4x128xi32, #tpu.memory_space<vmem>> -> memref<1x128xi32, #tpu.memory_space<vmem>>
      %dma_wait3A_133 = tpu.memref_squeeze %dma_wait3A_132 : memref<1x128xi32, #tpu.memory_space<vmem>> -> memref<128xi32, #tpu.memory_space<vmem>>
      %dma_wait3A_134 = tpu.memref_slice %arg4[%add3A_8] : memref<16384xi32, #tpu.memory_space<hbm>> -> memref<128xi32, #tpu.memory_space<hbm>>
      %dma_wait3A_135 = arith.constant 0 : i32
      %dma_wait3A_136 = tpu.memref_slice %arg9[%run_scoped3A_9, %dma_wait3A_135] : memref<4x128xi32, #tpu.memory_space<vmem>> -> memref<1x128xi32, #tpu.memory_space<vmem>>
      %dma_wait3A_137 = tpu.memref_squeeze %dma_wait3A_136 : memref<1x128xi32, #tpu.memory_space<vmem>> -> memref<128xi32, #tpu.memory_space<vmem>>
      %dma_wait3A_138 = tpu.memref_slice %arg4[%add3A_8] : memref<16384xi32, #tpu.memory_space<hbm>> -> memref<128xi32, #tpu.memory_space<hbm>>
      tpu.wait_dma2 semaphore(%run_scoped3A_122 : memref<!tpu.dma_semaphore, #tpu.memory_space<semaphore_mem>>) src(%dma_wait3A_138 : memref<128xi32, #tpu.memory_space<hbm>>) dst(%dma_wait3A_137 : memref<128xi32, #tpu.memory_space<vmem>>)
      tpu.yield
    }) : () -> ()
    %add3A_10 = arith.constant 256 : i32
    %add3A_11 = arith.addi %mul3A_2, %add3A_10 : i32
    %run_scoped3A_12 = arith.constant 2 : i32
    "tpu.region"() ({
      %run_scoped3A_122 = tpu.sem_alloc : memref<!tpu.dma_semaphore, #tpu.memory_space<semaphore_mem>>
      %dma_start3A_123 = arith.constant 0 : i32
      %dma_start3A_124 = tpu.memref_slice %arg9[%run_scoped3A_12, %dma_start3A_123] : memref<4x128xi32, #tpu.memory_space<vmem>> -> memref<1x128xi32, #tpu.memory_space<vmem>>
      %dma_start3A_125 = tpu.memref_squeeze %dma_start3A_124 : memref<1x128xi32, #tpu.memory_space<vmem>> -> memref<128xi32, #tpu.memory_space<vmem>>
      %dma_start3A_126 = tpu.memref_slice %arg4[%add3A_11] : memref<16384xi32, #tpu.memory_space<hbm>> -> memref<128xi32, #tpu.memory_space<hbm>>
      %dma_start3A_127 = arith.constant 0 : i32
      %dma_start3A_128 = tpu.memref_slice %arg9[%run_scoped3A_12, %dma_start3A_127] : memref<4x128xi32, #tpu.memory_space<vmem>> -> memref<1x128xi32, #tpu.memory_space<vmem>>
      %dma_start3A_129 = tpu.memref_squeeze %dma_start3A_128 : memref<1x128xi32, #tpu.memory_space<vmem>> -> memref<128xi32, #tpu.memory_space<vmem>>
      %dma_start3A_130 = tpu.memref_slice %arg4[%add3A_11] : memref<16384xi32, #tpu.memory_space<hbm>> -> memref<128xi32, #tpu.memory_space<hbm>>
      tpu.enqueue_dma source(%dma_start3A_130 : memref<128xi32, #tpu.memory_space<hbm>>) target(%dma_start3A_129 : memref<128xi32, #tpu.memory_space<vmem>>) target_semaphore(%run_scoped3A_122 : memref<!tpu.dma_semaphore, #tpu.memory_space<semaphore_mem>>)
      %dma_wait3A_131 = arith.constant 0 : i32
      %dma_wait3A_132 = tpu.memref_slice %arg9[%run_scoped3A_12, %dma_wait3A_131] : memref<4x128xi32, #tpu.memory_space<vmem>> -> memref<1x128xi32, #tpu.memory_space<vmem>>
      %dma_wait3A_133 = tpu.memref_squeeze %dma_wait3A_132 : memref<1x128xi32, #tpu.memory_space<vmem>> -> memref<128xi32, #tpu.memory_space<vmem>>
      %dma_wait3A_134 = tpu.memref_slice %arg4[%add3A_11] : memref<16384xi32, #tpu.memory_space<hbm>> -> memref<128xi32, #tpu.memory_space<hbm>>
      %dma_wait3A_135 = arith.constant 0 : i32
      %dma_wait3A_136 = tpu.memref_slice %arg9[%run_scoped3A_12, %dma_wait3A_135] : memref<4x128xi32, #tpu.memory_space<vmem>> -> memref<1x128xi32, #tpu.memory_space<vmem>>
      %dma_wait3A_137 = tpu.memref_squeeze %dma_wait3A_136 : memref<1x128xi32, #tpu.memory_space<vmem>> -> memref<128xi32, #tpu.memory_space<vmem>>
      %dma_wait3A_138 = tpu.memref_slice %arg4[%add3A_11] : memref<16384xi32, #tpu.memory_space<hbm>> -> memref<128xi32, #tpu.memory_space<hbm>>
      tpu.wait_dma2 semaphore(%run_scoped3A_122 : memref<!tpu.dma_semaphore, #tpu.memory_space<semaphore_mem>>) src(%dma_wait3A_138 : memref<128xi32, #tpu.memory_space<hbm>>) dst(%dma_wait3A_137 : memref<128xi32, #tpu.memory_space<vmem>>)
      tpu.yield
    }) : () -> ()
    %add3A_13 = arith.constant 384 : i32
    %add3A_14 = arith.addi %mul3A_2, %add3A_13 : i32
    %run_scoped3A_15 = arith.constant 3 : i32
    "tpu.region"() ({
      %run_scoped3A_122 = tpu.sem_alloc : memref<!tpu.dma_semaphore, #tpu.memory_space<semaphore_mem>>
      %dma_start3A_123 = arith.constant 0 : i32
      %dma_start3A_124 = tpu.memref_slice %arg9[%run_scoped3A_15, %dma_start3A_123] : memref<4x128xi32, #tpu.memory_space<vmem>> -> memref<1x128xi32, #tpu.memory_space<vmem>>
      %dma_start3A_125 = tpu.memref_squeeze %dma_start3A_124 : memref<1x128xi32, #tpu.memory_space<vmem>> -> memref<128xi32, #tpu.memory_space<vmem>>
      %dma_start3A_126 = tpu.memref_slice %arg4[%add3A_14] : memref<16384xi32, #tpu.memory_space<hbm>> -> memref<128xi32, #tpu.memory_space<hbm>>
      %dma_start3A_127 = arith.constant 0 : i32
      %dma_start3A_128 = tpu.memref_slice %arg9[%run_scoped3A_15, %dma_start3A_127] : memref<4x128xi32, #tpu.memory_space<vmem>> -> memref<1x128xi32, #tpu.memory_space<vmem>>
      %dma_start3A_129 = tpu.memref_squeeze %dma_start3A_128 : memref<1x128xi32, #tpu.memory_space<vmem>> -> memref<128xi32, #tpu.memory_space<vmem>>
      %dma_start3A_130 = tpu.memref_slice %arg4[%add3A_14] : memref<16384xi32, #tpu.memory_space<hbm>> -> memref<128xi32, #tpu.memory_space<hbm>>
      tpu.enqueue_dma source(%dma_start3A_130 : memref<128xi32, #tpu.memory_space<hbm>>) target(%dma_start3A_129 : memref<128xi32, #tpu.memory_space<vmem>>) target_semaphore(%run_scoped3A_122 : memref<!tpu.dma_semaphore, #tpu.memory_space<semaphore_mem>>)
      %dma_wait3A_131 = arith.constant 0 : i32
      %dma_wait3A_132 = tpu.memref_slice %arg9[%run_scoped3A_15, %dma_wait3A_131] : memref<4x128xi32, #tpu.memory_space<vmem>> -> memref<1x128xi32, #tpu.memory_space<vmem>>
      %dma_wait3A_133 = tpu.memref_squeeze %dma_wait3A_132 : memref<1x128xi32, #tpu.memory_space<vmem>> -> memref<128xi32, #tpu.memory_space<vmem>>
      %dma_wait3A_134 = tpu.memref_slice %arg4[%add3A_14] : memref<16384xi32, #tpu.memory_space<hbm>> -> memref<128xi32, #tpu.memory_space<hbm>>
      %dma_wait3A_135 = arith.constant 0 : i32
      %dma_wait3A_136 = tpu.memref_slice %arg9[%run_scoped3A_15, %dma_wait3A_135] : memref<4x128xi32, #tpu.memory_space<vmem>> -> memref<1x128xi32, #tpu.memory_space<vmem>>
      %dma_wait3A_137 = tpu.memref_squeeze %dma_wait3A_136 : memref<1x128xi32, #tpu.memory_space<vmem>> -> memref<128xi32, #tpu.memory_space<vmem>>
      %dma_wait3A_138 = tpu.memref_slice %arg4[%add3A_14] : memref<16384xi32, #tpu.memory_space<hbm>> -> memref<128xi32, #tpu.memory_space<hbm>>
      tpu.wait_dma2 semaphore(%run_scoped3A_122 : memref<!tpu.dma_semaphore, #tpu.memory_space<semaphore_mem>>) src(%dma_wait3A_138 : memref<128xi32, #tpu.memory_space<hbm>>) dst(%dma_wait3A_137 : memref<128xi32, #tpu.memory_space<vmem>>)
      tpu.yield
    }) : () -> ()
    %scan3A = arith.constant 0 : i32
    %scan3A_16 = arith.constant 0 : i32
    %scan3A_17 = arith.constant 8 : i32
    %scan3A_18 = arith.addi %scan3A_16, %scan3A_17 : i32
    %scan3A_19 = arith.constant 1 : i32
    %scan3A_20 = scf.for %scan3A_122 = %scan3A_16 to %scan3A_18 step %scan3A_19 iter_args(%scan3A_123 = %scan3A) -> (i32)  : i32 {
      %broadcast_in_dim3A_124 = arith.constant 1.000000e+00 : f32
      %broadcast_in_dim3A_125 = vector.broadcast %broadcast_in_dim3A_124 : f32 to vector<16xf32>
      %mul3A_126 = arith.constant 16 : i32
      %mul3A_127 = arith.muli %scan3A_122, %mul3A_126 : i32
      %swap3A_128 = arith.index_cast %mul3A_127 : i32 to index
      %swap3A_129 = tpu.vector_load %arg12[%swap3A_128] {strides = array<i32>} : memref<128xf32, #tpu.memory_space<vmem>>, vector<16xf32>,
      %swap3A_130 = vector.shape_cast %swap3A_129 : vector<16xf32> to vector<16xf32>
      %swap3A_131 = vector.shape_cast %broadcast_in_dim3A_125 : vector<16xf32> to vector<16xf32>
      tpu.vector_store %arg12[%swap3A_128], %swap3A_131 {strides = array<i32>} : memref<128xf32, #tpu.memory_space<vmem>>, vector<16xf32>,
      %scan3A_132 = arith.constant 0 : i32
      scf.yield %scan3A_132 : i32
    }
    %scan3A_21 = arith.constant 8 : i32
    %barrier3A = arith.constant 0 : index
    tpu.barrier barrier_id(%barrier3A)
    %run_scoped3A_22 = arith.constant 0 : i32
    "tpu.region"() ({
      %run_scoped3A_122 = tpu.sem_alloc : memref<!tpu.dma_semaphore, #tpu.memory_space<semaphore_mem>>
      %dma_start3A_123 = arith.constant 0 : i32
      %dma_start3A_124 = tpu.memref_slice %arg9[%run_scoped3A_22, %dma_start3A_123] : memref<4x128xi32, #tpu.memory_space<vmem>> -> memref<1x128xi32, #tpu.memory_space<vmem>>
      %dma_start3A_125 = tpu.memref_squeeze %dma_start3A_124 : memref<1x128xi32, #tpu.memory_space<vmem>> -> memref<128xi32, #tpu.memory_space<vmem>>
      %dma_start3A_126 = arith.constant 0 : i32
      %dma_start3A_127 = tpu.memref_slice %arg14[%dma_start3A_126] : memref<8192xf32, #tpu.memory_space<vmem_shared>> -> memref<8192xf32, #tpu.memory_space<vmem_shared>>
      tpu.enqueue_indirect_dma source(%arg12 : memref<128xf32, #tpu.memory_space<vmem>>) target(%dma_start3A_127 : memref<8192xf32, #tpu.memory_space<vmem_shared>>) offsets(%dma_start3A_125 : memref<128xi32, #tpu.memory_space<vmem>>) semaphore(%run_scoped3A_122 : memref<!tpu.dma_semaphore, #tpu.memory_space<semaphore_mem>>) {add = true}
      %dma_wait3A_128 = arith.constant 0 : i32
      %dma_wait3A_129 = tpu.memref_slice %arg9[%run_scoped3A_22, %dma_wait3A_128] : memref<4x128xi32, #tpu.memory_space<vmem>> -> memref<1x128xi32, #tpu.memory_space<vmem>>
      %dma_wait3A_130 = tpu.memref_squeeze %dma_wait3A_129 : memref<1x128xi32, #tpu.memory_space<vmem>> -> memref<128xi32, #tpu.memory_space<vmem>>
      %dma_wait3A_131 = arith.constant 0 : i32
      %dma_wait3A_132 = tpu.memref_slice %arg14[%dma_wait3A_131] : memref<8192xf32, #tpu.memory_space<vmem_shared>> -> memref<8192xf32, #tpu.memory_space<vmem_shared>>
      tpu.wait_indirect_dma semaphore(%run_scoped3A_122 : memref<!tpu.dma_semaphore, #tpu.memory_space<semaphore_mem>>) src(%arg12 : memref<128xf32, #tpu.memory_space<vmem>>) dst(%dma_wait3A_132 : memref<8192xf32, #tpu.memory_space<vmem_shared>>)
      tpu.yield
    }) : () -> ()
    %run_scoped3A_23 = arith.constant 1 : i32
    "tpu.region"() ({
      %run_scoped3A_122 = tpu.sem_alloc : memref<!tpu.dma_semaphore, #tpu.memory_space<semaphore_mem>>
      %dma_start3A_123 = arith.constant 0 : i32
      %dma_start3A_124 = tpu.memref_slice %arg9[%run_scoped3A_23, %dma_start3A_123] : memref<4x128xi32, #tpu.memory_space<vmem>> -> memref<1x128xi32, #tpu.memory_space<vmem>>
      %dma_start3A_125 = tpu.memref_squeeze %dma_start3A_124 : memref<1x128xi32, #tpu.memory_space<vmem>> -> memref<128xi32, #tpu.memory_space<vmem>>
      %dma_start3A_126 = arith.constant 0 : i32
      %dma_start3A_127 = tpu.memref_slice %arg14[%dma_start3A_126] : memref<8192xf32, #tpu.memory_space<vmem_shared>> -> memref<8192xf32, #tpu.memory_space<vmem_shared>>
      tpu.enqueue_indirect_dma source(%arg12 : memref<128xf32, #tpu.memory_space<vmem>>) target(%dma_start3A_127 : memref<8192xf32, #tpu.memory_space<vmem_shared>>) offsets(%dma_start3A_125 : memref<128xi32, #tpu.memory_space<vmem>>) semaphore(%run_scoped3A_122 : memref<!tpu.dma_semaphore, #tpu.memory_space<semaphore_mem>>) {add = true}
      %dma_wait3A_128 = arith.constant 0 : i32
      %dma_wait3A_129 = tpu.memref_slice %arg9[%run_scoped3A_23, %dma_wait3A_128] : memref<4x128xi32, #tpu.memory_space<vmem>> -> memref<1x128xi32, #tpu.memory_space<vmem>>
      %dma_wait3A_130 = tpu.memref_squeeze %dma_wait3A_129 : memref<1x128xi32, #tpu.memory_space<vmem>> -> memref<128xi32, #tpu.memory_space<vmem>>
      %dma_wait3A_131 = arith.constant 0 : i32
      %dma_wait3A_132 = tpu.memref_slice %arg14[%dma_wait3A_131] : memref<8192xf32, #tpu.memory_space<vmem_shared>> -> memref<8192xf32, #tpu.memory_space<vmem_shared>>
      tpu.wait_indirect_dma semaphore(%run_scoped3A_122 : memref<!tpu.dma_semaphore, #tpu.memory_space<semaphore_mem>>) src(%arg12 : memref<128xf32, #tpu.memory_space<vmem>>) dst(%dma_wait3A_132 : memref<8192xf32, #tpu.memory_space<vmem_shared>>)
      tpu.yield
    }) : () -> ()
    %run_scoped3A_24 = arith.constant 2 : i32
    "tpu.region"() ({
      %run_scoped3A_122 = tpu.sem_alloc : memref<!tpu.dma_semaphore, #tpu.memory_space<semaphore_mem>>
      %dma_start3A_123 = arith.constant 0 : i32
      %dma_start3A_124 = tpu.memref_slice %arg9[%run_scoped3A_24, %dma_start3A_123] : memref<4x128xi32, #tpu.memory_space<vmem>> -> memref<1x128xi32, #tpu.memory_space<vmem>>
      %dma_start3A_125 = tpu.memref_squeeze %dma_start3A_124 : memref<1x128xi32, #tpu.memory_space<vmem>> -> memref<128xi32, #tpu.memory_space<vmem>>
      %dma_start3A_126 = arith.constant 0 : i32
      %dma_start3A_127 = tpu.memref_slice %arg14[%dma_start3A_126] : memref<8192xf32, #tpu.memory_space<vmem_shared>> -> memref<8192xf32, #tpu.memory_space<vmem_shared>>
      tpu.enqueue_indirect_dma source(%arg12 : memref<128xf32, #tpu.memory_space<vmem>>) target(%dma_start3A_127 : memref<8192xf32, #tpu.memory_space<vmem_shared>>) offsets(%dma_start3A_125 : memref<128xi32, #tpu.memory_space<vmem>>) semaphore(%run_scoped3A_122 : memref<!tpu.dma_semaphore, #tpu.memory_space<semaphore_mem>>) {add = true}
      %dma_wait3A_128 = arith.constant 0 : i32
      %dma_wait3A_129 = tpu.memref_slice %arg9[%run_scoped3A_24, %dma_wait3A_128] : memref<4x128xi32, #tpu.memory_space<vmem>> -> memref<1x128xi32, #tpu.memory_space<vmem>>
      %dma_wait3A_130 = tpu.memref_squeeze %dma_wait3A_129 : memref<1x128xi32, #tpu.memory_space<vmem>> -> memref<128xi32, #tpu.memory_space<vmem>>
      %dma_wait3A_131 = arith.constant 0 : i32
      %dma_wait3A_132 = tpu.memref_slice %arg14[%dma_wait3A_131] : memref<8192xf32, #tpu.memory_space<vmem_shared>> -> memref<8192xf32, #tpu.memory_space<vmem_shared>>
      tpu.wait_indirect_dma semaphore(%run_scoped3A_122 : memref<!tpu.dma_semaphore, #tpu.memory_space<semaphore_mem>>) src(%arg12 : memref<128xf32, #tpu.memory_space<vmem>>) dst(%dma_wait3A_132 : memref<8192xf32, #tpu.memory_space<vmem_shared>>)
      tpu.yield
    }) : () -> ()
    %run_scoped3A_25 = arith.constant 3 : i32
    "tpu.region"() ({
      %run_scoped3A_122 = tpu.sem_alloc : memref<!tpu.dma_semaphore, #tpu.memory_space<semaphore_mem>>
      %dma_start3A_123 = arith.constant 0 : i32
      %dma_start3A_124 = tpu.memref_slice %arg9[%run_scoped3A_25, %dma_start3A_123] : memref<4x128xi32, #tpu.memory_space<vmem>> -> memref<1x128xi32, #tpu.memory_space<vmem>>
      %dma_start3A_125 = tpu.memref_squeeze %dma_start3A_124 : memref<1x128xi32, #tpu.memory_space<vmem>> -> memref<128xi32, #tpu.memory_space<vmem>>
      %dma_start3A_126 = arith.constant 0 : i32
      %dma_start3A_127 = tpu.memref_slice %arg14[%dma_start3A_126] : memref<8192xf32, #tpu.memory_space<vmem_shared>> -> memref<8192xf32, #tpu.memory_space<vmem_shared>>
      tpu.enqueue_indirect_dma source(%arg12 : memref<128xf32, #tpu.memory_space<vmem>>) target(%dma_start3A_127 : memref<8192xf32, #tpu.memory_space<vmem_shared>>) offsets(%dma_start3A_125 : memref<128xi32, #tpu.memory_space<vmem>>) semaphore(%run_scoped3A_122 : memref<!tpu.dma_semaphore, #tpu.memory_space<semaphore_mem>>) {add = true}
      %dma_wait3A_128 = arith.constant 0 : i32
      %dma_wait3A_129 = tpu.memref_slice %arg9[%run_scoped3A_25, %dma_wait3A_128] : memref<4x128xi32, #tpu.memory_space<vmem>> -> memref<1x128xi32, #tpu.memory_space<vmem>>
      %dma_wait3A_130 = tpu.memref_squeeze %dma_wait3A_129 : memref<1x128xi32, #tpu.memory_space<vmem>> -> memref<128xi32, #tpu.memory_space<vmem>>
      %dma_wait3A_131 = arith.constant 0 : i32
      %dma_wait3A_132 = tpu.memref_slice %arg14[%dma_wait3A_131] : memref<8192xf32, #tpu.memory_space<vmem_shared>> -> memref<8192xf32, #tpu.memory_space<vmem_shared>>
      tpu.wait_indirect_dma semaphore(%run_scoped3A_122 : memref<!tpu.dma_semaphore, #tpu.memory_space<semaphore_mem>>) src(%arg12 : memref<128xf32, #tpu.memory_space<vmem>>) dst(%dma_wait3A_132 : memref<8192xf32, #tpu.memory_space<vmem_shared>>)
      tpu.yield
    }) : () -> ()
    %broadcast_in_dim3A = arith.constant 0.000000e+00 : f32
    %broadcast_in_dim3A_26 = vector.broadcast %broadcast_in_dim3A : f32 to vector<16xf32>
    %add3A_27 = arith.constant 0 : i32
    %add3A_28 = arith.addi %mul3A_2, %add3A_27 : i32
    %dma_start3A = arith.constant 0 : i32
    %dma_start3A_29 = arith.constant 0 : i32
    %dma_start3A_30 = tpu.memref_slice %arg9[%dma_start3A, %dma_start3A_29] : memref<4x128xi32, #tpu.memory_space<vmem>> -> memref<1x128xi32, #tpu.memory_space<vmem>>
    %dma_start3A_31 = tpu.memref_squeeze %dma_start3A_30 : memref<1x128xi32, #tpu.memory_space<vmem>> -> memref<128xi32, #tpu.memory_space<vmem>>
    %dma_start3A_32 = arith.constant 0 : i32
    %dma_start3A_33 = arith.constant 0 : i32
    %dma_start3A_34 = tpu.memref_slice %arg3[%dma_start3A_32, %dma_start3A_33] : memref<8192x256xf32, #tpu.memory_space<hbm>> -> memref<8192x256xf32, #tpu.memory_space<hbm>>
    tpu.enqueue_indirect_dma source(%dma_start3A_34 : memref<8192x256xf32, #tpu.memory_space<hbm>>) target(%arg10 : memref<128x256xf32, #tpu.memory_space<vmem>>) offsets(%dma_start3A_31 : memref<128xi32, #tpu.memory_space<vmem>>) semaphore(%arg15 : memref<!tpu.dma_semaphore, #tpu.memory_space<semaphore_mem>>)
    "tpu.region"() ({
      %run_scoped3A_122 = tpu.sem_alloc : memref<!tpu.dma_semaphore, #tpu.memory_space<semaphore_mem>>
      %dma_start3A_123 = arith.constant 0 : i32
      %dma_start3A_124 = tpu.memref_slice %arg2[%add3A_28, %dma_start3A_123] : memref<16384x256xf32, #tpu.memory_space<hbm>> -> memref<128x256xf32, #tpu.memory_space<hbm>>
      %dma_start3A_125 = arith.constant 0 : i32
      %dma_start3A_126 = tpu.memref_slice %arg2[%add3A_28, %dma_start3A_125] : memref<16384x256xf32, #tpu.memory_space<hbm>> -> memref<128x256xf32, #tpu.memory_space<hbm>>
      tpu.enqueue_dma source(%dma_start3A_126 : memref<128x256xf32, #tpu.memory_space<hbm>>) target(%arg11 : memref<128x256xf32, #tpu.memory_space<vmem>>) target_semaphore(%run_scoped3A_122 : memref<!tpu.dma_semaphore, #tpu.memory_space<semaphore_mem>>)
      %dma_wait3A_127 = arith.constant 0 : i32
      %dma_wait3A_128 = tpu.memref_slice %arg2[%add3A_28, %dma_wait3A_127] : memref<16384x256xf32, #tpu.memory_space<hbm>> -> memref<128x256xf32, #tpu.memory_space<hbm>>
      %dma_wait3A_129 = arith.constant 0 : i32
      %dma_wait3A_130 = tpu.memref_slice %arg2[%add3A_28, %dma_wait3A_129] : memref<16384x256xf32, #tpu.memory_space<hbm>> -> memref<128x256xf32, #tpu.memory_space<hbm>>
      tpu.wait_dma2 semaphore(%run_scoped3A_122 : memref<!tpu.dma_semaphore, #tpu.memory_space<semaphore_mem>>) src(%dma_wait3A_130 : memref<128x256xf32, #tpu.memory_space<hbm>>) dst(%arg11 : memref<128x256xf32, #tpu.memory_space<vmem>>)
      tpu.yield
    }) : () -> ()
    %dma_wait3A = arith.constant 0 : i32
    %dma_wait3A_35 = arith.constant 0 : i32
    %dma_wait3A_36 = tpu.memref_slice %arg9[%dma_wait3A, %dma_wait3A_35] : memref<4x128xi32, #tpu.memory_space<vmem>> -> memref<1x128xi32, #tpu.memory_space<vmem>>
    %dma_wait3A_37 = tpu.memref_squeeze %dma_wait3A_36 : memref<1x128xi32, #tpu.memory_space<vmem>> -> memref<128xi32, #tpu.memory_space<vmem>>
    %dma_wait3A_38 = arith.constant 0 : i32
    %dma_wait3A_39 = arith.constant 0 : i32
    %dma_wait3A_40 = tpu.memref_slice %arg3[%dma_wait3A_38, %dma_wait3A_39] : memref<8192x256xf32, #tpu.memory_space<hbm>> -> memref<8192x256xf32, #tpu.memory_space<hbm>>
    tpu.wait_indirect_dma semaphore(%arg15 : memref<!tpu.dma_semaphore, #tpu.memory_space<semaphore_mem>>) src(%dma_wait3A_40 : memref<8192x256xf32, #tpu.memory_space<hbm>>) dst(%arg10 : memref<128x256xf32, #tpu.memory_space<vmem>>)
    %scan3A_41 = arith.constant 0 : i32
    %scan3A_42 = arith.constant 128 : i32
    %scan3A_43 = arith.addi %scan3A_41, %scan3A_42 : i32
    %scan3A_44 = arith.constant 1 : i32
    %scan3A_45 = scf.for %scan3A_122 = %scan3A_41 to %scan3A_43 step %scan3A_44 iter_args(%scan3A_123 = %broadcast_in_dim3A_26) -> (vector<16xf32>)  : i32 {
      %get3A = arith.index_cast %scan3A_122 : i32 to index
      %get3A_124 = arith.constant 0 : index
      %get3A_125 = tpu.vector_load %arg11[%get3A, %get3A_124] {strides = array<i32>} : memref<128x256xf32, #tpu.memory_space<vmem>>, vector<1x16xf32>,
      %get3A_126 = vector.shape_cast %get3A_125 : vector<1x16xf32> to vector<16xf32>
      %get3A_127 = arith.index_cast %scan3A_122 : i32 to index
      %get3A_128 = arith.constant 0 : index
      %get3A_129 = tpu.vector_load %arg10[%get3A_127, %get3A_128] {strides = array<i32>} : memref<128x256xf32, #tpu.memory_space<vmem>>, vector<1x16xf32>,
      %get3A_130 = vector.shape_cast %get3A_129 : vector<1x16xf32> to vector<16xf32>
      %sub3A = arith.subf %get3A_130, %get3A_126 : vector<16xf32>
      %add3A_131 = arith.addf %get3A_126, %sub3A : vector<16xf32>
      %swap3A_132 = arith.index_cast %scan3A_122 : i32 to index
      %swap3A_133 = arith.constant 0 : index
      %swap3A_134 = tpu.vector_load %arg10[%swap3A_132, %swap3A_133] {strides = array<i32>} : memref<128x256xf32, #tpu.memory_space<vmem>>, vector<1x16xf32>,
      %swap3A_135 = vector.shape_cast %swap3A_134 : vector<1x16xf32> to vector<16xf32>
      %swap3A_136 = vector.shape_cast %add3A_131 : vector<16xf32> to vector<1x16xf32>
      tpu.vector_store %arg10[%swap3A_132, %swap3A_133], %swap3A_136 {strides = array<i32>} : memref<128x256xf32, #tpu.memory_space<vmem>>, vector<1x16xf32>,
      %mul3A_137 = arith.mulf %sub3A, %sub3A : vector<16xf32>
      %add3A_138 = arith.addf %scan3A_123, %mul3A_137 : vector<16xf32>
      %get3A_139 = arith.index_cast %scan3A_122 : i32 to index
      %get3A_140 = arith.constant 16 : index
      %get3A_141 = tpu.vector_load %arg11[%get3A_139, %get3A_140] {strides = array<i32>} : memref<128x256xf32, #tpu.memory_space<vmem>>, vector<1x16xf32>,
      %get3A_142 = vector.shape_cast %get3A_141 : vector<1x16xf32> to vector<16xf32>
      %get3A_143 = arith.index_cast %scan3A_122 : i32 to index
      %get3A_144 = arith.constant 16 : index
      %get3A_145 = tpu.vector_load %arg10[%get3A_143, %get3A_144] {strides = array<i32>} : memref<128x256xf32, #tpu.memory_space<vmem>>, vector<1x16xf32>,
      %get3A_146 = vector.shape_cast %get3A_145 : vector<1x16xf32> to vector<16xf32>
      %sub3A_147 = arith.subf %get3A_146, %get3A_142 : vector<16xf32>
      %add3A_148 = arith.addf %get3A_142, %sub3A_147 : vector<16xf32>
      %swap3A_149 = arith.index_cast %scan3A_122 : i32 to index
      %swap3A_150 = arith.constant 16 : index
      %swap3A_151 = tpu.vector_load %arg10[%swap3A_149, %swap3A_150] {strides = array<i32>} : memref<128x256xf32, #tpu.memory_space<vmem>>, vector<1x16xf32>,
      %swap3A_152 = vector.shape_cast %swap3A_151 : vector<1x16xf32> to vector<16xf32>
      %swap3A_153 = vector.shape_cast %add3A_148 : vector<16xf32> to vector<1x16xf32>
      tpu.vector_store %arg10[%swap3A_149, %swap3A_150], %swap3A_153 {strides = array<i32>} : memref<128x256xf32, #tpu.memory_space<vmem>>, vector<1x16xf32>,
      %mul3A_154 = arith.mulf %sub3A_147, %sub3A_147 : vector<16xf32>
      %add3A_155 = arith.addf %add3A_138, %mul3A_154 : vector<16xf32>
      %get3A_156 = arith.index_cast %scan3A_122 : i32 to index
      %get3A_157 = arith.constant 32 : index
      %get3A_158 = tpu.vector_load %arg11[%get3A_156, %get3A_157] {strides = array<i32>} : memref<128x256xf32, #tpu.memory_space<vmem>>, vector<1x16xf32>,
      %get3A_159 = vector.shape_cast %get3A_158 : vector<1x16xf32> to vector<16xf32>
      %get3A_160 = arith.index_cast %scan3A_122 : i32 to index
      %get3A_161 = arith.constant 32 : index
      %get3A_162 = tpu.vector_load %arg10[%get3A_160, %get3A_161] {strides = array<i32>} : memref<128x256xf32, #tpu.memory_space<vmem>>, vector<1x16xf32>,
      %get3A_163 = vector.shape_cast %get3A_162 : vector<1x16xf32> to vector<16xf32>
      %sub3A_164 = arith.subf %get3A_163, %get3A_159 : vector<16xf32>
      %add3A_165 = arith.addf %get3A_159, %sub3A_164 : vector<16xf32>
      %swap3A_166 = arith.index_cast %scan3A_122 : i32 to index
      %swap3A_167 = arith.constant 32 : index
      %swap3A_168 = tpu.vector_load %arg10[%swap3A_166, %swap3A_167] {strides = array<i32>} : memref<128x256xf32, #tpu.memory_space<vmem>>, vector<1x16xf32>,
      %swap3A_169 = vector.shape_cast %swap3A_168 : vector<1x16xf32> to vector<16xf32>
      %swap3A_170 = vector.shape_cast %add3A_165 : vector<16xf32> to vector<1x16xf32>
      tpu.vector_store %arg10[%swap3A_166, %swap3A_167], %swap3A_170 {strides = array<i32>} : memref<128x256xf32, #tpu.memory_space<vmem>>, vector<1x16xf32>,
      %mul3A_171 = arith.mulf %sub3A_164, %sub3A_164 : vector<16xf32>
      %add3A_172 = arith.addf %add3A_155, %mul3A_171 : vector<16xf32>
      %get3A_173 = arith.index_cast %scan3A_122 : i32 to index
      %get3A_174 = arith.constant 48 : index
      %get3A_175 = tpu.vector_load %arg11[%get3A_173, %get3A_174] {strides = array<i32>} : memref<128x256xf32, #tpu.memory_space<vmem>>, vector<1x16xf32>,
      %get3A_176 = vector.shape_cast %get3A_175 : vector<1x16xf32> to vector<16xf32>
      %get3A_177 = arith.index_cast %scan3A_122 : i32 to index
      %get3A_178 = arith.constant 48 : index
      %get3A_179 = tpu.vector_load %arg10[%get3A_177, %get3A_178] {strides = array<i32>} : memref<128x256xf32, #tpu.memory_space<vmem>>, vector<1x16xf32>,
      %get3A_180 = vector.shape_cast %get3A_179 : vector<1x16xf32> to vector<16xf32>
      %sub3A_181 = arith.subf %get3A_180, %get3A_176 : vector<16xf32>
      %add3A_182 = arith.addf %get3A_176, %sub3A_181 : vector<16xf32>
      %swap3A_183 = arith.index_cast %scan3A_122 : i32 to index
      %swap3A_184 = arith.constant 48 : index
      %swap3A_185 = tpu.vector_load %arg10[%swap3A_183, %swap3A_184] {strides = array<i32>} : memref<128x256xf32, #tpu.memory_space<vmem>>, vector<1x16xf32>,
      %swap3A_186 = vector.shape_cast %swap3A_185 : vector<1x16xf32> to vector<16xf32>
      %swap3A_187 = vector.shape_cast %add3A_182 : vector<16xf32> to vector<1x16xf32>
      tpu.vector_store %arg10[%swap3A_183, %swap3A_184], %swap3A_187 {strides = array<i32>} : memref<128x256xf32, #tpu.memory_space<vmem>>, vector<1x16xf32>,
      %mul3A_188 = arith.mulf %sub3A_181, %sub3A_181 : vector<16xf32>
      %add3A_189 = arith.addf %add3A_172, %mul3A_188 : vector<16xf32>
      %get3A_190 = arith.index_cast %scan3A_122 : i32 to index
      %get3A_191 = arith.constant 64 : index
      %get3A_192 = tpu.vector_load %arg11[%get3A_190, %get3A_191] {strides = array<i32>} : memref<128x256xf32, #tpu.memory_space<vmem>>, vector<1x16xf32>,
      %get3A_193 = vector.shape_cast %get3A_192 : vector<1x16xf32> to vector<16xf32>
      %get3A_194 = arith.index_cast %scan3A_122 : i32 to index
      %get3A_195 = arith.constant 64 : index
      %get3A_196 = tpu.vector_load %arg10[%get3A_194, %get3A_195] {strides = array<i32>} : memref<128x256xf32, #tpu.memory_space<vmem>>, vector<1x16xf32>,
      %get3A_197 = vector.shape_cast %get3A_196 : vector<1x16xf32> to vector<16xf32>
      %sub3A_198 = arith.subf %get3A_197, %get3A_193 : vector<16xf32>
      %add3A_199 = arith.addf %get3A_193, %sub3A_198 : vector<16xf32>
      %swap3A_200 = arith.index_cast %scan3A_122 : i32 to index
      %swap3A_201 = arith.constant 64 : index
      %swap3A_202 = tpu.vector_load %arg10[%swap3A_200, %swap3A_201] {strides = array<i32>} : memref<128x256xf32, #tpu.memory_space<vmem>>, vector<1x16xf32>,
      %swap3A_203 = vector.shape_cast %swap3A_202 : vector<1x16xf32> to vector<16xf32>
      %swap3A_204 = vector.shape_cast %add3A_199 : vector<16xf32> to vector<1x16xf32>
      tpu.vector_store %arg10[%swap3A_200, %swap3A_201], %swap3A_204 {strides = array<i32>} : memref<128x256xf32, #tpu.memory_space<vmem>>, vector<1x16xf32>,
      %mul3A_205 = arith.mulf %sub3A_198, %sub3A_198 : vector<16xf32>
      %add3A_206 = arith.addf %add3A_189, %mul3A_205 : vector<16xf32>
      %get3A_207 = arith.index_cast %scan3A_122 : i32 to index
      %get3A_208 = arith.constant 80 : index
      %get3A_209 = tpu.vector_load %arg11[%get3A_207, %get3A_208] {strides = array<i32>} : memref<128x256xf32, #tpu.memory_space<vmem>>, vector<1x16xf32>,
      %get3A_210 = vector.shape_cast %get3A_209 : vector<1x16xf32> to vector<16xf32>
      %get3A_211 = arith.index_cast %scan3A_122 : i32 to index
      %get3A_212 = arith.constant 80 : index
      %get3A_213 = tpu.vector_load %arg10[%get3A_211, %get3A_212] {strides = array<i32>} : memref<128x256xf32, #tpu.memory_space<vmem>>, vector<1x16xf32>,
      %get3A_214 = vector.shape_cast %get3A_213 : vector<1x16xf32> to vector<16xf32>
      %sub3A_215 = arith.subf %get3A_214, %get3A_210 : vector<16xf32>
      %add3A_216 = arith.addf %get3A_210, %sub3A_215 : vector<16xf32>
      %swap3A_217 = arith.index_cast %scan3A_122 : i32 to index
      %swap3A_218 = arith.constant 80 : index
      %swap3A_219 = tpu.vector_load %arg10[%swap3A_217, %swap3A_218] {strides = array<i32>} : memref<128x256xf32, #tpu.memory_space<vmem>>, vector<1x16xf32>,
      %swap3A_220 = vector.shape_cast %swap3A_219 : vector<1x16xf32> to vector<16xf32>
      %swap3A_221 = vector.shape_cast %add3A_216 : vector<16xf32> to vector<1x16xf32>
      tpu.vector_store %arg10[%swap3A_217, %swap3A_218], %swap3A_221 {strides = array<i32>} : memref<128x256xf32, #tpu.memory_space<vmem>>, vector<1x16xf32>,
      %mul3A_222 = arith.mulf %sub3A_215, %sub3A_215 : vector<16xf32>
      %add3A_223 = arith.addf %add3A_206, %mul3A_222 : vector<16xf32>
      %get3A_224 = arith.index_cast %scan3A_122 : i32 to index
      %get3A_225 = arith.constant 96 : index
      %get3A_226 = tpu.vector_load %arg11[%get3A_224, %get3A_225] {strides = array<i32>} : memref<128x256xf32, #tpu.memory_space<vmem>>, vector<1x16xf32>,
      %get3A_227 = vector.shape_cast %get3A_226 : vector<1x16xf32> to vector<16xf32>
      %get3A_228 = arith.index_cast %scan3A_122 : i32 to index
      %get3A_229 = arith.constant 96 : index
      %get3A_230 = tpu.vector_load %arg10[%get3A_228, %get3A_229] {strides = array<i32>} : memref<128x256xf32, #tpu.memory_space<vmem>>, vector<1x16xf32>,
      %get3A_231 = vector.shape_cast %get3A_230 : vector<1x16xf32> to vector<16xf32>
      %sub3A_232 = arith.subf %get3A_231, %get3A_227 : vector<16xf32>
      %add3A_233 = arith.addf %get3A_227, %sub3A_232 : vector<16xf32>
      %swap3A_234 = arith.index_cast %scan3A_122 : i32 to index
      %swap3A_235 = arith.constant 96 : index
      %swap3A_236 = tpu.vector_load %arg10[%swap3A_234, %swap3A_235] {strides = array<i32>} : memref<128x256xf32, #tpu.memory_space<vmem>>, vector<1x16xf32>,
      %swap3A_237 = vector.shape_cast %swap3A_236 : vector<1x16xf32> to vector<16xf32>
      %swap3A_238 = vector.shape_cast %add3A_233 : vector<16xf32> to vector<1x16xf32>
      tpu.vector_store %arg10[%swap3A_234, %swap3A_235], %swap3A_238 {strides = array<i32>} : memref<128x256xf32, #tpu.memory_space<vmem>>, vector<1x16xf32>,
      %mul3A_239 = arith.mulf %sub3A_232, %sub3A_232 : vector<16xf32>
      %add3A_240 = arith.addf %add3A_223, %mul3A_239 : vector<16xf32>
      %get3A_241 = arith.index_cast %scan3A_122 : i32 to index
      %get3A_242 = arith.constant 112 : index
      %get3A_243 = tpu.vector_load %arg11[%get3A_241, %get3A_242] {strides = array<i32>} : memref<128x256xf32, #tpu.memory_space<vmem>>, vector<1x16xf32>,
      %get3A_244 = vector.shape_cast %get3A_243 : vector<1x16xf32> to vector<16xf32>
      %get3A_245 = arith.index_cast %scan3A_122 : i32 to index
      %get3A_246 = arith.constant 112 : index
      %get3A_247 = tpu.vector_load %arg10[%get3A_245, %get3A_246] {strides = array<i32>} : memref<128x256xf32, #tpu.memory_space<vmem>>, vector<1x16xf32>,
      %get3A_248 = vector.shape_cast %get3A_247 : vector<1x16xf32> to vector<16xf32>
      %sub3A_249 = arith.subf %get3A_248, %get3A_244 : vector<16xf32>
      %add3A_250 = arith.addf %get3A_244, %sub3A_249 : vector<16xf32>
      %swap3A_251 = arith.index_cast %scan3A_122 : i32 to index
      %swap3A_252 = arith.constant 112 : index
      %swap3A_253 = tpu.vector_load %arg10[%swap3A_251, %swap3A_252] {strides = array<i32>} : memref<128x256xf32, #tpu.memory_space<vmem>>, vector<1x16xf32>,
      %swap3A_254 = vector.shape_cast %swap3A_253 : vector<1x16xf32> to vector<16xf32>
      %swap3A_255 = vector.shape_cast %add3A_250 : vector<16xf32> to vector<1x16xf32>
      tpu.vector_store %arg10[%swap3A_251, %swap3A_252], %swap3A_255 {strides = array<i32>} : memref<128x256xf32, #tpu.memory_space<vmem>>, vector<1x16xf32>,
      %mul3A_256 = arith.mulf %sub3A_249, %sub3A_249 : vector<16xf32>
      %add3A_257 = arith.addf %add3A_240, %mul3A_256 : vector<16xf32>
      %get3A_258 = arith.index_cast %scan3A_122 : i32 to index
      %get3A_259 = arith.constant 128 : index
      %get3A_260 = tpu.vector_load %arg11[%get3A_258, %get3A_259] {strides = array<i32>} : memref<128x256xf32, #tpu.memory_space<vmem>>, vector<1x16xf32>,
      %get3A_261 = vector.shape_cast %get3A_260 : vector<1x16xf32> to vector<16xf32>
      %get3A_262 = arith.index_cast %scan3A_122 : i32 to index
      %get3A_263 = arith.constant 128 : index
      %get3A_264 = tpu.vector_load %arg10[%get3A_262, %get3A_263] {strides = array<i32>} : memref<128x256xf32, #tpu.memory_space<vmem>>, vector<1x16xf32>,
      %get3A_265 = vector.shape_cast %get3A_264 : vector<1x16xf32> to vector<16xf32>
      %sub3A_266 = arith.subf %get3A_265, %get3A_261 : vector<16xf32>
      %add3A_267 = arith.addf %get3A_261, %sub3A_266 : vector<16xf32>
      %swap3A_268 = arith.index_cast %scan3A_122 : i32 to index
      %swap3A_269 = arith.constant 128 : index
      %swap3A_270 = tpu.vector_load %arg10[%swap3A_268, %swap3A_269] {strides = array<i32>} : memref<128x256xf32, #tpu.memory_space<vmem>>, vector<1x16xf32>,
      %swap3A_271 = vector.shape_cast %swap3A_270 : vector<1x16xf32> to vector<16xf32>
      %swap3A_272 = vector.shape_cast %add3A_267 : vector<16xf32> to vector<1x16xf32>
      tpu.vector_store %arg10[%swap3A_268, %swap3A_269], %swap3A_272 {strides = array<i32>} : memref<128x256xf32, #tpu.memory_space<vmem>>, vector<1x16xf32>,
      %mul3A_273 = arith.mulf %sub3A_266, %sub3A_266 : vector<16xf32>
      %add3A_274 = arith.addf %add3A_257, %mul3A_273 : vector<16xf32>
      %get3A_275 = arith.index_cast %scan3A_122 : i32 to index
      %get3A_276 = arith.constant 144 : index
      %get3A_277 = tpu.vector_load %arg11[%get3A_275, %get3A_276] {strides = array<i32>} : memref<128x256xf32, #tpu.memory_space<vmem>>, vector<1x16xf32>,
      %get3A_278 = vector.shape_cast %get3A_277 : vector<1x16xf32> to vector<16xf32>
      %get3A_279 = arith.index_cast %scan3A_122 : i32 to index
      %get3A_280 = arith.constant 144 : index
      %get3A_281 = tpu.vector_load %arg10[%get3A_279, %get3A_280] {strides = array<i32>} : memref<128x256xf32, #tpu.memory_space<vmem>>, vector<1x16xf32>,
      %get3A_282 = vector.shape_cast %get3A_281 : vector<1x16xf32> to vector<16xf32>
      %sub3A_283 = arith.subf %get3A_282, %get3A_278 : vector<16xf32>
      %add3A_284 = arith.addf %get3A_278, %sub3A_283 : vector<16xf32>
      %swap3A_285 = arith.index_cast %scan3A_122 : i32 to index
      %swap3A_286 = arith.constant 144 : index
      %swap3A_287 = tpu.vector_load %arg10[%swap3A_285, %swap3A_286] {strides = array<i32>} : memref<128x256xf32, #tpu.memory_space<vmem>>, vector<1x16xf32>,
      %swap3A_288 = vector.shape_cast %swap3A_287 : vector<1x16xf32> to vector<16xf32>
      %swap3A_289 = vector.shape_cast %add3A_284 : vector<16xf32> to vector<1x16xf32>
      tpu.vector_store %arg10[%swap3A_285, %swap3A_286], %swap3A_289 {strides = array<i32>} : memref<128x256xf32, #tpu.memory_space<vmem>>, vector<1x16xf32>,
      %mul3A_290 = arith.mulf %sub3A_283, %sub3A_283 : vector<16xf32>
      %add3A_291 = arith.addf %add3A_274, %mul3A_290 : vector<16xf32>
      %get3A_292 = arith.index_cast %scan3A_122 : i32 to index
      %get3A_293 = arith.constant 160 : index
      %get3A_294 = tpu.vector_load %arg11[%get3A_292, %get3A_293] {strides = array<i32>} : memref<128x256xf32, #tpu.memory_space<vmem>>, vector<1x16xf32>,
      %get3A_295 = vector.shape_cast %get3A_294 : vector<1x16xf32> to vector<16xf32>
      %get3A_296 = arith.index_cast %scan3A_122 : i32 to index
      %get3A_297 = arith.constant 160 : index
      %get3A_298 = tpu.vector_load %arg10[%get3A_296, %get3A_297] {strides = array<i32>} : memref<128x256xf32, #tpu.memory_space<vmem>>, vector<1x16xf32>,
      %get3A_299 = vector.shape_cast %get3A_298 : vector<1x16xf32> to vector<16xf32>
      %sub3A_300 = arith.subf %get3A_299, %get3A_295 : vector<16xf32>
      %add3A_301 = arith.addf %get3A_295, %sub3A_300 : vector<16xf32>
      %swap3A_302 = arith.index_cast %scan3A_122 : i32 to index
      %swap3A_303 = arith.constant 160 : index
      %swap3A_304 = tpu.vector_load %arg10[%swap3A_302, %swap3A_303] {strides = array<i32>} : memref<128x256xf32, #tpu.memory_space<vmem>>, vector<1x16xf32>,
      %swap3A_305 = vector.shape_cast %swap3A_304 : vector<1x16xf32> to vector<16xf32>
      %swap3A_306 = vector.shape_cast %add3A_301 : vector<16xf32> to vector<1x16xf32>
      tpu.vector_store %arg10[%swap3A_302, %swap3A_303], %swap3A_306 {strides = array<i32>} : memref<128x256xf32, #tpu.memory_space<vmem>>, vector<1x16xf32>,
      %mul3A_307 = arith.mulf %sub3A_300, %sub3A_300 : vector<16xf32>
      %add3A_308 = arith.addf %add3A_291, %mul3A_307 : vector<16xf32>
      %get3A_309 = arith.index_cast %scan3A_122 : i32 to index
      %get3A_310 = arith.constant 176 : index
      %get3A_311 = tpu.vector_load %arg11[%get3A_309, %get3A_310] {strides = array<i32>} : memref<128x256xf32, #tpu.memory_space<vmem>>, vector<1x16xf32>,
      %get3A_312 = vector.shape_cast %get3A_311 : vector<1x16xf32> to vector<16xf32>
      %get3A_313 = arith.index_cast %scan3A_122 : i32 to index
      %get3A_314 = arith.constant 176 : index
      %get3A_315 = tpu.vector_load %arg10[%get3A_313, %get3A_314] {strides = array<i32>} : memref<128x256xf32, #tpu.memory_space<vmem>>, vector<1x16xf32>,
      %get3A_316 = vector.shape_cast %get3A_315 : vector<1x16xf32> to vector<16xf32>
      %sub3A_317 = arith.subf %get3A_316, %get3A_312 : vector<16xf32>
      %add3A_318 = arith.addf %get3A_312, %sub3A_317 : vector<16xf32>
      %swap3A_319 = arith.index_cast %scan3A_122 : i32 to index
      %swap3A_320 = arith.constant 176 : index
      %swap3A_321 = tpu.vector_load %arg10[%swap3A_319, %swap3A_320] {strides = array<i32>} : memref<128x256xf32, #tpu.memory_space<vmem>>, vector<1x16xf32>,
      %swap3A_322 = vector.shape_cast %swap3A_321 : vector<1x16xf32> to vector<16xf32>
      %swap3A_323 = vector.shape_cast %add3A_318 : vector<16xf32> to vector<1x16xf32>
      tpu.vector_store %arg10[%swap3A_319, %swap3A_320], %swap3A_323 {strides = array<i32>} : memref<128x256xf32, #tpu.memory_space<vmem>>, vector<1x16xf32>,
      %mul3A_324 = arith.mulf %sub3A_317, %sub3A_317 : vector<16xf32>
      %add3A_325 = arith.addf %add3A_308, %mul3A_324 : vector<16xf32>
      %get3A_326 = arith.index_cast %scan3A_122 : i32 to index
      %get3A_327 = arith.constant 192 : index
      %get3A_328 = tpu.vector_load %arg11[%get3A_326, %get3A_327] {strides = array<i32>} : memref<128x256xf32, #tpu.memory_space<vmem>>, vector<1x16xf32>,
      %get3A_329 = vector.shape_cast %get3A_328 : vector<1x16xf32> to vector<16xf32>
      %get3A_330 = arith.index_cast %scan3A_122 : i32 to index
      %get3A_331 = arith.constant 192 : index
      %get3A_332 = tpu.vector_load %arg10[%get3A_330, %get3A_331] {strides = array<i32>} : memref<128x256xf32, #tpu.memory_space<vmem>>, vector<1x16xf32>,
      %get3A_333 = vector.shape_cast %get3A_332 : vector<1x16xf32> to vector<16xf32>
      %sub3A_334 = arith.subf %get3A_333, %get3A_329 : vector<16xf32>
      %add3A_335 = arith.addf %get3A_329, %sub3A_334 : vector<16xf32>
      %swap3A_336 = arith.index_cast %scan3A_122 : i32 to index
      %swap3A_337 = arith.constant 192 : index
      %swap3A_338 = tpu.vector_load %arg10[%swap3A_336, %swap3A_337] {strides = array<i32>} : memref<128x256xf32, #tpu.memory_space<vmem>>, vector<1x16xf32>,
      %swap3A_339 = vector.shape_cast %swap3A_338 : vector<1x16xf32> to vector<16xf32>
      %swap3A_340 = vector.shape_cast %add3A_335 : vector<16xf32> to vector<1x16xf32>
      tpu.vector_store %arg10[%swap3A_336, %swap3A_337], %swap3A_340 {strides = array<i32>} : memref<128x256xf32, #tpu.memory_space<vmem>>, vector<1x16xf32>,
      %mul3A_341 = arith.mulf %sub3A_334, %sub3A_334 : vector<16xf32>
      %add3A_342 = arith.addf %add3A_325, %mul3A_341 : vector<16xf32>
      %get3A_343 = arith.index_cast %scan3A_122 : i32 to index
      %get3A_344 = arith.constant 208 : index
      %get3A_345 = tpu.vector_load %arg11[%get3A_343, %get3A_344] {strides = array<i32>} : memref<128x256xf32, #tpu.memory_space<vmem>>, vector<1x16xf32>,
      %get3A_346 = vector.shape_cast %get3A_345 : vector<1x16xf32> to vector<16xf32>
      %get3A_347 = arith.index_cast %scan3A_122 : i32 to index
      %get3A_348 = arith.constant 208 : index
      %get3A_349 = tpu.vector_load %arg10[%get3A_347, %get3A_348] {strides = array<i32>} : memref<128x256xf32, #tpu.memory_space<vmem>>, vector<1x16xf32>,
      %get3A_350 = vector.shape_cast %get3A_349 : vector<1x16xf32> to vector<16xf32>
      %sub3A_351 = arith.subf %get3A_350, %get3A_346 : vector<16xf32>
      %add3A_352 = arith.addf %get3A_346, %sub3A_351 : vector<16xf32>
      %swap3A_353 = arith.index_cast %scan3A_122 : i32 to index
      %swap3A_354 = arith.constant 208 : index
      %swap3A_355 = tpu.vector_load %arg10[%swap3A_353, %swap3A_354] {strides = array<i32>} : memref<128x256xf32, #tpu.memory_space<vmem>>, vector<1x16xf32>,
      %swap3A_356 = vector.shape_cast %swap3A_355 : vector<1x16xf32> to vector<16xf32>
      %swap3A_357 = vector.shape_cast %add3A_352 : vector<16xf32> to vector<1x16xf32>
      tpu.vector_store %arg10[%swap3A_353, %swap3A_354], %swap3A_357 {strides = array<i32>} : memref<128x256xf32, #tpu.memory_space<vmem>>, vector<1x16xf32>,
      %mul3A_358 = arith.mulf %sub3A_351, %sub3A_351 : vector<16xf32>
      %add3A_359 = arith.addf %add3A_342, %mul3A_358 : vector<16xf32>
      %get3A_360 = arith.index_cast %scan3A_122 : i32 to index
      %get3A_361 = arith.constant 224 : index
      %get3A_362 = tpu.vector_load %arg11[%get3A_360, %get3A_361] {strides = array<i32>} : memref<128x256xf32, #tpu.memory_space<vmem>>, vector<1x16xf32>,
      %get3A_363 = vector.shape_cast %get3A_362 : vector<1x16xf32> to vector<16xf32>
      %get3A_364 = arith.index_cast %scan3A_122 : i32 to index
      %get3A_365 = arith.constant 224 : index
      %get3A_366 = tpu.vector_load %arg10[%get3A_364, %get3A_365] {strides = array<i32>} : memref<128x256xf32, #tpu.memory_space<vmem>>, vector<1x16xf32>,
      %get3A_367 = vector.shape_cast %get3A_366 : vector<1x16xf32> to vector<16xf32>
      %sub3A_368 = arith.subf %get3A_367, %get3A_363 : vector<16xf32>
      %add3A_369 = arith.addf %get3A_363, %sub3A_368 : vector<16xf32>
      %swap3A_370 = arith.index_cast %scan3A_122 : i32 to index
      %swap3A_371 = arith.constant 224 : index
      %swap3A_372 = tpu.vector_load %arg10[%swap3A_370, %swap3A_371] {strides = array<i32>} : memref<128x256xf32, #tpu.memory_space<vmem>>, vector<1x16xf32>,
      %swap3A_373 = vector.shape_cast %swap3A_372 : vector<1x16xf32> to vector<16xf32>
      %swap3A_374 = vector.shape_cast %add3A_369 : vector<16xf32> to vector<1x16xf32>
      tpu.vector_store %arg10[%swap3A_370, %swap3A_371], %swap3A_374 {strides = array<i32>} : memref<128x256xf32, #tpu.memory_space<vmem>>, vector<1x16xf32>,
      %mul3A_375 = arith.mulf %sub3A_368, %sub3A_368 : vector<16xf32>
      %add3A_376 = arith.addf %add3A_359, %mul3A_375 : vector<16xf32>
      %get3A_377 = arith.index_cast %scan3A_122 : i32 to index
      %get3A_378 = arith.constant 240 : index
      %get3A_379 = tpu.vector_load %arg11[%get3A_377, %get3A_378] {strides = array<i32>} : memref<128x256xf32, #tpu.memory_space<vmem>>, vector<1x16xf32>,
      %get3A_380 = vector.shape_cast %get3A_379 : vector<1x16xf32> to vector<16xf32>
      %get3A_381 = arith.index_cast %scan3A_122 : i32 to index
      %get3A_382 = arith.constant 240 : index
      %get3A_383 = tpu.vector_load %arg10[%get3A_381, %get3A_382] {strides = array<i32>} : memref<128x256xf32, #tpu.memory_space<vmem>>, vector<1x16xf32>,
      %get3A_384 = vector.shape_cast %get3A_383 : vector<1x16xf32> to vector<16xf32>
      %sub3A_385 = arith.subf %get3A_384, %get3A_380 : vector<16xf32>
      %add3A_386 = arith.addf %get3A_380, %sub3A_385 : vector<16xf32>
      %swap3A_387 = arith.index_cast %scan3A_122 : i32 to index
      %swap3A_388 = arith.constant 240 : index
      %swap3A_389 = tpu.vector_load %arg10[%swap3A_387, %swap3A_388] {strides = array<i32>} : memref<128x256xf32, #tpu.memory_space<vmem>>, vector<1x16xf32>,
      %swap3A_390 = vector.shape_cast %swap3A_389 : vector<1x16xf32> to vector<16xf32>
      %swap3A_391 = vector.shape_cast %add3A_386 : vector<16xf32> to vector<1x16xf32>
      tpu.vector_store %arg10[%swap3A_387, %swap3A_388], %swap3A_391 {strides = array<i32>} : memref<128x256xf32, #tpu.memory_space<vmem>>, vector<1x16xf32>,
      %mul3A_392 = arith.mulf %sub3A_385, %sub3A_385 : vector<16xf32>
      %add3A_393 = arith.addf %add3A_376, %mul3A_392 : vector<16xf32>
      scf.yield %add3A_393 : vector<16xf32>
    }
    %scan3A_46 = arith.constant 128 : i32
    "tpu.region"() ({
      %run_scoped3A_122 = tpu.sem_alloc : memref<!tpu.dma_semaphore, #tpu.memory_space<semaphore_mem>>
      %dma_start3A_123 = arith.constant 0 : i32
      %dma_start3A_124 = tpu.memref_slice %arg6[%add3A_28, %dma_start3A_123] : memref<16384x256xf32, #tpu.memory_space<hbm>> -> memref<128x256xf32, #tpu.memory_space<hbm>>
      %dma_start3A_125 = arith.constant 0 : i32
      %dma_start3A_126 = tpu.memref_slice %arg6[%add3A_28, %dma_start3A_125] : memref<16384x256xf32, #tpu.memory_space<hbm>> -> memref<128x256xf32, #tpu.memory_space<hbm>>
      tpu.enqueue_dma source(%arg10 : memref<128x256xf32, #tpu.memory_space<vmem>>) target(%dma_start3A_126 : memref<128x256xf32, #tpu.memory_space<hbm>>) target_semaphore(%run_scoped3A_122 : memref<!tpu.dma_semaphore, #tpu.memory_space<semaphore_mem>>)
      %dma_wait3A_127 = arith.constant 0 : i32
      %dma_wait3A_128 = tpu.memref_slice %arg6[%add3A_28, %dma_wait3A_127] : memref<16384x256xf32, #tpu.memory_space<hbm>> -> memref<128x256xf32, #tpu.memory_space<hbm>>
      %dma_wait3A_129 = arith.constant 0 : i32
      %dma_wait3A_130 = tpu.memref_slice %arg6[%add3A_28, %dma_wait3A_129] : memref<16384x256xf32, #tpu.memory_space<hbm>> -> memref<128x256xf32, #tpu.memory_space<hbm>>
      tpu.wait_dma2 semaphore(%run_scoped3A_122 : memref<!tpu.dma_semaphore, #tpu.memory_space<semaphore_mem>>) src(%arg10 : memref<128x256xf32, #tpu.memory_space<vmem>>) dst(%dma_wait3A_130 : memref<128x256xf32, #tpu.memory_space<hbm>>)
      tpu.yield
    }) : () -> ()
    %add3A_47 = arith.constant 128 : i32
    %add3A_48 = arith.addi %mul3A_2, %add3A_47 : i32
    %dma_start3A_49 = arith.constant 1 : i32
    %dma_start3A_50 = arith.constant 0 : i32
    %dma_start3A_51 = tpu.memref_slice %arg9[%dma_start3A_49, %dma_start3A_50] : memref<4x128xi32, #tpu.memory_space<vmem>> -> memref<1x128xi32, #tpu.memory_space<vmem>>
    %dma_start3A_52 = tpu.memref_squeeze %dma_start3A_51 : memref<1x128xi32, #tpu.memory_space<vmem>> -> memref<128xi32, #tpu.memory_space<vmem>>
    %dma_start3A_53 = arith.constant 0 : i32
    %dma_start3A_54 = arith.constant 0 : i32
    %dma_start3A_55 = tpu.memref_slice %arg3[%dma_start3A_53, %dma_start3A_54] : memref<8192x256xf32, #tpu.memory_space<hbm>> -> memref<8192x256xf32, #tpu.memory_space<hbm>>
    tpu.enqueue_indirect_dma source(%dma_start3A_55 : memref<8192x256xf32, #tpu.memory_space<hbm>>) target(%arg10 : memref<128x256xf32, #tpu.memory_space<vmem>>) offsets(%dma_start3A_52 : memref<128xi32, #tpu.memory_space<vmem>>) semaphore(%arg15 : memref<!tpu.dma_semaphore, #tpu.memory_space<semaphore_mem>>)
    "tpu.region"() ({
      %run_scoped3A_122 = tpu.sem_alloc : memref<!tpu.dma_semaphore, #tpu.memory_space<semaphore_mem>>
      %dma_start3A_123 = arith.constant 0 : i32
      %dma_start3A_124 = tpu.memref_slice %arg2[%add3A_48, %dma_start3A_123] : memref<16384x256xf32, #tpu.memory_space<hbm>> -> memref<128x256xf32, #tpu.memory_space<hbm>>
      %dma_start3A_125 = arith.constant 0 : i32
      %dma_start3A_126 = tpu.memref_slice %arg2[%add3A_48, %dma_start3A_125] : memref<16384x256xf32, #tpu.memory_space<hbm>> -> memref<128x256xf32, #tpu.memory_space<hbm>>
      tpu.enqueue_dma source(%dma_start3A_126 : memref<128x256xf32, #tpu.memory_space<hbm>>) target(%arg11 : memref<128x256xf32, #tpu.memory_space<vmem>>) target_semaphore(%run_scoped3A_122 : memref<!tpu.dma_semaphore, #tpu.memory_space<semaphore_mem>>)
      %dma_wait3A_127 = arith.constant 0 : i32
      %dma_wait3A_128 = tpu.memref_slice %arg2[%add3A_48, %dma_wait3A_127] : memref<16384x256xf32, #tpu.memory_space<hbm>> -> memref<128x256xf32, #tpu.memory_space<hbm>>
      %dma_wait3A_129 = arith.constant 0 : i32
      %dma_wait3A_130 = tpu.memref_slice %arg2[%add3A_48, %dma_wait3A_129] : memref<16384x256xf32, #tpu.memory_space<hbm>> -> memref<128x256xf32, #tpu.memory_space<hbm>>
      tpu.wait_dma2 semaphore(%run_scoped3A_122 : memref<!tpu.dma_semaphore, #tpu.memory_space<semaphore_mem>>) src(%dma_wait3A_130 : memref<128x256xf32, #tpu.memory_space<hbm>>) dst(%arg11 : memref<128x256xf32, #tpu.memory_space<vmem>>)
      tpu.yield
    }) : () -> ()
    %dma_wait3A_56 = arith.constant 1 : i32
    %dma_wait3A_57 = arith.constant 0 : i32
    %dma_wait3A_58 = tpu.memref_slice %arg9[%dma_wait3A_56, %dma_wait3A_57] : memref<4x128xi32, #tpu.memory_space<vmem>> -> memref<1x128xi32, #tpu.memory_space<vmem>>
    %dma_wait3A_59 = tpu.memref_squeeze %dma_wait3A_58 : memref<1x128xi32, #tpu.memory_space<vmem>> -> memref<128xi32, #tpu.memory_space<vmem>>
    %dma_wait3A_60 = arith.constant 0 : i32
    %dma_wait3A_61 = arith.constant 0 : i32
    %dma_wait3A_62 = tpu.memref_slice %arg3[%dma_wait3A_60, %dma_wait3A_61] : memref<8192x256xf32, #tpu.memory_space<hbm>> -> memref<8192x256xf32, #tpu.memory_space<hbm>>
    tpu.wait_indirect_dma semaphore(%arg15 : memref<!tpu.dma_semaphore, #tpu.memory_space<semaphore_mem>>) src(%dma_wait3A_62 : memref<8192x256xf32, #tpu.memory_space<hbm>>) dst(%arg10 : memref<128x256xf32, #tpu.memory_space<vmem>>)
    %scan3A_63 = arith.constant 0 : i32
    %scan3A_64 = arith.constant 128 : i32
    %scan3A_65 = arith.addi %scan3A_63, %scan3A_64 : i32
    %scan3A_66 = arith.constant 1 : i32
    %scan3A_67 = scf.for %scan3A_122 = %scan3A_63 to %scan3A_65 step %scan3A_66 iter_args(%scan3A_123 = %scan3A_45) -> (vector<16xf32>)  : i32 {
      %get3A = arith.index_cast %scan3A_122 : i32 to index
      %get3A_124 = arith.constant 0 : index
      %get3A_125 = tpu.vector_load %arg11[%get3A, %get3A_124] {strides = array<i32>} : memref<128x256xf32, #tpu.memory_space<vmem>>, vector<1x16xf32>,
      %get3A_126 = vector.shape_cast %get3A_125 : vector<1x16xf32> to vector<16xf32>
      %get3A_127 = arith.index_cast %scan3A_122 : i32 to index
      %get3A_128 = arith.constant 0 : index
      %get3A_129 = tpu.vector_load %arg10[%get3A_127, %get3A_128] {strides = array<i32>} : memref<128x256xf32, #tpu.memory_space<vmem>>, vector<1x16xf32>,
      %get3A_130 = vector.shape_cast %get3A_129 : vector<1x16xf32> to vector<16xf32>
      %sub3A = arith.subf %get3A_130, %get3A_126 : vector<16xf32>
      %add3A_131 = arith.addf %get3A_126, %sub3A : vector<16xf32>
      %swap3A_132 = arith.index_cast %scan3A_122 : i32 to index
      %swap3A_133 = arith.constant 0 : index
      %swap3A_134 = tpu.vector_load %arg10[%swap3A_132, %swap3A_133] {strides = array<i32>} : memref<128x256xf32, #tpu.memory_space<vmem>>, vector<1x16xf32>,
      %swap3A_135 = vector.shape_cast %swap3A_134 : vector<1x16xf32> to vector<16xf32>
      %swap3A_136 = vector.shape_cast %add3A_131 : vector<16xf32> to vector<1x16xf32>
      tpu.vector_store %arg10[%swap3A_132, %swap3A_133], %swap3A_136 {strides = array<i32>} : memref<128x256xf32, #tpu.memory_space<vmem>>, vector<1x16xf32>,
      %mul3A_137 = arith.mulf %sub3A, %sub3A : vector<16xf32>
      %add3A_138 = arith.addf %scan3A_123, %mul3A_137 : vector<16xf32>
      %get3A_139 = arith.index_cast %scan3A_122 : i32 to index
      %get3A_140 = arith.constant 16 : index
      %get3A_141 = tpu.vector_load %arg11[%get3A_139, %get3A_140] {strides = array<i32>} : memref<128x256xf32, #tpu.memory_space<vmem>>, vector<1x16xf32>,
      %get3A_142 = vector.shape_cast %get3A_141 : vector<1x16xf32> to vector<16xf32>
      %get3A_143 = arith.index_cast %scan3A_122 : i32 to index
      %get3A_144 = arith.constant 16 : index
      %get3A_145 = tpu.vector_load %arg10[%get3A_143, %get3A_144] {strides = array<i32>} : memref<128x256xf32, #tpu.memory_space<vmem>>, vector<1x16xf32>,
      %get3A_146 = vector.shape_cast %get3A_145 : vector<1x16xf32> to vector<16xf32>
      %sub3A_147 = arith.subf %get3A_146, %get3A_142 : vector<16xf32>
      %add3A_148 = arith.addf %get3A_142, %sub3A_147 : vector<16xf32>
      %swap3A_149 = arith.index_cast %scan3A_122 : i32 to index
      %swap3A_150 = arith.constant 16 : index
      %swap3A_151 = tpu.vector_load %arg10[%swap3A_149, %swap3A_150] {strides = array<i32>} : memref<128x256xf32, #tpu.memory_space<vmem>>, vector<1x16xf32>,
      %swap3A_152 = vector.shape_cast %swap3A_151 : vector<1x16xf32> to vector<16xf32>
      %swap3A_153 = vector.shape_cast %add3A_148 : vector<16xf32> to vector<1x16xf32>
      tpu.vector_store %arg10[%swap3A_149, %swap3A_150], %swap3A_153 {strides = array<i32>} : memref<128x256xf32, #tpu.memory_space<vmem>>, vector<1x16xf32>,
      %mul3A_154 = arith.mulf %sub3A_147, %sub3A_147 : vector<16xf32>
      %add3A_155 = arith.addf %add3A_138, %mul3A_154 : vector<16xf32>
      %get3A_156 = arith.index_cast %scan3A_122 : i32 to index
      %get3A_157 = arith.constant 32 : index
      %get3A_158 = tpu.vector_load %arg11[%get3A_156, %get3A_157] {strides = array<i32>} : memref<128x256xf32, #tpu.memory_space<vmem>>, vector<1x16xf32>,
      %get3A_159 = vector.shape_cast %get3A_158 : vector<1x16xf32> to vector<16xf32>
      %get3A_160 = arith.index_cast %scan3A_122 : i32 to index
      %get3A_161 = arith.constant 32 : index
      %get3A_162 = tpu.vector_load %arg10[%get3A_160, %get3A_161] {strides = array<i32>} : memref<128x256xf32, #tpu.memory_space<vmem>>, vector<1x16xf32>,
      %get3A_163 = vector.shape_cast %get3A_162 : vector<1x16xf32> to vector<16xf32>
      %sub3A_164 = arith.subf %get3A_163, %get3A_159 : vector<16xf32>
      %add3A_165 = arith.addf %get3A_159, %sub3A_164 : vector<16xf32>
      %swap3A_166 = arith.index_cast %scan3A_122 : i32 to index
      %swap3A_167 = arith.constant 32 : index
      %swap3A_168 = tpu.vector_load %arg10[%swap3A_166, %swap3A_167] {strides = array<i32>} : memref<128x256xf32, #tpu.memory_space<vmem>>, vector<1x16xf32>,
      %swap3A_169 = vector.shape_cast %swap3A_168 : vector<1x16xf32> to vector<16xf32>
      %swap3A_170 = vector.shape_cast %add3A_165 : vector<16xf32> to vector<1x16xf32>
      tpu.vector_store %arg10[%swap3A_166, %swap3A_167], %swap3A_170 {strides = array<i32>} : memref<128x256xf32, #tpu.memory_space<vmem>>, vector<1x16xf32>,
      %mul3A_171 = arith.mulf %sub3A_164, %sub3A_164 : vector<16xf32>
      %add3A_172 = arith.addf %add3A_155, %mul3A_171 : vector<16xf32>
      %get3A_173 = arith.index_cast %scan3A_122 : i32 to index
      %get3A_174 = arith.constant 48 : index
      %get3A_175 = tpu.vector_load %arg11[%get3A_173, %get3A_174] {strides = array<i32>} : memref<128x256xf32, #tpu.memory_space<vmem>>, vector<1x16xf32>,
      %get3A_176 = vector.shape_cast %get3A_175 : vector<1x16xf32> to vector<16xf32>
      %get3A_177 = arith.index_cast %scan3A_122 : i32 to index
      %get3A_178 = arith.constant 48 : index
      %get3A_179 = tpu.vector_load %arg10[%get3A_177, %get3A_178] {strides = array<i32>} : memref<128x256xf32, #tpu.memory_space<vmem>>, vector<1x16xf32>,
      %get3A_180 = vector.shape_cast %get3A_179 : vector<1x16xf32> to vector<16xf32>
      %sub3A_181 = arith.subf %get3A_180, %get3A_176 : vector<16xf32>
      %add3A_182 = arith.addf %get3A_176, %sub3A_181 : vector<16xf32>
      %swap3A_183 = arith.index_cast %scan3A_122 : i32 to index
      %swap3A_184 = arith.constant 48 : index
      %swap3A_185 = tpu.vector_load %arg10[%swap3A_183, %swap3A_184] {strides = array<i32>} : memref<128x256xf32, #tpu.memory_space<vmem>>, vector<1x16xf32>,
      %swap3A_186 = vector.shape_cast %swap3A_185 : vector<1x16xf32> to vector<16xf32>
      %swap3A_187 = vector.shape_cast %add3A_182 : vector<16xf32> to vector<1x16xf32>
      tpu.vector_store %arg10[%swap3A_183, %swap3A_184], %swap3A_187 {strides = array<i32>} : memref<128x256xf32, #tpu.memory_space<vmem>>, vector<1x16xf32>,
      %mul3A_188 = arith.mulf %sub3A_181, %sub3A_181 : vector<16xf32>
      %add3A_189 = arith.addf %add3A_172, %mul3A_188 : vector<16xf32>
      %get3A_190 = arith.index_cast %scan3A_122 : i32 to index
      %get3A_191 = arith.constant 64 : index
      %get3A_192 = tpu.vector_load %arg11[%get3A_190, %get3A_191] {strides = array<i32>} : memref<128x256xf32, #tpu.memory_space<vmem>>, vector<1x16xf32>,
      %get3A_193 = vector.shape_cast %get3A_192 : vector<1x16xf32> to vector<16xf32>
      %get3A_194 = arith.index_cast %scan3A_122 : i32 to index
      %get3A_195 = arith.constant 64 : index
      %get3A_196 = tpu.vector_load %arg10[%get3A_194, %get3A_195] {strides = array<i32>} : memref<128x256xf32, #tpu.memory_space<vmem>>, vector<1x16xf32>,
      %get3A_197 = vector.shape_cast %get3A_196 : vector<1x16xf32> to vector<16xf32>
      %sub3A_198 = arith.subf %get3A_197, %get3A_193 : vector<16xf32>
      %add3A_199 = arith.addf %get3A_193, %sub3A_198 : vector<16xf32>
      %swap3A_200 = arith.index_cast %scan3A_122 : i32 to index
      %swap3A_201 = arith.constant 64 : index
      %swap3A_202 = tpu.vector_load %arg10[%swap3A_200, %swap3A_201] {strides = array<i32>} : memref<128x256xf32, #tpu.memory_space<vmem>>, vector<1x16xf32>,
      %swap3A_203 = vector.shape_cast %swap3A_202 : vector<1x16xf32> to vector<16xf32>
      %swap3A_204 = vector.shape_cast %add3A_199 : vector<16xf32> to vector<1x16xf32>
      tpu.vector_store %arg10[%swap3A_200, %swap3A_201], %swap3A_204 {strides = array<i32>} : memref<128x256xf32, #tpu.memory_space<vmem>>, vector<1x16xf32>,
      %mul3A_205 = arith.mulf %sub3A_198, %sub3A_198 : vector<16xf32>
      %add3A_206 = arith.addf %add3A_189, %mul3A_205 : vector<16xf32>
      %get3A_207 = arith.index_cast %scan3A_122 : i32 to index
      %get3A_208 = arith.constant 80 : index
      %get3A_209 = tpu.vector_load %arg11[%get3A_207, %get3A_208] {strides = array<i32>} : memref<128x256xf32, #tpu.memory_space<vmem>>, vector<1x16xf32>,
      %get3A_210 = vector.shape_cast %get3A_209 : vector<1x16xf32> to vector<16xf32>
      %get3A_211 = arith.index_cast %scan3A_122 : i32 to index
      %get3A_212 = arith.constant 80 : index
      %get3A_213 = tpu.vector_load %arg10[%get3A_211, %get3A_212] {strides = array<i32>} : memref<128x256xf32, #tpu.memory_space<vmem>>, vector<1x16xf32>,
      %get3A_214 = vector.shape_cast %get3A_213 : vector<1x16xf32> to vector<16xf32>
      %sub3A_215 = arith.subf %get3A_214, %get3A_210 : vector<16xf32>
      %add3A_216 = arith.addf %get3A_210, %sub3A_215 : vector<16xf32>
      %swap3A_217 = arith.index_cast %scan3A_122 : i32 to index
      %swap3A_218 = arith.constant 80 : index
      %swap3A_219 = tpu.vector_load %arg10[%swap3A_217, %swap3A_218] {strides = array<i32>} : memref<128x256xf32, #tpu.memory_space<vmem>>, vector<1x16xf32>,
      %swap3A_220 = vector.shape_cast %swap3A_219 : vector<1x16xf32> to vector<16xf32>
      %swap3A_221 = vector.shape_cast %add3A_216 : vector<16xf32> to vector<1x16xf32>
      tpu.vector_store %arg10[%swap3A_217, %swap3A_218], %swap3A_221 {strides = array<i32>} : memref<128x256xf32, #tpu.memory_space<vmem>>, vector<1x16xf32>,
      %mul3A_222 = arith.mulf %sub3A_215, %sub3A_215 : vector<16xf32>
      %add3A_223 = arith.addf %add3A_206, %mul3A_222 : vector<16xf32>
      %get3A_224 = arith.index_cast %scan3A_122 : i32 to index
      %get3A_225 = arith.constant 96 : index
      %get3A_226 = tpu.vector_load %arg11[%get3A_224, %get3A_225] {strides = array<i32>} : memref<128x256xf32, #tpu.memory_space<vmem>>, vector<1x16xf32>,
      %get3A_227 = vector.shape_cast %get3A_226 : vector<1x16xf32> to vector<16xf32>
      %get3A_228 = arith.index_cast %scan3A_122 : i32 to index
      %get3A_229 = arith.constant 96 : index
      %get3A_230 = tpu.vector_load %arg10[%get3A_228, %get3A_229] {strides = array<i32>} : memref<128x256xf32, #tpu.memory_space<vmem>>, vector<1x16xf32>,
      %get3A_231 = vector.shape_cast %get3A_230 : vector<1x16xf32> to vector<16xf32>
      %sub3A_232 = arith.subf %get3A_231, %get3A_227 : vector<16xf32>
      %add3A_233 = arith.addf %get3A_227, %sub3A_232 : vector<16xf32>
      %swap3A_234 = arith.index_cast %scan3A_122 : i32 to index
      %swap3A_235 = arith.constant 96 : index
      %swap3A_236 = tpu.vector_load %arg10[%swap3A_234, %swap3A_235] {strides = array<i32>} : memref<128x256xf32, #tpu.memory_space<vmem>>, vector<1x16xf32>,
      %swap3A_237 = vector.shape_cast %swap3A_236 : vector<1x16xf32> to vector<16xf32>
      %swap3A_238 = vector.shape_cast %add3A_233 : vector<16xf32> to vector<1x16xf32>
      tpu.vector_store %arg10[%swap3A_234, %swap3A_235], %swap3A_238 {strides = array<i32>} : memref<128x256xf32, #tpu.memory_space<vmem>>, vector<1x16xf32>,
      %mul3A_239 = arith.mulf %sub3A_232, %sub3A_232 : vector<16xf32>
      %add3A_240 = arith.addf %add3A_223, %mul3A_239 : vector<16xf32>
      %get3A_241 = arith.index_cast %scan3A_122 : i32 to index
      %get3A_242 = arith.constant 112 : index
      %get3A_243 = tpu.vector_load %arg11[%get3A_241, %get3A_242] {strides = array<i32>} : memref<128x256xf32, #tpu.memory_space<vmem>>, vector<1x16xf32>,
      %get3A_244 = vector.shape_cast %get3A_243 : vector<1x16xf32> to vector<16xf32>
      %get3A_245 = arith.index_cast %scan3A_122 : i32 to index
      %get3A_246 = arith.constant 112 : index
      %get3A_247 = tpu.vector_load %arg10[%get3A_245, %get3A_246] {strides = array<i32>} : memref<128x256xf32, #tpu.memory_space<vmem>>, vector<1x16xf32>,
      %get3A_248 = vector.shape_cast %get3A_247 : vector<1x16xf32> to vector<16xf32>
      %sub3A_249 = arith.subf %get3A_248, %get3A_244 : vector<16xf32>
      %add3A_250 = arith.addf %get3A_244, %sub3A_249 : vector<16xf32>
      %swap3A_251 = arith.index_cast %scan3A_122 : i32 to index
      %swap3A_252 = arith.constant 112 : index
      %swap3A_253 = tpu.vector_load %arg10[%swap3A_251, %swap3A_252] {strides = array<i32>} : memref<128x256xf32, #tpu.memory_space<vmem>>, vector<1x16xf32>,
      %swap3A_254 = vector.shape_cast %swap3A_253 : vector<1x16xf32> to vector<16xf32>
      %swap3A_255 = vector.shape_cast %add3A_250 : vector<16xf32> to vector<1x16xf32>
      tpu.vector_store %arg10[%swap3A_251, %swap3A_252], %swap3A_255 {strides = array<i32>} : memref<128x256xf32, #tpu.memory_space<vmem>>, vector<1x16xf32>,
      %mul3A_256 = arith.mulf %sub3A_249, %sub3A_249 : vector<16xf32>
      %add3A_257 = arith.addf %add3A_240, %mul3A_256 : vector<16xf32>
      %get3A_258 = arith.index_cast %scan3A_122 : i32 to index
      %get3A_259 = arith.constant 128 : index
      %get3A_260 = tpu.vector_load %arg11[%get3A_258, %get3A_259] {strides = array<i32>} : memref<128x256xf32, #tpu.memory_space<vmem>>, vector<1x16xf32>,
      %get3A_261 = vector.shape_cast %get3A_260 : vector<1x16xf32> to vector<16xf32>
      %get3A_262 = arith.index_cast %scan3A_122 : i32 to index
      %get3A_263 = arith.constant 128 : index
      %get3A_264 = tpu.vector_load %arg10[%get3A_262, %get3A_263] {strides = array<i32>} : memref<128x256xf32, #tpu.memory_space<vmem>>, vector<1x16xf32>,
      %get3A_265 = vector.shape_cast %get3A_264 : vector<1x16xf32> to vector<16xf32>
      %sub3A_266 = arith.subf %get3A_265, %get3A_261 : vector<16xf32>
      %add3A_267 = arith.addf %get3A_261, %sub3A_266 : vector<16xf32>
      %swap3A_268 = arith.index_cast %scan3A_122 : i32 to index
      %swap3A_269 = arith.constant 128 : index
      %swap3A_270 = tpu.vector_load %arg10[%swap3A_268, %swap3A_269] {strides = array<i32>} : memref<128x256xf32, #tpu.memory_space<vmem>>, vector<1x16xf32>,
      %swap3A_271 = vector.shape_cast %swap3A_270 : vector<1x16xf32> to vector<16xf32>
      %swap3A_272 = vector.shape_cast %add3A_267 : vector<16xf32> to vector<1x16xf32>
      tpu.vector_store %arg10[%swap3A_268, %swap3A_269], %swap3A_272 {strides = array<i32>} : memref<128x256xf32, #tpu.memory_space<vmem>>, vector<1x16xf32>,
      %mul3A_273 = arith.mulf %sub3A_266, %sub3A_266 : vector<16xf32>
      %add3A_274 = arith.addf %add3A_257, %mul3A_273 : vector<16xf32>
      %get3A_275 = arith.index_cast %scan3A_122 : i32 to index
      %get3A_276 = arith.constant 144 : index
      %get3A_277 = tpu.vector_load %arg11[%get3A_275, %get3A_276] {strides = array<i32>} : memref<128x256xf32, #tpu.memory_space<vmem>>, vector<1x16xf32>,
      %get3A_278 = vector.shape_cast %get3A_277 : vector<1x16xf32> to vector<16xf32>
      %get3A_279 = arith.index_cast %scan3A_122 : i32 to index
      %get3A_280 = arith.constant 144 : index
      %get3A_281 = tpu.vector_load %arg10[%get3A_279, %get3A_280] {strides = array<i32>} : memref<128x256xf32, #tpu.memory_space<vmem>>, vector<1x16xf32>,
      %get3A_282 = vector.shape_cast %get3A_281 : vector<1x16xf32> to vector<16xf32>
      %sub3A_283 = arith.subf %get3A_282, %get3A_278 : vector<16xf32>
      %add3A_284 = arith.addf %get3A_278, %sub3A_283 : vector<16xf32>
      %swap3A_285 = arith.index_cast %scan3A_122 : i32 to index
      %swap3A_286 = arith.constant 144 : index
      %swap3A_287 = tpu.vector_load %arg10[%swap3A_285, %swap3A_286] {strides = array<i32>} : memref<128x256xf32, #tpu.memory_space<vmem>>, vector<1x16xf32>,
      %swap3A_288 = vector.shape_cast %swap3A_287 : vector<1x16xf32> to vector<16xf32>
      %swap3A_289 = vector.shape_cast %add3A_284 : vector<16xf32> to vector<1x16xf32>
      tpu.vector_store %arg10[%swap3A_285, %swap3A_286], %swap3A_289 {strides = array<i32>} : memref<128x256xf32, #tpu.memory_space<vmem>>, vector<1x16xf32>,
      %mul3A_290 = arith.mulf %sub3A_283, %sub3A_283 : vector<16xf32>
      %add3A_291 = arith.addf %add3A_274, %mul3A_290 : vector<16xf32>
      %get3A_292 = arith.index_cast %scan3A_122 : i32 to index
      %get3A_293 = arith.constant 160 : index
      %get3A_294 = tpu.vector_load %arg11[%get3A_292, %get3A_293] {strides = array<i32>} : memref<128x256xf32, #tpu.memory_space<vmem>>, vector<1x16xf32>,
      %get3A_295 = vector.shape_cast %get3A_294 : vector<1x16xf32> to vector<16xf32>
      %get3A_296 = arith.index_cast %scan3A_122 : i32 to index
      %get3A_297 = arith.constant 160 : index
      %get3A_298 = tpu.vector_load %arg10[%get3A_296, %get3A_297] {strides = array<i32>} : memref<128x256xf32, #tpu.memory_space<vmem>>, vector<1x16xf32>,
      %get3A_299 = vector.shape_cast %get3A_298 : vector<1x16xf32> to vector<16xf32>
      %sub3A_300 = arith.subf %get3A_299, %get3A_295 : vector<16xf32>
      %add3A_301 = arith.addf %get3A_295, %sub3A_300 : vector<16xf32>
      %swap3A_302 = arith.index_cast %scan3A_122 : i32 to index
      %swap3A_303 = arith.constant 160 : index
      %swap3A_304 = tpu.vector_load %arg10[%swap3A_302, %swap3A_303] {strides = array<i32>} : memref<128x256xf32, #tpu.memory_space<vmem>>, vector<1x16xf32>,
      %swap3A_305 = vector.shape_cast %swap3A_304 : vector<1x16xf32> to vector<16xf32>
      %swap3A_306 = vector.shape_cast %add3A_301 : vector<16xf32> to vector<1x16xf32>
      tpu.vector_store %arg10[%swap3A_302, %swap3A_303], %swap3A_306 {strides = array<i32>} : memref<128x256xf32, #tpu.memory_space<vmem>>, vector<1x16xf32>,
      %mul3A_307 = arith.mulf %sub3A_300, %sub3A_300 : vector<16xf32>
      %add3A_308 = arith.addf %add3A_291, %mul3A_307 : vector<16xf32>
      %get3A_309 = arith.index_cast %scan3A_122 : i32 to index
      %get3A_310 = arith.constant 176 : index
      %get3A_311 = tpu.vector_load %arg11[%get3A_309, %get3A_310] {strides = array<i32>} : memref<128x256xf32, #tpu.memory_space<vmem>>, vector<1x16xf32>,
      %get3A_312 = vector.shape_cast %get3A_311 : vector<1x16xf32> to vector<16xf32>
      %get3A_313 = arith.index_cast %scan3A_122 : i32 to index
      %get3A_314 = arith.constant 176 : index
      %get3A_315 = tpu.vector_load %arg10[%get3A_313, %get3A_314] {strides = array<i32>} : memref<128x256xf32, #tpu.memory_space<vmem>>, vector<1x16xf32>,
      %get3A_316 = vector.shape_cast %get3A_315 : vector<1x16xf32> to vector<16xf32>
      %sub3A_317 = arith.subf %get3A_316, %get3A_312 : vector<16xf32>
      %add3A_318 = arith.addf %get3A_312, %sub3A_317 : vector<16xf32>
      %swap3A_319 = arith.index_cast %scan3A_122 : i32 to index
      %swap3A_320 = arith.constant 176 : index
      %swap3A_321 = tpu.vector_load %arg10[%swap3A_319, %swap3A_320] {strides = array<i32>} : memref<128x256xf32, #tpu.memory_space<vmem>>, vector<1x16xf32>,
      %swap3A_322 = vector.shape_cast %swap3A_321 : vector<1x16xf32> to vector<16xf32>
      %swap3A_323 = vector.shape_cast %add3A_318 : vector<16xf32> to vector<1x16xf32>
      tpu.vector_store %arg10[%swap3A_319, %swap3A_320], %swap3A_323 {strides = array<i32>} : memref<128x256xf32, #tpu.memory_space<vmem>>, vector<1x16xf32>,
      %mul3A_324 = arith.mulf %sub3A_317, %sub3A_317 : vector<16xf32>
      %add3A_325 = arith.addf %add3A_308, %mul3A_324 : vector<16xf32>
      %get3A_326 = arith.index_cast %scan3A_122 : i32 to index
      %get3A_327 = arith.constant 192 : index
      %get3A_328 = tpu.vector_load %arg11[%get3A_326, %get3A_327] {strides = array<i32>} : memref<128x256xf32, #tpu.memory_space<vmem>>, vector<1x16xf32>,
      %get3A_329 = vector.shape_cast %get3A_328 : vector<1x16xf32> to vector<16xf32>
      %get3A_330 = arith.index_cast %scan3A_122 : i32 to index
      %get3A_331 = arith.constant 192 : index
      %get3A_332 = tpu.vector_load %arg10[%get3A_330, %get3A_331] {strides = array<i32>} : memref<128x256xf32, #tpu.memory_space<vmem>>, vector<1x16xf32>,
      %get3A_333 = vector.shape_cast %get3A_332 : vector<1x16xf32> to vector<16xf32>
      %sub3A_334 = arith.subf %get3A_333, %get3A_329 : vector<16xf32>
      %add3A_335 = arith.addf %get3A_329, %sub3A_334 : vector<16xf32>
      %swap3A_336 = arith.index_cast %scan3A_122 : i32 to index
      %swap3A_337 = arith.constant 192 : index
      %swap3A_338 = tpu.vector_load %arg10[%swap3A_336, %swap3A_337] {strides = array<i32>} : memref<128x256xf32, #tpu.memory_space<vmem>>, vector<1x16xf32>,
      %swap3A_339 = vector.shape_cast %swap3A_338 : vector<1x16xf32> to vector<16xf32>
      %swap3A_340 = vector.shape_cast %add3A_335 : vector<16xf32> to vector<1x16xf32>
      tpu.vector_store %arg10[%swap3A_336, %swap3A_337], %swap3A_340 {strides = array<i32>} : memref<128x256xf32, #tpu.memory_space<vmem>>, vector<1x16xf32>,
      %mul3A_341 = arith.mulf %sub3A_334, %sub3A_334 : vector<16xf32>
      %add3A_342 = arith.addf %add3A_325, %mul3A_341 : vector<16xf32>
      %get3A_343 = arith.index_cast %scan3A_122 : i32 to index
      %get3A_344 = arith.constant 208 : index
      %get3A_345 = tpu.vector_load %arg11[%get3A_343, %get3A_344] {strides = array<i32>} : memref<128x256xf32, #tpu.memory_space<vmem>>, vector<1x16xf32>,
      %get3A_346 = vector.shape_cast %get3A_345 : vector<1x16xf32> to vector<16xf32>
      %get3A_347 = arith.index_cast %scan3A_122 : i32 to index
      %get3A_348 = arith.constant 208 : index
      %get3A_349 = tpu.vector_load %arg10[%get3A_347, %get3A_348] {strides = array<i32>} : memref<128x256xf32, #tpu.memory_space<vmem>>, vector<1x16xf32>,
      %get3A_350 = vector.shape_cast %get3A_349 : vector<1x16xf32> to vector<16xf32>
      %sub3A_351 = arith.subf %get3A_350, %get3A_346 : vector<16xf32>
      %add3A_352 = arith.addf %get3A_346, %sub3A_351 : vector<16xf32>
      %swap3A_353 = arith.index_cast %scan3A_122 : i32 to index
      %swap3A_354 = arith.constant 208 : index
      %swap3A_355 = tpu.vector_load %arg10[%swap3A_353, %swap3A_354] {strides = array<i32>} : memref<128x256xf32, #tpu.memory_space<vmem>>, vector<1x16xf32>,
      %swap3A_356 = vector.shape_cast %swap3A_355 : vector<1x16xf32> to vector<16xf32>
      %swap3A_357 = vector.shape_cast %add3A_352 : vector<16xf32> to vector<1x16xf32>
      tpu.vector_store %arg10[%swap3A_353, %swap3A_354], %swap3A_357 {strides = array<i32>} : memref<128x256xf32, #tpu.memory_space<vmem>>, vector<1x16xf32>,
      %mul3A_358 = arith.mulf %sub3A_351, %sub3A_351 : vector<16xf32>
      %add3A_359 = arith.addf %add3A_342, %mul3A_358 : vector<16xf32>
      %get3A_360 = arith.index_cast %scan3A_122 : i32 to index
      %get3A_361 = arith.constant 224 : index
      %get3A_362 = tpu.vector_load %arg11[%get3A_360, %get3A_361] {strides = array<i32>} : memref<128x256xf32, #tpu.memory_space<vmem>>, vector<1x16xf32>,
      %get3A_363 = vector.shape_cast %get3A_362 : vector<1x16xf32> to vector<16xf32>
      %get3A_364 = arith.index_cast %scan3A_122 : i32 to index
      %get3A_365 = arith.constant 224 : index
      %get3A_366 = tpu.vector_load %arg10[%get3A_364, %get3A_365] {strides = array<i32>} : memref<128x256xf32, #tpu.memory_space<vmem>>, vector<1x16xf32>,
      %get3A_367 = vector.shape_cast %get3A_366 : vector<1x16xf32> to vector<16xf32>
      %sub3A_368 = arith.subf %get3A_367, %get3A_363 : vector<16xf32>
      %add3A_369 = arith.addf %get3A_363, %sub3A_368 : vector<16xf32>
      %swap3A_370 = arith.index_cast %scan3A_122 : i32 to index
      %swap3A_371 = arith.constant 224 : index
      %swap3A_372 = tpu.vector_load %arg10[%swap3A_370, %swap3A_371] {strides = array<i32>} : memref<128x256xf32, #tpu.memory_space<vmem>>, vector<1x16xf32>,
      %swap3A_373 = vector.shape_cast %swap3A_372 : vector<1x16xf32> to vector<16xf32>
      %swap3A_374 = vector.shape_cast %add3A_369 : vector<16xf32> to vector<1x16xf32>
      tpu.vector_store %arg10[%swap3A_370, %swap3A_371], %swap3A_374 {strides = array<i32>} : memref<128x256xf32, #tpu.memory_space<vmem>>, vector<1x16xf32>,
      %mul3A_375 = arith.mulf %sub3A_368, %sub3A_368 : vector<16xf32>
      %add3A_376 = arith.addf %add3A_359, %mul3A_375 : vector<16xf32>
      %get3A_377 = arith.index_cast %scan3A_122 : i32 to index
      %get3A_378 = arith.constant 240 : index
      %get3A_379 = tpu.vector_load %arg11[%get3A_377, %get3A_378] {strides = array<i32>} : memref<128x256xf32, #tpu.memory_space<vmem>>, vector<1x16xf32>,
      %get3A_380 = vector.shape_cast %get3A_379 : vector<1x16xf32> to vector<16xf32>
      %get3A_381 = arith.index_cast %scan3A_122 : i32 to index
      %get3A_382 = arith.constant 240 : index
      %get3A_383 = tpu.vector_load %arg10[%get3A_381, %get3A_382] {strides = array<i32>} : memref<128x256xf32, #tpu.memory_space<vmem>>, vector<1x16xf32>,
      %get3A_384 = vector.shape_cast %get3A_383 : vector<1x16xf32> to vector<16xf32>
      %sub3A_385 = arith.subf %get3A_384, %get3A_380 : vector<16xf32>
      %add3A_386 = arith.addf %get3A_380, %sub3A_385 : vector<16xf32>
      %swap3A_387 = arith.index_cast %scan3A_122 : i32 to index
      %swap3A_388 = arith.constant 240 : index
      %swap3A_389 = tpu.vector_load %arg10[%swap3A_387, %swap3A_388] {strides = array<i32>} : memref<128x256xf32, #tpu.memory_space<vmem>>, vector<1x16xf32>,
      %swap3A_390 = vector.shape_cast %swap3A_389 : vector<1x16xf32> to vector<16xf32>
      %swap3A_391 = vector.shape_cast %add3A_386 : vector<16xf32> to vector<1x16xf32>
      tpu.vector_store %arg10[%swap3A_387, %swap3A_388], %swap3A_391 {strides = array<i32>} : memref<128x256xf32, #tpu.memory_space<vmem>>, vector<1x16xf32>,
      %mul3A_392 = arith.mulf %sub3A_385, %sub3A_385 : vector<16xf32>
      %add3A_393 = arith.addf %add3A_376, %mul3A_392 : vector<16xf32>
      scf.yield %add3A_393 : vector<16xf32>
    }
    %scan3A_68 = arith.constant 128 : i32
    "tpu.region"() ({
      %run_scoped3A_122 = tpu.sem_alloc : memref<!tpu.dma_semaphore, #tpu.memory_space<semaphore_mem>>
      %dma_start3A_123 = arith.constant 0 : i32
      %dma_start3A_124 = tpu.memref_slice %arg6[%add3A_48, %dma_start3A_123] : memref<16384x256xf32, #tpu.memory_space<hbm>> -> memref<128x256xf32, #tpu.memory_space<hbm>>
      %dma_start3A_125 = arith.constant 0 : i32
      %dma_start3A_126 = tpu.memref_slice %arg6[%add3A_48, %dma_start3A_125] : memref<16384x256xf32, #tpu.memory_space<hbm>> -> memref<128x256xf32, #tpu.memory_space<hbm>>
      tpu.enqueue_dma source(%arg10 : memref<128x256xf32, #tpu.memory_space<vmem>>) target(%dma_start3A_126 : memref<128x256xf32, #tpu.memory_space<hbm>>) target_semaphore(%run_scoped3A_122 : memref<!tpu.dma_semaphore, #tpu.memory_space<semaphore_mem>>)
      %dma_wait3A_127 = arith.constant 0 : i32
      %dma_wait3A_128 = tpu.memref_slice %arg6[%add3A_48, %dma_wait3A_127] : memref<16384x256xf32, #tpu.memory_space<hbm>> -> memref<128x256xf32, #tpu.memory_space<hbm>>
      %dma_wait3A_129 = arith.constant 0 : i32
      %dma_wait3A_130 = tpu.memref_slice %arg6[%add3A_48, %dma_wait3A_129] : memref<16384x256xf32, #tpu.memory_space<hbm>> -> memref<128x256xf32, #tpu.memory_space<hbm>>
      tpu.wait_dma2 semaphore(%run_scoped3A_122 : memref<!tpu.dma_semaphore, #tpu.memory_space<semaphore_mem>>) src(%arg10 : memref<128x256xf32, #tpu.memory_space<vmem>>) dst(%dma_wait3A_130 : memref<128x256xf32, #tpu.memory_space<hbm>>)
      tpu.yield
    }) : () -> ()
    %add3A_69 = arith.constant 256 : i32
    %add3A_70 = arith.addi %mul3A_2, %add3A_69 : i32
    %dma_start3A_71 = arith.constant 2 : i32
    %dma_start3A_72 = arith.constant 0 : i32
    %dma_start3A_73 = tpu.memref_slice %arg9[%dma_start3A_71, %dma_start3A_72] : memref<4x128xi32, #tpu.memory_space<vmem>> -> memref<1x128xi32, #tpu.memory_space<vmem>>
    %dma_start3A_74 = tpu.memref_squeeze %dma_start3A_73 : memref<1x128xi32, #tpu.memory_space<vmem>> -> memref<128xi32, #tpu.memory_space<vmem>>
    %dma_start3A_75 = arith.constant 0 : i32
    %dma_start3A_76 = arith.constant 0 : i32
    %dma_start3A_77 = tpu.memref_slice %arg3[%dma_start3A_75, %dma_start3A_76] : memref<8192x256xf32, #tpu.memory_space<hbm>> -> memref<8192x256xf32, #tpu.memory_space<hbm>>
    tpu.enqueue_indirect_dma source(%dma_start3A_77 : memref<8192x256xf32, #tpu.memory_space<hbm>>) target(%arg10 : memref<128x256xf32, #tpu.memory_space<vmem>>) offsets(%dma_start3A_74 : memref<128xi32, #tpu.memory_space<vmem>>) semaphore(%arg15 : memref<!tpu.dma_semaphore, #tpu.memory_space<semaphore_mem>>)
    "tpu.region"() ({
      %run_scoped3A_122 = tpu.sem_alloc : memref<!tpu.dma_semaphore, #tpu.memory_space<semaphore_mem>>
      %dma_start3A_123 = arith.constant 0 : i32
      %dma_start3A_124 = tpu.memref_slice %arg2[%add3A_70, %dma_start3A_123] : memref<16384x256xf32, #tpu.memory_space<hbm>> -> memref<128x256xf32, #tpu.memory_space<hbm>>
      %dma_start3A_125 = arith.constant 0 : i32
      %dma_start3A_126 = tpu.memref_slice %arg2[%add3A_70, %dma_start3A_125] : memref<16384x256xf32, #tpu.memory_space<hbm>> -> memref<128x256xf32, #tpu.memory_space<hbm>>
      tpu.enqueue_dma source(%dma_start3A_126 : memref<128x256xf32, #tpu.memory_space<hbm>>) target(%arg11 : memref<128x256xf32, #tpu.memory_space<vmem>>) target_semaphore(%run_scoped3A_122 : memref<!tpu.dma_semaphore, #tpu.memory_space<semaphore_mem>>)
      %dma_wait3A_127 = arith.constant 0 : i32
      %dma_wait3A_128 = tpu.memref_slice %arg2[%add3A_70, %dma_wait3A_127] : memref<16384x256xf32, #tpu.memory_space<hbm>> -> memref<128x256xf32, #tpu.memory_space<hbm>>
      %dma_wait3A_129 = arith.constant 0 : i32
      %dma_wait3A_130 = tpu.memref_slice %arg2[%add3A_70, %dma_wait3A_129] : memref<16384x256xf32, #tpu.memory_space<hbm>> -> memref<128x256xf32, #tpu.memory_space<hbm>>
      tpu.wait_dma2 semaphore(%run_scoped3A_122 : memref<!tpu.dma_semaphore, #tpu.memory_space<semaphore_mem>>) src(%dma_wait3A_130 : memref<128x256xf32, #tpu.memory_space<hbm>>) dst(%arg11 : memref<128x256xf32, #tpu.memory_space<vmem>>)
      tpu.yield
    }) : () -> ()
    %dma_wait3A_78 = arith.constant 2 : i32
    %dma_wait3A_79 = arith.constant 0 : i32
    %dma_wait3A_80 = tpu.memref_slice %arg9[%dma_wait3A_78, %dma_wait3A_79] : memref<4x128xi32, #tpu.memory_space<vmem>> -> memref<1x128xi32, #tpu.memory_space<vmem>>
    %dma_wait3A_81 = tpu.memref_squeeze %dma_wait3A_80 : memref<1x128xi32, #tpu.memory_space<vmem>> -> memref<128xi32, #tpu.memory_space<vmem>>
    %dma_wait3A_82 = arith.constant 0 : i32
    %dma_wait3A_83 = arith.constant 0 : i32
    %dma_wait3A_84 = tpu.memref_slice %arg3[%dma_wait3A_82, %dma_wait3A_83] : memref<8192x256xf32, #tpu.memory_space<hbm>> -> memref<8192x256xf32, #tpu.memory_space<hbm>>
    tpu.wait_indirect_dma semaphore(%arg15 : memref<!tpu.dma_semaphore, #tpu.memory_space<semaphore_mem>>) src(%dma_wait3A_84 : memref<8192x256xf32, #tpu.memory_space<hbm>>) dst(%arg10 : memref<128x256xf32, #tpu.memory_space<vmem>>)
    %scan3A_85 = arith.constant 0 : i32
    %scan3A_86 = arith.constant 128 : i32
    %scan3A_87 = arith.addi %scan3A_85, %scan3A_86 : i32
    %scan3A_88 = arith.constant 1 : i32
    %scan3A_89 = scf.for %scan3A_122 = %scan3A_85 to %scan3A_87 step %scan3A_88 iter_args(%scan3A_123 = %scan3A_67) -> (vector<16xf32>)  : i32 {
      %get3A = arith.index_cast %scan3A_122 : i32 to index
      %get3A_124 = arith.constant 0 : index
      %get3A_125 = tpu.vector_load %arg11[%get3A, %get3A_124] {strides = array<i32>} : memref<128x256xf32, #tpu.memory_space<vmem>>, vector<1x16xf32>,
      %get3A_126 = vector.shape_cast %get3A_125 : vector<1x16xf32> to vector<16xf32>
      %get3A_127 = arith.index_cast %scan3A_122 : i32 to index
      %get3A_128 = arith.constant 0 : index
      %get3A_129 = tpu.vector_load %arg10[%get3A_127, %get3A_128] {strides = array<i32>} : memref<128x256xf32, #tpu.memory_space<vmem>>, vector<1x16xf32>,
      %get3A_130 = vector.shape_cast %get3A_129 : vector<1x16xf32> to vector<16xf32>
      %sub3A = arith.subf %get3A_130, %get3A_126 : vector<16xf32>
      %add3A_131 = arith.addf %get3A_126, %sub3A : vector<16xf32>
      %swap3A_132 = arith.index_cast %scan3A_122 : i32 to index
      %swap3A_133 = arith.constant 0 : index
      %swap3A_134 = tpu.vector_load %arg10[%swap3A_132, %swap3A_133] {strides = array<i32>} : memref<128x256xf32, #tpu.memory_space<vmem>>, vector<1x16xf32>,
      %swap3A_135 = vector.shape_cast %swap3A_134 : vector<1x16xf32> to vector<16xf32>
      %swap3A_136 = vector.shape_cast %add3A_131 : vector<16xf32> to vector<1x16xf32>
      tpu.vector_store %arg10[%swap3A_132, %swap3A_133], %swap3A_136 {strides = array<i32>} : memref<128x256xf32, #tpu.memory_space<vmem>>, vector<1x16xf32>,
      %mul3A_137 = arith.mulf %sub3A, %sub3A : vector<16xf32>
      %add3A_138 = arith.addf %scan3A_123, %mul3A_137 : vector<16xf32>
      %get3A_139 = arith.index_cast %scan3A_122 : i32 to index
      %get3A_140 = arith.constant 16 : index
      %get3A_141 = tpu.vector_load %arg11[%get3A_139, %get3A_140] {strides = array<i32>} : memref<128x256xf32, #tpu.memory_space<vmem>>, vector<1x16xf32>,
      %get3A_142 = vector.shape_cast %get3A_141 : vector<1x16xf32> to vector<16xf32>
      %get3A_143 = arith.index_cast %scan3A_122 : i32 to index
      %get3A_144 = arith.constant 16 : index
      %get3A_145 = tpu.vector_load %arg10[%get3A_143, %get3A_144] {strides = array<i32>} : memref<128x256xf32, #tpu.memory_space<vmem>>, vector<1x16xf32>,
      %get3A_146 = vector.shape_cast %get3A_145 : vector<1x16xf32> to vector<16xf32>
      %sub3A_147 = arith.subf %get3A_146, %get3A_142 : vector<16xf32>
      %add3A_148 = arith.addf %get3A_142, %sub3A_147 : vector<16xf32>
      %swap3A_149 = arith.index_cast %scan3A_122 : i32 to index
      %swap3A_150 = arith.constant 16 : index
      %swap3A_151 = tpu.vector_load %arg10[%swap3A_149, %swap3A_150] {strides = array<i32>} : memref<128x256xf32, #tpu.memory_space<vmem>>, vector<1x16xf32>,
      %swap3A_152 = vector.shape_cast %swap3A_151 : vector<1x16xf32> to vector<16xf32>
      %swap3A_153 = vector.shape_cast %add3A_148 : vector<16xf32> to vector<1x16xf32>
      tpu.vector_store %arg10[%swap3A_149, %swap3A_150], %swap3A_153 {strides = array<i32>} : memref<128x256xf32, #tpu.memory_space<vmem>>, vector<1x16xf32>,
      %mul3A_154 = arith.mulf %sub3A_147, %sub3A_147 : vector<16xf32>
      %add3A_155 = arith.addf %add3A_138, %mul3A_154 : vector<16xf32>
      %get3A_156 = arith.index_cast %scan3A_122 : i32 to index
      %get3A_157 = arith.constant 32 : index
      %get3A_158 = tpu.vector_load %arg11[%get3A_156, %get3A_157] {strides = array<i32>} : memref<128x256xf32, #tpu.memory_space<vmem>>, vector<1x16xf32>,
      %get3A_159 = vector.shape_cast %get3A_158 : vector<1x16xf32> to vector<16xf32>
      %get3A_160 = arith.index_cast %scan3A_122 : i32 to index
      %get3A_161 = arith.constant 32 : index
      %get3A_162 = tpu.vector_load %arg10[%get3A_160, %get3A_161] {strides = array<i32>} : memref<128x256xf32, #tpu.memory_space<vmem>>, vector<1x16xf32>,
      %get3A_163 = vector.shape_cast %get3A_162 : vector<1x16xf32> to vector<16xf32>
      %sub3A_164 = arith.subf %get3A_163, %get3A_159 : vector<16xf32>
      %add3A_165 = arith.addf %get3A_159, %sub3A_164 : vector<16xf32>
      %swap3A_166 = arith.index_cast %scan3A_122 : i32 to index
      %swap3A_167 = arith.constant 32 : index
      %swap3A_168 = tpu.vector_load %arg10[%swap3A_166, %swap3A_167] {strides = array<i32>} : memref<128x256xf32, #tpu.memory_space<vmem>>, vector<1x16xf32>,
      %swap3A_169 = vector.shape_cast %swap3A_168 : vector<1x16xf32> to vector<16xf32>
      %swap3A_170 = vector.shape_cast %add3A_165 : vector<16xf32> to vector<1x16xf32>
      tpu.vector_store %arg10[%swap3A_166, %swap3A_167], %swap3A_170 {strides = array<i32>} : memref<128x256xf32, #tpu.memory_space<vmem>>, vector<1x16xf32>,
      %mul3A_171 = arith.mulf %sub3A_164, %sub3A_164 : vector<16xf32>
      %add3A_172 = arith.addf %add3A_155, %mul3A_171 : vector<16xf32>
      %get3A_173 = arith.index_cast %scan3A_122 : i32 to index
      %get3A_174 = arith.constant 48 : index
      %get3A_175 = tpu.vector_load %arg11[%get3A_173, %get3A_174] {strides = array<i32>} : memref<128x256xf32, #tpu.memory_space<vmem>>, vector<1x16xf32>,
      %get3A_176 = vector.shape_cast %get3A_175 : vector<1x16xf32> to vector<16xf32>
      %get3A_177 = arith.index_cast %scan3A_122 : i32 to index
      %get3A_178 = arith.constant 48 : index
      %get3A_179 = tpu.vector_load %arg10[%get3A_177, %get3A_178] {strides = array<i32>} : memref<128x256xf32, #tpu.memory_space<vmem>>, vector<1x16xf32>,
      %get3A_180 = vector.shape_cast %get3A_179 : vector<1x16xf32> to vector<16xf32>
      %sub3A_181 = arith.subf %get3A_180, %get3A_176 : vector<16xf32>
      %add3A_182 = arith.addf %get3A_176, %sub3A_181 : vector<16xf32>
      %swap3A_183 = arith.index_cast %scan3A_122 : i32 to index
      %swap3A_184 = arith.constant 48 : index
      %swap3A_185 = tpu.vector_load %arg10[%swap3A_183, %swap3A_184] {strides = array<i32>} : memref<128x256xf32, #tpu.memory_space<vmem>>, vector<1x16xf32>,
      %swap3A_186 = vector.shape_cast %swap3A_185 : vector<1x16xf32> to vector<16xf32>
      %swap3A_187 = vector.shape_cast %add3A_182 : vector<16xf32> to vector<1x16xf32>
      tpu.vector_store %arg10[%swap3A_183, %swap3A_184], %swap3A_187 {strides = array<i32>} : memref<128x256xf32, #tpu.memory_space<vmem>>, vector<1x16xf32>,
      %mul3A_188 = arith.mulf %sub3A_181, %sub3A_181 : vector<16xf32>
      %add3A_189 = arith.addf %add3A_172, %mul3A_188 : vector<16xf32>
      %get3A_190 = arith.index_cast %scan3A_122 : i32 to index
      %get3A_191 = arith.constant 64 : index
      %get3A_192 = tpu.vector_load %arg11[%get3A_190, %get3A_191] {strides = array<i32>} : memref<128x256xf32, #tpu.memory_space<vmem>>, vector<1x16xf32>,
      %get3A_193 = vector.shape_cast %get3A_192 : vector<1x16xf32> to vector<16xf32>
      %get3A_194 = arith.index_cast %scan3A_122 : i32 to index
      %get3A_195 = arith.constant 64 : index
      %get3A_196 = tpu.vector_load %arg10[%get3A_194, %get3A_195] {strides = array<i32>} : memref<128x256xf32, #tpu.memory_space<vmem>>, vector<1x16xf32>,
      %get3A_197 = vector.shape_cast %get3A_196 : vector<1x16xf32> to vector<16xf32>
      %sub3A_198 = arith.subf %get3A_197, %get3A_193 : vector<16xf32>
      %add3A_199 = arith.addf %get3A_193, %sub3A_198 : vector<16xf32>
      %swap3A_200 = arith.index_cast %scan3A_122 : i32 to index
      %swap3A_201 = arith.constant 64 : index
      %swap3A_202 = tpu.vector_load %arg10[%swap3A_200, %swap3A_201] {strides = array<i32>} : memref<128x256xf32, #tpu.memory_space<vmem>>, vector<1x16xf32>,
      %swap3A_203 = vector.shape_cast %swap3A_202 : vector<1x16xf32> to vector<16xf32>
      %swap3A_204 = vector.shape_cast %add3A_199 : vector<16xf32> to vector<1x16xf32>
      tpu.vector_store %arg10[%swap3A_200, %swap3A_201], %swap3A_204 {strides = array<i32>} : memref<128x256xf32, #tpu.memory_space<vmem>>, vector<1x16xf32>,
      %mul3A_205 = arith.mulf %sub3A_198, %sub3A_198 : vector<16xf32>
      %add3A_206 = arith.addf %add3A_189, %mul3A_205 : vector<16xf32>
      %get3A_207 = arith.index_cast %scan3A_122 : i32 to index
      %get3A_208 = arith.constant 80 : index
      %get3A_209 = tpu.vector_load %arg11[%get3A_207, %get3A_208] {strides = array<i32>} : memref<128x256xf32, #tpu.memory_space<vmem>>, vector<1x16xf32>,
      %get3A_210 = vector.shape_cast %get3A_209 : vector<1x16xf32> to vector<16xf32>
      %get3A_211 = arith.index_cast %scan3A_122 : i32 to index
      %get3A_212 = arith.constant 80 : index
      %get3A_213 = tpu.vector_load %arg10[%get3A_211, %get3A_212] {strides = array<i32>} : memref<128x256xf32, #tpu.memory_space<vmem>>, vector<1x16xf32>,
      %get3A_214 = vector.shape_cast %get3A_213 : vector<1x16xf32> to vector<16xf32>
      %sub3A_215 = arith.subf %get3A_214, %get3A_210 : vector<16xf32>
      %add3A_216 = arith.addf %get3A_210, %sub3A_215 : vector<16xf32>
      %swap3A_217 = arith.index_cast %scan3A_122 : i32 to index
      %swap3A_218 = arith.constant 80 : index
      %swap3A_219 = tpu.vector_load %arg10[%swap3A_217, %swap3A_218] {strides = array<i32>} : memref<128x256xf32, #tpu.memory_space<vmem>>, vector<1x16xf32>,
      %swap3A_220 = vector.shape_cast %swap3A_219 : vector<1x16xf32> to vector<16xf32>
      %swap3A_221 = vector.shape_cast %add3A_216 : vector<16xf32> to vector<1x16xf32>
      tpu.vector_store %arg10[%swap3A_217, %swap3A_218], %swap3A_221 {strides = array<i32>} : memref<128x256xf32, #tpu.memory_space<vmem>>, vector<1x16xf32>,
      %mul3A_222 = arith.mulf %sub3A_215, %sub3A_215 : vector<16xf32>
      %add3A_223 = arith.addf %add3A_206, %mul3A_222 : vector<16xf32>
      %get3A_224 = arith.index_cast %scan3A_122 : i32 to index
      %get3A_225 = arith.constant 96 : index
      %get3A_226 = tpu.vector_load %arg11[%get3A_224, %get3A_225] {strides = array<i32>} : memref<128x256xf32, #tpu.memory_space<vmem>>, vector<1x16xf32>,
      %get3A_227 = vector.shape_cast %get3A_226 : vector<1x16xf32> to vector<16xf32>
      %get3A_228 = arith.index_cast %scan3A_122 : i32 to index
      %get3A_229 = arith.constant 96 : index
      %get3A_230 = tpu.vector_load %arg10[%get3A_228, %get3A_229] {strides = array<i32>} : memref<128x256xf32, #tpu.memory_space<vmem>>, vector<1x16xf32>,
      %get3A_231 = vector.shape_cast %get3A_230 : vector<1x16xf32> to vector<16xf32>
      %sub3A_232 = arith.subf %get3A_231, %get3A_227 : vector<16xf32>
      %add3A_233 = arith.addf %get3A_227, %sub3A_232 : vector<16xf32>
      %swap3A_234 = arith.index_cast %scan3A_122 : i32 to index
      %swap3A_235 = arith.constant 96 : index
      %swap3A_236 = tpu.vector_load %arg10[%swap3A_234, %swap3A_235] {strides = array<i32>} : memref<128x256xf32, #tpu.memory_space<vmem>>, vector<1x16xf32>,
      %swap3A_237 = vector.shape_cast %swap3A_236 : vector<1x16xf32> to vector<16xf32>
      %swap3A_238 = vector.shape_cast %add3A_233 : vector<16xf32> to vector<1x16xf32>
      tpu.vector_store %arg10[%swap3A_234, %swap3A_235], %swap3A_238 {strides = array<i32>} : memref<128x256xf32, #tpu.memory_space<vmem>>, vector<1x16xf32>,
      %mul3A_239 = arith.mulf %sub3A_232, %sub3A_232 : vector<16xf32>
      %add3A_240 = arith.addf %add3A_223, %mul3A_239 : vector<16xf32>
      %get3A_241 = arith.index_cast %scan3A_122 : i32 to index
      %get3A_242 = arith.constant 112 : index
      %get3A_243 = tpu.vector_load %arg11[%get3A_241, %get3A_242] {strides = array<i32>} : memref<128x256xf32, #tpu.memory_space<vmem>>, vector<1x16xf32>,
      %get3A_244 = vector.shape_cast %get3A_243 : vector<1x16xf32> to vector<16xf32>
      %get3A_245 = arith.index_cast %scan3A_122 : i32 to index
      %get3A_246 = arith.constant 112 : index
      %get3A_247 = tpu.vector_load %arg10[%get3A_245, %get3A_246] {strides = array<i32>} : memref<128x256xf32, #tpu.memory_space<vmem>>, vector<1x16xf32>,
      %get3A_248 = vector.shape_cast %get3A_247 : vector<1x16xf32> to vector<16xf32>
      %sub3A_249 = arith.subf %get3A_248, %get3A_244 : vector<16xf32>
      %add3A_250 = arith.addf %get3A_244, %sub3A_249 : vector<16xf32>
      %swap3A_251 = arith.index_cast %scan3A_122 : i32 to index
      %swap3A_252 = arith.constant 112 : index
      %swap3A_253 = tpu.vector_load %arg10[%swap3A_251, %swap3A_252] {strides = array<i32>} : memref<128x256xf32, #tpu.memory_space<vmem>>, vector<1x16xf32>,
      %swap3A_254 = vector.shape_cast %swap3A_253 : vector<1x16xf32> to vector<16xf32>
      %swap3A_255 = vector.shape_cast %add3A_250 : vector<16xf32> to vector<1x16xf32>
      tpu.vector_store %arg10[%swap3A_251, %swap3A_252], %swap3A_255 {strides = array<i32>} : memref<128x256xf32, #tpu.memory_space<vmem>>, vector<1x16xf32>,
      %mul3A_256 = arith.mulf %sub3A_249, %sub3A_249 : vector<16xf32>
      %add3A_257 = arith.addf %add3A_240, %mul3A_256 : vector<16xf32>
      %get3A_258 = arith.index_cast %scan3A_122 : i32 to index
      %get3A_259 = arith.constant 128 : index
      %get3A_260 = tpu.vector_load %arg11[%get3A_258, %get3A_259] {strides = array<i32>} : memref<128x256xf32, #tpu.memory_space<vmem>>, vector<1x16xf32>,
      %get3A_261 = vector.shape_cast %get3A_260 : vector<1x16xf32> to vector<16xf32>
      %get3A_262 = arith.index_cast %scan3A_122 : i32 to index
      %get3A_263 = arith.constant 128 : index
      %get3A_264 = tpu.vector_load %arg10[%get3A_262, %get3A_263] {strides = array<i32>} : memref<128x256xf32, #tpu.memory_space<vmem>>, vector<1x16xf32>,
      %get3A_265 = vector.shape_cast %get3A_264 : vector<1x16xf32> to vector<16xf32>
      %sub3A_266 = arith.subf %get3A_265, %get3A_261 : vector<16xf32>
      %add3A_267 = arith.addf %get3A_261, %sub3A_266 : vector<16xf32>
      %swap3A_268 = arith.index_cast %scan3A_122 : i32 to index
      %swap3A_269 = arith.constant 128 : index
      %swap3A_270 = tpu.vector_load %arg10[%swap3A_268, %swap3A_269] {strides = array<i32>} : memref<128x256xf32, #tpu.memory_space<vmem>>, vector<1x16xf32>,
      %swap3A_271 = vector.shape_cast %swap3A_270 : vector<1x16xf32> to vector<16xf32>
      %swap3A_272 = vector.shape_cast %add3A_267 : vector<16xf32> to vector<1x16xf32>
      tpu.vector_store %arg10[%swap3A_268, %swap3A_269], %swap3A_272 {strides = array<i32>} : memref<128x256xf32, #tpu.memory_space<vmem>>, vector<1x16xf32>,
      %mul3A_273 = arith.mulf %sub3A_266, %sub3A_266 : vector<16xf32>
      %add3A_274 = arith.addf %add3A_257, %mul3A_273 : vector<16xf32>
      %get3A_275 = arith.index_cast %scan3A_122 : i32 to index
      %get3A_276 = arith.constant 144 : index
      %get3A_277 = tpu.vector_load %arg11[%get3A_275, %get3A_276] {strides = array<i32>} : memref<128x256xf32, #tpu.memory_space<vmem>>, vector<1x16xf32>,
      %get3A_278 = vector.shape_cast %get3A_277 : vector<1x16xf32> to vector<16xf32>
      %get3A_279 = arith.index_cast %scan3A_122 : i32 to index
      %get3A_280 = arith.constant 144 : index
      %get3A_281 = tpu.vector_load %arg10[%get3A_279, %get3A_280] {strides = array<i32>} : memref<128x256xf32, #tpu.memory_space<vmem>>, vector<1x16xf32>,
      %get3A_282 = vector.shape_cast %get3A_281 : vector<1x16xf32> to vector<16xf32>
      %sub3A_283 = arith.subf %get3A_282, %get3A_278 : vector<16xf32>
      %add3A_284 = arith.addf %get3A_278, %sub3A_283 : vector<16xf32>
      %swap3A_285 = arith.index_cast %scan3A_122 : i32 to index
      %swap3A_286 = arith.constant 144 : index
      %swap3A_287 = tpu.vector_load %arg10[%swap3A_285, %swap3A_286] {strides = array<i32>} : memref<128x256xf32, #tpu.memory_space<vmem>>, vector<1x16xf32>,
      %swap3A_288 = vector.shape_cast %swap3A_287 : vector<1x16xf32> to vector<16xf32>
      %swap3A_289 = vector.shape_cast %add3A_284 : vector<16xf32> to vector<1x16xf32>
      tpu.vector_store %arg10[%swap3A_285, %swap3A_286], %swap3A_289 {strides = array<i32>} : memref<128x256xf32, #tpu.memory_space<vmem>>, vector<1x16xf32>,
      %mul3A_290 = arith.mulf %sub3A_283, %sub3A_283 : vector<16xf32>
      %add3A_291 = arith.addf %add3A_274, %mul3A_290 : vector<16xf32>
      %get3A_292 = arith.index_cast %scan3A_122 : i32 to index
      %get3A_293 = arith.constant 160 : index
      %get3A_294 = tpu.vector_load %arg11[%get3A_292, %get3A_293] {strides = array<i32>} : memref<128x256xf32, #tpu.memory_space<vmem>>, vector<1x16xf32>,
      %get3A_295 = vector.shape_cast %get3A_294 : vector<1x16xf32> to vector<16xf32>
      %get3A_296 = arith.index_cast %scan3A_122 : i32 to index
      %get3A_297 = arith.constant 160 : index
      %get3A_298 = tpu.vector_load %arg10[%get3A_296, %get3A_297] {strides = array<i32>} : memref<128x256xf32, #tpu.memory_space<vmem>>, vector<1x16xf32>,
      %get3A_299 = vector.shape_cast %get3A_298 : vector<1x16xf32> to vector<16xf32>
      %sub3A_300 = arith.subf %get3A_299, %get3A_295 : vector<16xf32>
      %add3A_301 = arith.addf %get3A_295, %sub3A_300 : vector<16xf32>
      %swap3A_302 = arith.index_cast %scan3A_122 : i32 to index
      %swap3A_303 = arith.constant 160 : index
      %swap3A_304 = tpu.vector_load %arg10[%swap3A_302, %swap3A_303] {strides = array<i32>} : memref<128x256xf32, #tpu.memory_space<vmem>>, vector<1x16xf32>,
      %swap3A_305 = vector.shape_cast %swap3A_304 : vector<1x16xf32> to vector<16xf32>
      %swap3A_306 = vector.shape_cast %add3A_301 : vector<16xf32> to vector<1x16xf32>
      tpu.vector_store %arg10[%swap3A_302, %swap3A_303], %swap3A_306 {strides = array<i32>} : memref<128x256xf32, #tpu.memory_space<vmem>>, vector<1x16xf32>,
      %mul3A_307 = arith.mulf %sub3A_300, %sub3A_300 : vector<16xf32>
      %add3A_308 = arith.addf %add3A_291, %mul3A_307 : vector<16xf32>
      %get3A_309 = arith.index_cast %scan3A_122 : i32 to index
      %get3A_310 = arith.constant 176 : index
      %get3A_311 = tpu.vector_load %arg11[%get3A_309, %get3A_310] {strides = array<i32>} : memref<128x256xf32, #tpu.memory_space<vmem>>, vector<1x16xf32>,
      %get3A_312 = vector.shape_cast %get3A_311 : vector<1x16xf32> to vector<16xf32>
      %get3A_313 = arith.index_cast %scan3A_122 : i32 to index
      %get3A_314 = arith.constant 176 : index
      %get3A_315 = tpu.vector_load %arg10[%get3A_313, %get3A_314] {strides = array<i32>} : memref<128x256xf32, #tpu.memory_space<vmem>>, vector<1x16xf32>,
      %get3A_316 = vector.shape_cast %get3A_315 : vector<1x16xf32> to vector<16xf32>
      %sub3A_317 = arith.subf %get3A_316, %get3A_312 : vector<16xf32>
      %add3A_318 = arith.addf %get3A_312, %sub3A_317 : vector<16xf32>
      %swap3A_319 = arith.index_cast %scan3A_122 : i32 to index
      %swap3A_320 = arith.constant 176 : index
      %swap3A_321 = tpu.vector_load %arg10[%swap3A_319, %swap3A_320] {strides = array<i32>} : memref<128x256xf32, #tpu.memory_space<vmem>>, vector<1x16xf32>,
      %swap3A_322 = vector.shape_cast %swap3A_321 : vector<1x16xf32> to vector<16xf32>
      %swap3A_323 = vector.shape_cast %add3A_318 : vector<16xf32> to vector<1x16xf32>
      tpu.vector_store %arg10[%swap3A_319, %swap3A_320], %swap3A_323 {strides = array<i32>} : memref<128x256xf32, #tpu.memory_space<vmem>>, vector<1x16xf32>,
      %mul3A_324 = arith.mulf %sub3A_317, %sub3A_317 : vector<16xf32>
      %add3A_325 = arith.addf %add3A_308, %mul3A_324 : vector<16xf32>
      %get3A_326 = arith.index_cast %scan3A_122 : i32 to index
      %get3A_327 = arith.constant 192 : index
      %get3A_328 = tpu.vector_load %arg11[%get3A_326, %get3A_327] {strides = array<i32>} : memref<128x256xf32, #tpu.memory_space<vmem>>, vector<1x16xf32>,
      %get3A_329 = vector.shape_cast %get3A_328 : vector<1x16xf32> to vector<16xf32>
      %get3A_330 = arith.index_cast %scan3A_122 : i32 to index
      %get3A_331 = arith.constant 192 : index
      %get3A_332 = tpu.vector_load %arg10[%get3A_330, %get3A_331] {strides = array<i32>} : memref<128x256xf32, #tpu.memory_space<vmem>>, vector<1x16xf32>,
      %get3A_333 = vector.shape_cast %get3A_332 : vector<1x16xf32> to vector<16xf32>
      %sub3A_334 = arith.subf %get3A_333, %get3A_329 : vector<16xf32>
      %add3A_335 = arith.addf %get3A_329, %sub3A_334 : vector<16xf32>
      %swap3A_336 = arith.index_cast %scan3A_122 : i32 to index
      %swap3A_337 = arith.constant 192 : index
      %swap3A_338 = tpu.vector_load %arg10[%swap3A_336, %swap3A_337] {strides = array<i32>} : memref<128x256xf32, #tpu.memory_space<vmem>>, vector<1x16xf32>,
      %swap3A_339 = vector.shape_cast %swap3A_338 : vector<1x16xf32> to vector<16xf32>
      %swap3A_340 = vector.shape_cast %add3A_335 : vector<16xf32> to vector<1x16xf32>
      tpu.vector_store %arg10[%swap3A_336, %swap3A_337], %swap3A_340 {strides = array<i32>} : memref<128x256xf32, #tpu.memory_space<vmem>>, vector<1x16xf32>,
      %mul3A_341 = arith.mulf %sub3A_334, %sub3A_334 : vector<16xf32>
      %add3A_342 = arith.addf %add3A_325, %mul3A_341 : vector<16xf32>
      %get3A_343 = arith.index_cast %scan3A_122 : i32 to index
      %get3A_344 = arith.constant 208 : index
      %get3A_345 = tpu.vector_load %arg11[%get3A_343, %get3A_344] {strides = array<i32>} : memref<128x256xf32, #tpu.memory_space<vmem>>, vector<1x16xf32>,
      %get3A_346 = vector.shape_cast %get3A_345 : vector<1x16xf32> to vector<16xf32>
      %get3A_347 = arith.index_cast %scan3A_122 : i32 to index
      %get3A_348 = arith.constant 208 : index
      %get3A_349 = tpu.vector_load %arg10[%get3A_347, %get3A_348] {strides = array<i32>} : memref<128x256xf32, #tpu.memory_space<vmem>>, vector<1x16xf32>,
      %get3A_350 = vector.shape_cast %get3A_349 : vector<1x16xf32> to vector<16xf32>
      %sub3A_351 = arith.subf %get3A_350, %get3A_346 : vector<16xf32>
      %add3A_352 = arith.addf %get3A_346, %sub3A_351 : vector<16xf32>
      %swap3A_353 = arith.index_cast %scan3A_122 : i32 to index
      %swap3A_354 = arith.constant 208 : index
      %swap3A_355 = tpu.vector_load %arg10[%swap3A_353, %swap3A_354] {strides = array<i32>} : memref<128x256xf32, #tpu.memory_space<vmem>>, vector<1x16xf32>,
      %swap3A_356 = vector.shape_cast %swap3A_355 : vector<1x16xf32> to vector<16xf32>
      %swap3A_357 = vector.shape_cast %add3A_352 : vector<16xf32> to vector<1x16xf32>
      tpu.vector_store %arg10[%swap3A_353, %swap3A_354], %swap3A_357 {strides = array<i32>} : memref<128x256xf32, #tpu.memory_space<vmem>>, vector<1x16xf32>,
      %mul3A_358 = arith.mulf %sub3A_351, %sub3A_351 : vector<16xf32>
      %add3A_359 = arith.addf %add3A_342, %mul3A_358 : vector<16xf32>
      %get3A_360 = arith.index_cast %scan3A_122 : i32 to index
      %get3A_361 = arith.constant 224 : index
      %get3A_362 = tpu.vector_load %arg11[%get3A_360, %get3A_361] {strides = array<i32>} : memref<128x256xf32, #tpu.memory_space<vmem>>, vector<1x16xf32>,
      %get3A_363 = vector.shape_cast %get3A_362 : vector<1x16xf32> to vector<16xf32>
      %get3A_364 = arith.index_cast %scan3A_122 : i32 to index
      %get3A_365 = arith.constant 224 : index
      %get3A_366 = tpu.vector_load %arg10[%get3A_364, %get3A_365] {strides = array<i32>} : memref<128x256xf32, #tpu.memory_space<vmem>>, vector<1x16xf32>,
      %get3A_367 = vector.shape_cast %get3A_366 : vector<1x16xf32> to vector<16xf32>
      %sub3A_368 = arith.subf %get3A_367, %get3A_363 : vector<16xf32>
      %add3A_369 = arith.addf %get3A_363, %sub3A_368 : vector<16xf32>
      %swap3A_370 = arith.index_cast %scan3A_122 : i32 to index
      %swap3A_371 = arith.constant 224 : index
      %swap3A_372 = tpu.vector_load %arg10[%swap3A_370, %swap3A_371] {strides = array<i32>} : memref<128x256xf32, #tpu.memory_space<vmem>>, vector<1x16xf32>,
      %swap3A_373 = vector.shape_cast %swap3A_372 : vector<1x16xf32> to vector<16xf32>
      %swap3A_374 = vector.shape_cast %add3A_369 : vector<16xf32> to vector<1x16xf32>
      tpu.vector_store %arg10[%swap3A_370, %swap3A_371], %swap3A_374 {strides = array<i32>} : memref<128x256xf32, #tpu.memory_space<vmem>>, vector<1x16xf32>,
      %mul3A_375 = arith.mulf %sub3A_368, %sub3A_368 : vector<16xf32>
      %add3A_376 = arith.addf %add3A_359, %mul3A_375 : vector<16xf32>
      %get3A_377 = arith.index_cast %scan3A_122 : i32 to index
      %get3A_378 = arith.constant 240 : index
      %get3A_379 = tpu.vector_load %arg11[%get3A_377, %get3A_378] {strides = array<i32>} : memref<128x256xf32, #tpu.memory_space<vmem>>, vector<1x16xf32>,
      %get3A_380 = vector.shape_cast %get3A_379 : vector<1x16xf32> to vector<16xf32>
      %get3A_381 = arith.index_cast %scan3A_122 : i32 to index
      %get3A_382 = arith.constant 240 : index
      %get3A_383 = tpu.vector_load %arg10[%get3A_381, %get3A_382] {strides = array<i32>} : memref<128x256xf32, #tpu.memory_space<vmem>>, vector<1x16xf32>,
      %get3A_384 = vector.shape_cast %get3A_383 : vector<1x16xf32> to vector<16xf32>
      %sub3A_385 = arith.subf %get3A_384, %get3A_380 : vector<16xf32>
      %add3A_386 = arith.addf %get3A_380, %sub3A_385 : vector<16xf32>
      %swap3A_387 = arith.index_cast %scan3A_122 : i32 to index
      %swap3A_388 = arith.constant 240 : index
      %swap3A_389 = tpu.vector_load %arg10[%swap3A_387, %swap3A_388] {strides = array<i32>} : memref<128x256xf32, #tpu.memory_space<vmem>>, vector<1x16xf32>,
      %swap3A_390 = vector.shape_cast %swap3A_389 : vector<1x16xf32> to vector<16xf32>
      %swap3A_391 = vector.shape_cast %add3A_386 : vector<16xf32> to vector<1x16xf32>
      tpu.vector_store %arg10[%swap3A_387, %swap3A_388], %swap3A_391 {strides = array<i32>} : memref<128x256xf32, #tpu.memory_space<vmem>>, vector<1x16xf32>,
      %mul3A_392 = arith.mulf %sub3A_385, %sub3A_385 : vector<16xf32>
      %add3A_393 = arith.addf %add3A_376, %mul3A_392 : vector<16xf32>
      scf.yield %add3A_393 : vector<16xf32>
    }
    %scan3A_90 = arith.constant 128 : i32
    "tpu.region"() ({
      %run_scoped3A_122 = tpu.sem_alloc : memref<!tpu.dma_semaphore, #tpu.memory_space<semaphore_mem>>
      %dma_start3A_123 = arith.constant 0 : i32
      %dma_start3A_124 = tpu.memref_slice %arg6[%add3A_70, %dma_start3A_123] : memref<16384x256xf32, #tpu.memory_space<hbm>> -> memref<128x256xf32, #tpu.memory_space<hbm>>
      %dma_start3A_125 = arith.constant 0 : i32
      %dma_start3A_126 = tpu.memref_slice %arg6[%add3A_70, %dma_start3A_125] : memref<16384x256xf32, #tpu.memory_space<hbm>> -> memref<128x256xf32, #tpu.memory_space<hbm>>
      tpu.enqueue_dma source(%arg10 : memref<128x256xf32, #tpu.memory_space<vmem>>) target(%dma_start3A_126 : memref<128x256xf32, #tpu.memory_space<hbm>>) target_semaphore(%run_scoped3A_122 : memref<!tpu.dma_semaphore, #tpu.memory_space<semaphore_mem>>)
      %dma_wait3A_127 = arith.constant 0 : i32
      %dma_wait3A_128 = tpu.memref_slice %arg6[%add3A_70, %dma_wait3A_127] : memref<16384x256xf32, #tpu.memory_space<hbm>> -> memref<128x256xf32, #tpu.memory_space<hbm>>
      %dma_wait3A_129 = arith.constant 0 : i32
      %dma_wait3A_130 = tpu.memref_slice %arg6[%add3A_70, %dma_wait3A_129] : memref<16384x256xf32, #tpu.memory_space<hbm>> -> memref<128x256xf32, #tpu.memory_space<hbm>>
      tpu.wait_dma2 semaphore(%run_scoped3A_122 : memref<!tpu.dma_semaphore, #tpu.memory_space<semaphore_mem>>) src(%arg10 : memref<128x256xf32, #tpu.memory_space<vmem>>) dst(%dma_wait3A_130 : memref<128x256xf32, #tpu.memory_space<hbm>>)
      tpu.yield
    }) : () -> ()
    %add3A_91 = arith.constant 384 : i32
    %add3A_92 = arith.addi %mul3A_2, %add3A_91 : i32
    %dma_start3A_93 = arith.constant 3 : i32
    %dma_start3A_94 = arith.constant 0 : i32
    %dma_start3A_95 = tpu.memref_slice %arg9[%dma_start3A_93, %dma_start3A_94] : memref<4x128xi32, #tpu.memory_space<vmem>> -> memref<1x128xi32, #tpu.memory_space<vmem>>
    %dma_start3A_96 = tpu.memref_squeeze %dma_start3A_95 : memref<1x128xi32, #tpu.memory_space<vmem>> -> memref<128xi32, #tpu.memory_space<vmem>>
    %dma_start3A_97 = arith.constant 0 : i32
    %dma_start3A_98 = arith.constant 0 : i32
    %dma_start3A_99 = tpu.memref_slice %arg3[%dma_start3A_97, %dma_start3A_98] : memref<8192x256xf32, #tpu.memory_space<hbm>> -> memref<8192x256xf32, #tpu.memory_space<hbm>>
    tpu.enqueue_indirect_dma source(%dma_start3A_99 : memref<8192x256xf32, #tpu.memory_space<hbm>>) target(%arg10 : memref<128x256xf32, #tpu.memory_space<vmem>>) offsets(%dma_start3A_96 : memref<128xi32, #tpu.memory_space<vmem>>) semaphore(%arg15 : memref<!tpu.dma_semaphore, #tpu.memory_space<semaphore_mem>>)
    "tpu.region"() ({
      %run_scoped3A_122 = tpu.sem_alloc : memref<!tpu.dma_semaphore, #tpu.memory_space<semaphore_mem>>
      %dma_start3A_123 = arith.constant 0 : i32
      %dma_start3A_124 = tpu.memref_slice %arg2[%add3A_92, %dma_start3A_123] : memref<16384x256xf32, #tpu.memory_space<hbm>> -> memref<128x256xf32, #tpu.memory_space<hbm>>
      %dma_start3A_125 = arith.constant 0 : i32
      %dma_start3A_126 = tpu.memref_slice %arg2[%add3A_92, %dma_start3A_125] : memref<16384x256xf32, #tpu.memory_space<hbm>> -> memref<128x256xf32, #tpu.memory_space<hbm>>
      tpu.enqueue_dma source(%dma_start3A_126 : memref<128x256xf32, #tpu.memory_space<hbm>>) target(%arg11 : memref<128x256xf32, #tpu.memory_space<vmem>>) target_semaphore(%run_scoped3A_122 : memref<!tpu.dma_semaphore, #tpu.memory_space<semaphore_mem>>)
      %dma_wait3A_127 = arith.constant 0 : i32
      %dma_wait3A_128 = tpu.memref_slice %arg2[%add3A_92, %dma_wait3A_127] : memref<16384x256xf32, #tpu.memory_space<hbm>> -> memref<128x256xf32, #tpu.memory_space<hbm>>
      %dma_wait3A_129 = arith.constant 0 : i32
      %dma_wait3A_130 = tpu.memref_slice %arg2[%add3A_92, %dma_wait3A_129] : memref<16384x256xf32, #tpu.memory_space<hbm>> -> memref<128x256xf32, #tpu.memory_space<hbm>>
      tpu.wait_dma2 semaphore(%run_scoped3A_122 : memref<!tpu.dma_semaphore, #tpu.memory_space<semaphore_mem>>) src(%dma_wait3A_130 : memref<128x256xf32, #tpu.memory_space<hbm>>) dst(%arg11 : memref<128x256xf32, #tpu.memory_space<vmem>>)
      tpu.yield
    }) : () -> ()
    %dma_wait3A_100 = arith.constant 3 : i32
    %dma_wait3A_101 = arith.constant 0 : i32
    %dma_wait3A_102 = tpu.memref_slice %arg9[%dma_wait3A_100, %dma_wait3A_101] : memref<4x128xi32, #tpu.memory_space<vmem>> -> memref<1x128xi32, #tpu.memory_space<vmem>>
    %dma_wait3A_103 = tpu.memref_squeeze %dma_wait3A_102 : memref<1x128xi32, #tpu.memory_space<vmem>> -> memref<128xi32, #tpu.memory_space<vmem>>
    %dma_wait3A_104 = arith.constant 0 : i32
    %dma_wait3A_105 = arith.constant 0 : i32
    %dma_wait3A_106 = tpu.memref_slice %arg3[%dma_wait3A_104, %dma_wait3A_105] : memref<8192x256xf32, #tpu.memory_space<hbm>> -> memref<8192x256xf32, #tpu.memory_space<hbm>>
    tpu.wait_indirect_dma semaphore(%arg15 : memref<!tpu.dma_semaphore, #tpu.memory_space<semaphore_mem>>) src(%dma_wait3A_106 : memref<8192x256xf32, #tpu.memory_space<hbm>>) dst(%arg10 : memref<128x256xf32, #tpu.memory_space<vmem>>)
    %scan3A_107 = arith.constant 0 : i32
    %scan3A_108 = arith.constant 128 : i32
    %scan3A_109 = arith.addi %scan3A_107, %scan3A_108 : i32
    %scan3A_110 = arith.constant 1 : i32
    %scan3A_111 = scf.for %scan3A_122 = %scan3A_107 to %scan3A_109 step %scan3A_110 iter_args(%scan3A_123 = %scan3A_89) -> (vector<16xf32>)  : i32 {
      %get3A = arith.index_cast %scan3A_122 : i32 to index
      %get3A_124 = arith.constant 0 : index
      %get3A_125 = tpu.vector_load %arg11[%get3A, %get3A_124] {strides = array<i32>} : memref<128x256xf32, #tpu.memory_space<vmem>>, vector<1x16xf32>,
      %get3A_126 = vector.shape_cast %get3A_125 : vector<1x16xf32> to vector<16xf32>
      %get3A_127 = arith.index_cast %scan3A_122 : i32 to index
      %get3A_128 = arith.constant 0 : index
      %get3A_129 = tpu.vector_load %arg10[%get3A_127, %get3A_128] {strides = array<i32>} : memref<128x256xf32, #tpu.memory_space<vmem>>, vector<1x16xf32>,
      %get3A_130 = vector.shape_cast %get3A_129 : vector<1x16xf32> to vector<16xf32>
      %sub3A = arith.subf %get3A_130, %get3A_126 : vector<16xf32>
      %add3A_131 = arith.addf %get3A_126, %sub3A : vector<16xf32>
      %swap3A_132 = arith.index_cast %scan3A_122 : i32 to index
      %swap3A_133 = arith.constant 0 : index
      %swap3A_134 = tpu.vector_load %arg10[%swap3A_132, %swap3A_133] {strides = array<i32>} : memref<128x256xf32, #tpu.memory_space<vmem>>, vector<1x16xf32>,
      %swap3A_135 = vector.shape_cast %swap3A_134 : vector<1x16xf32> to vector<16xf32>
      %swap3A_136 = vector.shape_cast %add3A_131 : vector<16xf32> to vector<1x16xf32>
      tpu.vector_store %arg10[%swap3A_132, %swap3A_133], %swap3A_136 {strides = array<i32>} : memref<128x256xf32, #tpu.memory_space<vmem>>, vector<1x16xf32>,
      %mul3A_137 = arith.mulf %sub3A, %sub3A : vector<16xf32>
      %add3A_138 = arith.addf %scan3A_123, %mul3A_137 : vector<16xf32>
      %get3A_139 = arith.index_cast %scan3A_122 : i32 to index
      %get3A_140 = arith.constant 16 : index
      %get3A_141 = tpu.vector_load %arg11[%get3A_139, %get3A_140] {strides = array<i32>} : memref<128x256xf32, #tpu.memory_space<vmem>>, vector<1x16xf32>,
      %get3A_142 = vector.shape_cast %get3A_141 : vector<1x16xf32> to vector<16xf32>
      %get3A_143 = arith.index_cast %scan3A_122 : i32 to index
      %get3A_144 = arith.constant 16 : index
      %get3A_145 = tpu.vector_load %arg10[%get3A_143, %get3A_144] {strides = array<i32>} : memref<128x256xf32, #tpu.memory_space<vmem>>, vector<1x16xf32>,
      %get3A_146 = vector.shape_cast %get3A_145 : vector<1x16xf32> to vector<16xf32>
      %sub3A_147 = arith.subf %get3A_146, %get3A_142 : vector<16xf32>
      %add3A_148 = arith.addf %get3A_142, %sub3A_147 : vector<16xf32>
      %swap3A_149 = arith.index_cast %scan3A_122 : i32 to index
      %swap3A_150 = arith.constant 16 : index
      %swap3A_151 = tpu.vector_load %arg10[%swap3A_149, %swap3A_150] {strides = array<i32>} : memref<128x256xf32, #tpu.memory_space<vmem>>, vector<1x16xf32>,
      %swap3A_152 = vector.shape_cast %swap3A_151 : vector<1x16xf32> to vector<16xf32>
      %swap3A_153 = vector.shape_cast %add3A_148 : vector<16xf32> to vector<1x16xf32>
      tpu.vector_store %arg10[%swap3A_149, %swap3A_150], %swap3A_153 {strides = array<i32>} : memref<128x256xf32, #tpu.memory_space<vmem>>, vector<1x16xf32>,
      %mul3A_154 = arith.mulf %sub3A_147, %sub3A_147 : vector<16xf32>
      %add3A_155 = arith.addf %add3A_138, %mul3A_154 : vector<16xf32>
      %get3A_156 = arith.index_cast %scan3A_122 : i32 to index
      %get3A_157 = arith.constant 32 : index
      %get3A_158 = tpu.vector_load %arg11[%get3A_156, %get3A_157] {strides = array<i32>} : memref<128x256xf32, #tpu.memory_space<vmem>>, vector<1x16xf32>,
      %get3A_159 = vector.shape_cast %get3A_158 : vector<1x16xf32> to vector<16xf32>
      %get3A_160 = arith.index_cast %scan3A_122 : i32 to index
      %get3A_161 = arith.constant 32 : index
      %get3A_162 = tpu.vector_load %arg10[%get3A_160, %get3A_161] {strides = array<i32>} : memref<128x256xf32, #tpu.memory_space<vmem>>, vector<1x16xf32>,
      %get3A_163 = vector.shape_cast %get3A_162 : vector<1x16xf32> to vector<16xf32>
      %sub3A_164 = arith.subf %get3A_163, %get3A_159 : vector<16xf32>
      %add3A_165 = arith.addf %get3A_159, %sub3A_164 : vector<16xf32>
      %swap3A_166 = arith.index_cast %scan3A_122 : i32 to index
      %swap3A_167 = arith.constant 32 : index
      %swap3A_168 = tpu.vector_load %arg10[%swap3A_166, %swap3A_167] {strides = array<i32>} : memref<128x256xf32, #tpu.memory_space<vmem>>, vector<1x16xf32>,
      %swap3A_169 = vector.shape_cast %swap3A_168 : vector<1x16xf32> to vector<16xf32>
      %swap3A_170 = vector.shape_cast %add3A_165 : vector<16xf32> to vector<1x16xf32>
      tpu.vector_store %arg10[%swap3A_166, %swap3A_167], %swap3A_170 {strides = array<i32>} : memref<128x256xf32, #tpu.memory_space<vmem>>, vector<1x16xf32>,
      %mul3A_171 = arith.mulf %sub3A_164, %sub3A_164 : vector<16xf32>
      %add3A_172 = arith.addf %add3A_155, %mul3A_171 : vector<16xf32>
      %get3A_173 = arith.index_cast %scan3A_122 : i32 to index
      %get3A_174 = arith.constant 48 : index
      %get3A_175 = tpu.vector_load %arg11[%get3A_173, %get3A_174] {strides = array<i32>} : memref<128x256xf32, #tpu.memory_space<vmem>>, vector<1x16xf32>,
      %get3A_176 = vector.shape_cast %get3A_175 : vector<1x16xf32> to vector<16xf32>
      %get3A_177 = arith.index_cast %scan3A_122 : i32 to index
      %get3A_178 = arith.constant 48 : index
      %get3A_179 = tpu.vector_load %arg10[%get3A_177, %get3A_178] {strides = array<i32>} : memref<128x256xf32, #tpu.memory_space<vmem>>, vector<1x16xf32>,
      %get3A_180 = vector.shape_cast %get3A_179 : vector<1x16xf32> to vector<16xf32>
      %sub3A_181 = arith.subf %get3A_180, %get3A_176 : vector<16xf32>
      %add3A_182 = arith.addf %get3A_176, %sub3A_181 : vector<16xf32>
      %swap3A_183 = arith.index_cast %scan3A_122 : i32 to index
      %swap3A_184 = arith.constant 48 : index
      %swap3A_185 = tpu.vector_load %arg10[%swap3A_183, %swap3A_184] {strides = array<i32>} : memref<128x256xf32, #tpu.memory_space<vmem>>, vector<1x16xf32>,
      %swap3A_186 = vector.shape_cast %swap3A_185 : vector<1x16xf32> to vector<16xf32>
      %swap3A_187 = vector.shape_cast %add3A_182 : vector<16xf32> to vector<1x16xf32>
      tpu.vector_store %arg10[%swap3A_183, %swap3A_184], %swap3A_187 {strides = array<i32>} : memref<128x256xf32, #tpu.memory_space<vmem>>, vector<1x16xf32>,
      %mul3A_188 = arith.mulf %sub3A_181, %sub3A_181 : vector<16xf32>
      %add3A_189 = arith.addf %add3A_172, %mul3A_188 : vector<16xf32>
      %get3A_190 = arith.index_cast %scan3A_122 : i32 to index
      %get3A_191 = arith.constant 64 : index
      %get3A_192 = tpu.vector_load %arg11[%get3A_190, %get3A_191] {strides = array<i32>} : memref<128x256xf32, #tpu.memory_space<vmem>>, vector<1x16xf32>,
      %get3A_193 = vector.shape_cast %get3A_192 : vector<1x16xf32> to vector<16xf32>
      %get3A_194 = arith.index_cast %scan3A_122 : i32 to index
      %get3A_195 = arith.constant 64 : index
      %get3A_196 = tpu.vector_load %arg10[%get3A_194, %get3A_195] {strides = array<i32>} : memref<128x256xf32, #tpu.memory_space<vmem>>, vector<1x16xf32>,
      %get3A_197 = vector.shape_cast %get3A_196 : vector<1x16xf32> to vector<16xf32>
      %sub3A_198 = arith.subf %get3A_197, %get3A_193 : vector<16xf32>
      %add3A_199 = arith.addf %get3A_193, %sub3A_198 : vector<16xf32>
      %swap3A_200 = arith.index_cast %scan3A_122 : i32 to index
      %swap3A_201 = arith.constant 64 : index
      %swap3A_202 = tpu.vector_load %arg10[%swap3A_200, %swap3A_201] {strides = array<i32>} : memref<128x256xf32, #tpu.memory_space<vmem>>, vector<1x16xf32>,
      %swap3A_203 = vector.shape_cast %swap3A_202 : vector<1x16xf32> to vector<16xf32>
      %swap3A_204 = vector.shape_cast %add3A_199 : vector<16xf32> to vector<1x16xf32>
      tpu.vector_store %arg10[%swap3A_200, %swap3A_201], %swap3A_204 {strides = array<i32>} : memref<128x256xf32, #tpu.memory_space<vmem>>, vector<1x16xf32>,
      %mul3A_205 = arith.mulf %sub3A_198, %sub3A_198 : vector<16xf32>
      %add3A_206 = arith.addf %add3A_189, %mul3A_205 : vector<16xf32>
      %get3A_207 = arith.index_cast %scan3A_122 : i32 to index
      %get3A_208 = arith.constant 80 : index
      %get3A_209 = tpu.vector_load %arg11[%get3A_207, %get3A_208] {strides = array<i32>} : memref<128x256xf32, #tpu.memory_space<vmem>>, vector<1x16xf32>,
      %get3A_210 = vector.shape_cast %get3A_209 : vector<1x16xf32> to vector<16xf32>
      %get3A_211 = arith.index_cast %scan3A_122 : i32 to index
      %get3A_212 = arith.constant 80 : index
      %get3A_213 = tpu.vector_load %arg10[%get3A_211, %get3A_212] {strides = array<i32>} : memref<128x256xf32, #tpu.memory_space<vmem>>, vector<1x16xf32>,
      %get3A_214 = vector.shape_cast %get3A_213 : vector<1x16xf32> to vector<16xf32>
      %sub3A_215 = arith.subf %get3A_214, %get3A_210 : vector<16xf32>
      %add3A_216 = arith.addf %get3A_210, %sub3A_215 : vector<16xf32>
      %swap3A_217 = arith.index_cast %scan3A_122 : i32 to index
      %swap3A_218 = arith.constant 80 : index
      %swap3A_219 = tpu.vector_load %arg10[%swap3A_217, %swap3A_218] {strides = array<i32>} : memref<128x256xf32, #tpu.memory_space<vmem>>, vector<1x16xf32>,
      %swap3A_220 = vector.shape_cast %swap3A_219 : vector<1x16xf32> to vector<16xf32>
      %swap3A_221 = vector.shape_cast %add3A_216 : vector<16xf32> to vector<1x16xf32>
      tpu.vector_store %arg10[%swap3A_217, %swap3A_218], %swap3A_221 {strides = array<i32>} : memref<128x256xf32, #tpu.memory_space<vmem>>, vector<1x16xf32>,
      %mul3A_222 = arith.mulf %sub3A_215, %sub3A_215 : vector<16xf32>
      %add3A_223 = arith.addf %add3A_206, %mul3A_222 : vector<16xf32>
      %get3A_224 = arith.index_cast %scan3A_122 : i32 to index
      %get3A_225 = arith.constant 96 : index
      %get3A_226 = tpu.vector_load %arg11[%get3A_224, %get3A_225] {strides = array<i32>} : memref<128x256xf32, #tpu.memory_space<vmem>>, vector<1x16xf32>,
      %get3A_227 = vector.shape_cast %get3A_226 : vector<1x16xf32> to vector<16xf32>
      %get3A_228 = arith.index_cast %scan3A_122 : i32 to index
      %get3A_229 = arith.constant 96 : index
      %get3A_230 = tpu.vector_load %arg10[%get3A_228, %get3A_229] {strides = array<i32>} : memref<128x256xf32, #tpu.memory_space<vmem>>, vector<1x16xf32>,
      %get3A_231 = vector.shape_cast %get3A_230 : vector<1x16xf32> to vector<16xf32>
      %sub3A_232 = arith.subf %get3A_231, %get3A_227 : vector<16xf32>
      %add3A_233 = arith.addf %get3A_227, %sub3A_232 : vector<16xf32>
      %swap3A_234 = arith.index_cast %scan3A_122 : i32 to index
      %swap3A_235 = arith.constant 96 : index
      %swap3A_236 = tpu.vector_load %arg10[%swap3A_234, %swap3A_235] {strides = array<i32>} : memref<128x256xf32, #tpu.memory_space<vmem>>, vector<1x16xf32>,
      %swap3A_237 = vector.shape_cast %swap3A_236 : vector<1x16xf32> to vector<16xf32>
      %swap3A_238 = vector.shape_cast %add3A_233 : vector<16xf32> to vector<1x16xf32>
      tpu.vector_store %arg10[%swap3A_234, %swap3A_235], %swap3A_238 {strides = array<i32>} : memref<128x256xf32, #tpu.memory_space<vmem>>, vector<1x16xf32>,
      %mul3A_239 = arith.mulf %sub3A_232, %sub3A_232 : vector<16xf32>
      %add3A_240 = arith.addf %add3A_223, %mul3A_239 : vector<16xf32>
      %get3A_241 = arith.index_cast %scan3A_122 : i32 to index
      %get3A_242 = arith.constant 112 : index
      %get3A_243 = tpu.vector_load %arg11[%get3A_241, %get3A_242] {strides = array<i32>} : memref<128x256xf32, #tpu.memory_space<vmem>>, vector<1x16xf32>,
      %get3A_244 = vector.shape_cast %get3A_243 : vector<1x16xf32> to vector<16xf32>
      %get3A_245 = arith.index_cast %scan3A_122 : i32 to index
      %get3A_246 = arith.constant 112 : index
      %get3A_247 = tpu.vector_load %arg10[%get3A_245, %get3A_246] {strides = array<i32>} : memref<128x256xf32, #tpu.memory_space<vmem>>, vector<1x16xf32>,
      %get3A_248 = vector.shape_cast %get3A_247 : vector<1x16xf32> to vector<16xf32>
      %sub3A_249 = arith.subf %get3A_248, %get3A_244 : vector<16xf32>
      %add3A_250 = arith.addf %get3A_244, %sub3A_249 : vector<16xf32>
      %swap3A_251 = arith.index_cast %scan3A_122 : i32 to index
      %swap3A_252 = arith.constant 112 : index
      %swap3A_253 = tpu.vector_load %arg10[%swap3A_251, %swap3A_252] {strides = array<i32>} : memref<128x256xf32, #tpu.memory_space<vmem>>, vector<1x16xf32>,
      %swap3A_254 = vector.shape_cast %swap3A_253 : vector<1x16xf32> to vector<16xf32>
      %swap3A_255 = vector.shape_cast %add3A_250 : vector<16xf32> to vector<1x16xf32>
      tpu.vector_store %arg10[%swap3A_251, %swap3A_252], %swap3A_255 {strides = array<i32>} : memref<128x256xf32, #tpu.memory_space<vmem>>, vector<1x16xf32>,
      %mul3A_256 = arith.mulf %sub3A_249, %sub3A_249 : vector<16xf32>
      %add3A_257 = arith.addf %add3A_240, %mul3A_256 : vector<16xf32>
      %get3A_258 = arith.index_cast %scan3A_122 : i32 to index
      %get3A_259 = arith.constant 128 : index
      %get3A_260 = tpu.vector_load %arg11[%get3A_258, %get3A_259] {strides = array<i32>} : memref<128x256xf32, #tpu.memory_space<vmem>>, vector<1x16xf32>,
      %get3A_261 = vector.shape_cast %get3A_260 : vector<1x16xf32> to vector<16xf32>
      %get3A_262 = arith.index_cast %scan3A_122 : i32 to index
      %get3A_263 = arith.constant 128 : index
      %get3A_264 = tpu.vector_load %arg10[%get3A_262, %get3A_263] {strides = array<i32>} : memref<128x256xf32, #tpu.memory_space<vmem>>, vector<1x16xf32>,
      %get3A_265 = vector.shape_cast %get3A_264 : vector<1x16xf32> to vector<16xf32>
      %sub3A_266 = arith.subf %get3A_265, %get3A_261 : vector<16xf32>
      %add3A_267 = arith.addf %get3A_261, %sub3A_266 : vector<16xf32>
      %swap3A_268 = arith.index_cast %scan3A_122 : i32 to index
      %swap3A_269 = arith.constant 128 : index
      %swap3A_270 = tpu.vector_load %arg10[%swap3A_268, %swap3A_269] {strides = array<i32>} : memref<128x256xf32, #tpu.memory_space<vmem>>, vector<1x16xf32>,
      %swap3A_271 = vector.shape_cast %swap3A_270 : vector<1x16xf32> to vector<16xf32>
      %swap3A_272 = vector.shape_cast %add3A_267 : vector<16xf32> to vector<1x16xf32>
      tpu.vector_store %arg10[%swap3A_268, %swap3A_269], %swap3A_272 {strides = array<i32>} : memref<128x256xf32, #tpu.memory_space<vmem>>, vector<1x16xf32>,
      %mul3A_273 = arith.mulf %sub3A_266, %sub3A_266 : vector<16xf32>
      %add3A_274 = arith.addf %add3A_257, %mul3A_273 : vector<16xf32>
      %get3A_275 = arith.index_cast %scan3A_122 : i32 to index
      %get3A_276 = arith.constant 144 : index
      %get3A_277 = tpu.vector_load %arg11[%get3A_275, %get3A_276] {strides = array<i32>} : memref<128x256xf32, #tpu.memory_space<vmem>>, vector<1x16xf32>,
      %get3A_278 = vector.shape_cast %get3A_277 : vector<1x16xf32> to vector<16xf32>
      %get3A_279 = arith.index_cast %scan3A_122 : i32 to index
      %get3A_280 = arith.constant 144 : index
      %get3A_281 = tpu.vector_load %arg10[%get3A_279, %get3A_280] {strides = array<i32>} : memref<128x256xf32, #tpu.memory_space<vmem>>, vector<1x16xf32>,
      %get3A_282 = vector.shape_cast %get3A_281 : vector<1x16xf32> to vector<16xf32>
      %sub3A_283 = arith.subf %get3A_282, %get3A_278 : vector<16xf32>
      %add3A_284 = arith.addf %get3A_278, %sub3A_283 : vector<16xf32>
      %swap3A_285 = arith.index_cast %scan3A_122 : i32 to index
      %swap3A_286 = arith.constant 144 : index
      %swap3A_287 = tpu.vector_load %arg10[%swap3A_285, %swap3A_286] {strides = array<i32>} : memref<128x256xf32, #tpu.memory_space<vmem>>, vector<1x16xf32>,
      %swap3A_288 = vector.shape_cast %swap3A_287 : vector<1x16xf32> to vector<16xf32>
      %swap3A_289 = vector.shape_cast %add3A_284 : vector<16xf32> to vector<1x16xf32>
      tpu.vector_store %arg10[%swap3A_285, %swap3A_286], %swap3A_289 {strides = array<i32>} : memref<128x256xf32, #tpu.memory_space<vmem>>, vector<1x16xf32>,
      %mul3A_290 = arith.mulf %sub3A_283, %sub3A_283 : vector<16xf32>
      %add3A_291 = arith.addf %add3A_274, %mul3A_290 : vector<16xf32>
      %get3A_292 = arith.index_cast %scan3A_122 : i32 to index
      %get3A_293 = arith.constant 160 : index
      %get3A_294 = tpu.vector_load %arg11[%get3A_292, %get3A_293] {strides = array<i32>} : memref<128x256xf32, #tpu.memory_space<vmem>>, vector<1x16xf32>,
      %get3A_295 = vector.shape_cast %get3A_294 : vector<1x16xf32> to vector<16xf32>
      %get3A_296 = arith.index_cast %scan3A_122 : i32 to index
      %get3A_297 = arith.constant 160 : index
      %get3A_298 = tpu.vector_load %arg10[%get3A_296, %get3A_297] {strides = array<i32>} : memref<128x256xf32, #tpu.memory_space<vmem>>, vector<1x16xf32>,
      %get3A_299 = vector.shape_cast %get3A_298 : vector<1x16xf32> to vector<16xf32>
      %sub3A_300 = arith.subf %get3A_299, %get3A_295 : vector<16xf32>
      %add3A_301 = arith.addf %get3A_295, %sub3A_300 : vector<16xf32>
      %swap3A_302 = arith.index_cast %scan3A_122 : i32 to index
      %swap3A_303 = arith.constant 160 : index
      %swap3A_304 = tpu.vector_load %arg10[%swap3A_302, %swap3A_303] {strides = array<i32>} : memref<128x256xf32, #tpu.memory_space<vmem>>, vector<1x16xf32>,
      %swap3A_305 = vector.shape_cast %swap3A_304 : vector<1x16xf32> to vector<16xf32>
      %swap3A_306 = vector.shape_cast %add3A_301 : vector<16xf32> to vector<1x16xf32>
      tpu.vector_store %arg10[%swap3A_302, %swap3A_303], %swap3A_306 {strides = array<i32>} : memref<128x256xf32, #tpu.memory_space<vmem>>, vector<1x16xf32>,
      %mul3A_307 = arith.mulf %sub3A_300, %sub3A_300 : vector<16xf32>
      %add3A_308 = arith.addf %add3A_291, %mul3A_307 : vector<16xf32>
      %get3A_309 = arith.index_cast %scan3A_122 : i32 to index
      %get3A_310 = arith.constant 176 : index
      %get3A_311 = tpu.vector_load %arg11[%get3A_309, %get3A_310] {strides = array<i32>} : memref<128x256xf32, #tpu.memory_space<vmem>>, vector<1x16xf32>,
      %get3A_312 = vector.shape_cast %get3A_311 : vector<1x16xf32> to vector<16xf32>
      %get3A_313 = arith.index_cast %scan3A_122 : i32 to index
      %get3A_314 = arith.constant 176 : index
      %get3A_315 = tpu.vector_load %arg10[%get3A_313, %get3A_314] {strides = array<i32>} : memref<128x256xf32, #tpu.memory_space<vmem>>, vector<1x16xf32>,
      %get3A_316 = vector.shape_cast %get3A_315 : vector<1x16xf32> to vector<16xf32>
      %sub3A_317 = arith.subf %get3A_316, %get3A_312 : vector<16xf32>
      %add3A_318 = arith.addf %get3A_312, %sub3A_317 : vector<16xf32>
      %swap3A_319 = arith.index_cast %scan3A_122 : i32 to index
      %swap3A_320 = arith.constant 176 : index
      %swap3A_321 = tpu.vector_load %arg10[%swap3A_319, %swap3A_320] {strides = array<i32>} : memref<128x256xf32, #tpu.memory_space<vmem>>, vector<1x16xf32>,
      %swap3A_322 = vector.shape_cast %swap3A_321 : vector<1x16xf32> to vector<16xf32>
      %swap3A_323 = vector.shape_cast %add3A_318 : vector<16xf32> to vector<1x16xf32>
      tpu.vector_store %arg10[%swap3A_319, %swap3A_320], %swap3A_323 {strides = array<i32>} : memref<128x256xf32, #tpu.memory_space<vmem>>, vector<1x16xf32>,
      %mul3A_324 = arith.mulf %sub3A_317, %sub3A_317 : vector<16xf32>
      %add3A_325 = arith.addf %add3A_308, %mul3A_324 : vector<16xf32>
      %get3A_326 = arith.index_cast %scan3A_122 : i32 to index
      %get3A_327 = arith.constant 192 : index
      %get3A_328 = tpu.vector_load %arg11[%get3A_326, %get3A_327] {strides = array<i32>} : memref<128x256xf32, #tpu.memory_space<vmem>>, vector<1x16xf32>,
      %get3A_329 = vector.shape_cast %get3A_328 : vector<1x16xf32> to vector<16xf32>
      %get3A_330 = arith.index_cast %scan3A_122 : i32 to index
      %get3A_331 = arith.constant 192 : index
      %get3A_332 = tpu.vector_load %arg10[%get3A_330, %get3A_331] {strides = array<i32>} : memref<128x256xf32, #tpu.memory_space<vmem>>, vector<1x16xf32>,
      %get3A_333 = vector.shape_cast %get3A_332 : vector<1x16xf32> to vector<16xf32>
      %sub3A_334 = arith.subf %get3A_333, %get3A_329 : vector<16xf32>
      %add3A_335 = arith.addf %get3A_329, %sub3A_334 : vector<16xf32>
      %swap3A_336 = arith.index_cast %scan3A_122 : i32 to index
      %swap3A_337 = arith.constant 192 : index
      %swap3A_338 = tpu.vector_load %arg10[%swap3A_336, %swap3A_337] {strides = array<i32>} : memref<128x256xf32, #tpu.memory_space<vmem>>, vector<1x16xf32>,
      %swap3A_339 = vector.shape_cast %swap3A_338 : vector<1x16xf32> to vector<16xf32>
      %swap3A_340 = vector.shape_cast %add3A_335 : vector<16xf32> to vector<1x16xf32>
      tpu.vector_store %arg10[%swap3A_336, %swap3A_337], %swap3A_340 {strides = array<i32>} : memref<128x256xf32, #tpu.memory_space<vmem>>, vector<1x16xf32>,
      %mul3A_341 = arith.mulf %sub3A_334, %sub3A_334 : vector<16xf32>
      %add3A_342 = arith.addf %add3A_325, %mul3A_341 : vector<16xf32>
      %get3A_343 = arith.index_cast %scan3A_122 : i32 to index
      %get3A_344 = arith.constant 208 : index
      %get3A_345 = tpu.vector_load %arg11[%get3A_343, %get3A_344] {strides = array<i32>} : memref<128x256xf32, #tpu.memory_space<vmem>>, vector<1x16xf32>,
      %get3A_346 = vector.shape_cast %get3A_345 : vector<1x16xf32> to vector<16xf32>
      %get3A_347 = arith.index_cast %scan3A_122 : i32 to index
      %get3A_348 = arith.constant 208 : index
      %get3A_349 = tpu.vector_load %arg10[%get3A_347, %get3A_348] {strides = array<i32>} : memref<128x256xf32, #tpu.memory_space<vmem>>, vector<1x16xf32>,
      %get3A_350 = vector.shape_cast %get3A_349 : vector<1x16xf32> to vector<16xf32>
      %sub3A_351 = arith.subf %get3A_350, %get3A_346 : vector<16xf32>
      %add3A_352 = arith.addf %get3A_346, %sub3A_351 : vector<16xf32>
      %swap3A_353 = arith.index_cast %scan3A_122 : i32 to index
      %swap3A_354 = arith.constant 208 : index
      %swap3A_355 = tpu.vector_load %arg10[%swap3A_353, %swap3A_354] {strides = array<i32>} : memref<128x256xf32, #tpu.memory_space<vmem>>, vector<1x16xf32>,
      %swap3A_356 = vector.shape_cast %swap3A_355 : vector<1x16xf32> to vector<16xf32>
      %swap3A_357 = vector.shape_cast %add3A_352 : vector<16xf32> to vector<1x16xf32>
      tpu.vector_store %arg10[%swap3A_353, %swap3A_354], %swap3A_357 {strides = array<i32>} : memref<128x256xf32, #tpu.memory_space<vmem>>, vector<1x16xf32>,
      %mul3A_358 = arith.mulf %sub3A_351, %sub3A_351 : vector<16xf32>
      %add3A_359 = arith.addf %add3A_342, %mul3A_358 : vector<16xf32>
      %get3A_360 = arith.index_cast %scan3A_122 : i32 to index
      %get3A_361 = arith.constant 224 : index
      %get3A_362 = tpu.vector_load %arg11[%get3A_360, %get3A_361] {strides = array<i32>} : memref<128x256xf32, #tpu.memory_space<vmem>>, vector<1x16xf32>,
      %get3A_363 = vector.shape_cast %get3A_362 : vector<1x16xf32> to vector<16xf32>
      %get3A_364 = arith.index_cast %scan3A_122 : i32 to index
      %get3A_365 = arith.constant 224 : index
      %get3A_366 = tpu.vector_load %arg10[%get3A_364, %get3A_365] {strides = array<i32>} : memref<128x256xf32, #tpu.memory_space<vmem>>, vector<1x16xf32>,
      %get3A_367 = vector.shape_cast %get3A_366 : vector<1x16xf32> to vector<16xf32>
      %sub3A_368 = arith.subf %get3A_367, %get3A_363 : vector<16xf32>
      %add3A_369 = arith.addf %get3A_363, %sub3A_368 : vector<16xf32>
      %swap3A_370 = arith.index_cast %scan3A_122 : i32 to index
      %swap3A_371 = arith.constant 224 : index
      %swap3A_372 = tpu.vector_load %arg10[%swap3A_370, %swap3A_371] {strides = array<i32>} : memref<128x256xf32, #tpu.memory_space<vmem>>, vector<1x16xf32>,
      %swap3A_373 = vector.shape_cast %swap3A_372 : vector<1x16xf32> to vector<16xf32>
      %swap3A_374 = vector.shape_cast %add3A_369 : vector<16xf32> to vector<1x16xf32>
      tpu.vector_store %arg10[%swap3A_370, %swap3A_371], %swap3A_374 {strides = array<i32>} : memref<128x256xf32, #tpu.memory_space<vmem>>, vector<1x16xf32>,
      %mul3A_375 = arith.mulf %sub3A_368, %sub3A_368 : vector<16xf32>
      %add3A_376 = arith.addf %add3A_359, %mul3A_375 : vector<16xf32>
      %get3A_377 = arith.index_cast %scan3A_122 : i32 to index
      %get3A_378 = arith.constant 240 : index
      %get3A_379 = tpu.vector_load %arg11[%get3A_377, %get3A_378] {strides = array<i32>} : memref<128x256xf32, #tpu.memory_space<vmem>>, vector<1x16xf32>,
      %get3A_380 = vector.shape_cast %get3A_379 : vector<1x16xf32> to vector<16xf32>
      %get3A_381 = arith.index_cast %scan3A_122 : i32 to index
      %get3A_382 = arith.constant 240 : index
      %get3A_383 = tpu.vector_load %arg10[%get3A_381, %get3A_382] {strides = array<i32>} : memref<128x256xf32, #tpu.memory_space<vmem>>, vector<1x16xf32>,
      %get3A_384 = vector.shape_cast %get3A_383 : vector<1x16xf32> to vector<16xf32>
      %sub3A_385 = arith.subf %get3A_384, %get3A_380 : vector<16xf32>
      %add3A_386 = arith.addf %get3A_380, %sub3A_385 : vector<16xf32>
      %swap3A_387 = arith.index_cast %scan3A_122 : i32 to index
      %swap3A_388 = arith.constant 240 : index
      %swap3A_389 = tpu.vector_load %arg10[%swap3A_387, %swap3A_388] {strides = array<i32>} : memref<128x256xf32, #tpu.memory_space<vmem>>, vector<1x16xf32>,
      %swap3A_390 = vector.shape_cast %swap3A_389 : vector<1x16xf32> to vector<16xf32>
      %swap3A_391 = vector.shape_cast %add3A_386 : vector<16xf32> to vector<1x16xf32>
      tpu.vector_store %arg10[%swap3A_387, %swap3A_388], %swap3A_391 {strides = array<i32>} : memref<128x256xf32, #tpu.memory_space<vmem>>, vector<1x16xf32>,
      %mul3A_392 = arith.mulf %sub3A_385, %sub3A_385 : vector<16xf32>
      %add3A_393 = arith.addf %add3A_376, %mul3A_392 : vector<16xf32>
      scf.yield %add3A_393 : vector<16xf32>
    }
    %scan3A_112 = arith.constant 128 : i32
    "tpu.region"() ({
      %run_scoped3A_122 = tpu.sem_alloc : memref<!tpu.dma_semaphore, #tpu.memory_space<semaphore_mem>>
      %dma_start3A_123 = arith.constant 0 : i32
      %dma_start3A_124 = tpu.memref_slice %arg6[%add3A_92, %dma_start3A_123] : memref<16384x256xf32, #tpu.memory_space<hbm>> -> memref<128x256xf32, #tpu.memory_space<hbm>>
      %dma_start3A_125 = arith.constant 0 : i32
      %dma_start3A_126 = tpu.memref_slice %arg6[%add3A_92, %dma_start3A_125] : memref<16384x256xf32, #tpu.memory_space<hbm>> -> memref<128x256xf32, #tpu.memory_space<hbm>>
      tpu.enqueue_dma source(%arg10 : memref<128x256xf32, #tpu.memory_space<vmem>>) target(%dma_start3A_126 : memref<128x256xf32, #tpu.memory_space<hbm>>) target_semaphore(%run_scoped3A_122 : memref<!tpu.dma_semaphore, #tpu.memory_space<semaphore_mem>>)
      %dma_wait3A_127 = arith.constant 0 : i32
      %dma_wait3A_128 = tpu.memref_slice %arg6[%add3A_92, %dma_wait3A_127] : memref<16384x256xf32, #tpu.memory_space<hbm>> -> memref<128x256xf32, #tpu.memory_space<hbm>>
      %dma_wait3A_129 = arith.constant 0 : i32
      %dma_wait3A_130 = tpu.memref_slice %arg6[%add3A_92, %dma_wait3A_129] : memref<16384x256xf32, #tpu.memory_space<hbm>> -> memref<128x256xf32, #tpu.memory_space<hbm>>
      tpu.wait_dma2 semaphore(%run_scoped3A_122 : memref<!tpu.dma_semaphore, #tpu.memory_space<semaphore_mem>>) src(%arg10 : memref<128x256xf32, #tpu.memory_space<vmem>>) dst(%dma_wait3A_130 : memref<128x256xf32, #tpu.memory_space<hbm>>)
      tpu.yield
    }) : () -> ()
    %swap3A = arith.constant 0 : index
    %swap3A_113 = tpu.vector_load %arg13[%swap3A] {strides = array<i32>} : memref<16xf32, #tpu.memory_space<vmem>>, vector<16xf32>,
    %swap3A_114 = vector.shape_cast %swap3A_113 : vector<16xf32> to vector<16xf32>
    %swap3A_115 = vector.shape_cast %scan3A_111 : vector<16xf32> to vector<16xf32>
    tpu.vector_store %arg13[%swap3A], %swap3A_115 {strides = array<i32>} : memref<16xf32, #tpu.memory_space<vmem>>, vector<16xf32>,
    "tpu.region"() ({
      %run_scoped3A_122 = tpu.sem_alloc : memref<!tpu.dma_semaphore, #tpu.memory_space<semaphore_mem>>
      %dma_start3A_123 = arith.constant 0 : i32
      %dma_start3A_124 = tpu.memref_slice %arg8[%add3A, %dma_start3A_123] : memref<32x16xf32, #tpu.memory_space<hbm>> -> memref<1x16xf32, #tpu.memory_space<hbm>>
      %dma_start3A_125 = tpu.memref_squeeze %dma_start3A_124 : memref<1x16xf32, #tpu.memory_space<hbm>> -> memref<16xf32, #tpu.memory_space<hbm>>
      %dma_start3A_126 = arith.constant 0 : i32
      %dma_start3A_127 = tpu.memref_slice %arg8[%add3A, %dma_start3A_126] : memref<32x16xf32, #tpu.memory_space<hbm>> -> memref<1x16xf32, #tpu.memory_space<hbm>>
      %dma_start3A_128 = tpu.memref_squeeze %dma_start3A_127 : memref<1x16xf32, #tpu.memory_space<hbm>> -> memref<16xf32, #tpu.memory_space<hbm>>
      tpu.enqueue_dma source(%arg13 : memref<16xf32, #tpu.memory_space<vmem>>) target(%dma_start3A_128 : memref<16xf32, #tpu.memory_space<hbm>>) target_semaphore(%run_scoped3A_122 : memref<!tpu.dma_semaphore, #tpu.memory_space<semaphore_mem>>)
      %dma_wait3A_129 = arith.constant 0 : i32
      %dma_wait3A_130 = tpu.memref_slice %arg8[%add3A, %dma_wait3A_129] : memref<32x16xf32, #tpu.memory_space<hbm>> -> memref<1x16xf32, #tpu.memory_space<hbm>>
      %dma_wait3A_131 = tpu.memref_squeeze %dma_wait3A_130 : memref<1x16xf32, #tpu.memory_space<hbm>> -> memref<16xf32, #tpu.memory_space<hbm>>
      %dma_wait3A_132 = arith.constant 0 : i32
      %dma_wait3A_133 = tpu.memref_slice %arg8[%add3A, %dma_wait3A_132] : memref<32x16xf32, #tpu.memory_space<hbm>> -> memref<1x16xf32, #tpu.memory_space<hbm>>
      %dma_wait3A_134 = tpu.memref_squeeze %dma_wait3A_133 : memref<1x16xf32, #tpu.memory_space<hbm>> -> memref<16xf32, #tpu.memory_space<hbm>>
      tpu.wait_dma2 semaphore(%run_scoped3A_122 : memref<!tpu.dma_semaphore, #tpu.memory_space<semaphore_mem>>) src(%arg13 : memref<16xf32, #tpu.memory_space<vmem>>) dst(%dma_wait3A_134 : memref<16xf32, #tpu.memory_space<hbm>>)
      tpu.yield
    }) : () -> ()
    %barrier3A_116 = arith.constant 0 : index
    tpu.barrier barrier_id(%barrier3A_116)
    %eq3A_117 = arith.constant 0 : i32
    %eq3A_118 = arith.cmpi eq, %arg1, %eq3A_117 : i32
    %convert_element_type3A_119 = arith.extui %eq3A_118 : i1 to i32
    %cond3A_120 = arith.constant 0 : i32
    %cond3A_121 = arith.cmpi ne, %convert_element_type3A_119, %cond3A_120 : i32
    scf.if %cond3A_121 {
      "tpu.region"() ({
        %run_scoped3A_122 = tpu.sem_alloc : memref<!tpu.dma_semaphore, #tpu.memory_space<semaphore_mem>>
        %dma_start3A_123 = arith.constant 0 : i32
        %dma_start3A_124 = tpu.memref_slice %arg7[%arg0, %dma_start3A_123] : memref<2x8192xf32, #tpu.memory_space<hbm>> -> memref<1x8192xf32, #tpu.memory_space<hbm>>
        %dma_start3A_125 = tpu.memref_squeeze %dma_start3A_124 : memref<1x8192xf32, #tpu.memory_space<hbm>> -> memref<8192xf32, #tpu.memory_space<hbm>>
        tpu.enqueue_dma source(%arg14 : memref<8192xf32, #tpu.memory_space<vmem_shared>>) target(%dma_start3A_125 : memref<8192xf32, #tpu.memory_space<hbm>>) target_semaphore(%run_scoped3A_122 : memref<!tpu.dma_semaphore, #tpu.memory_space<semaphore_mem>>)
        %dma_wait3A_126 = arith.constant 0 : i32
        %dma_wait3A_127 = tpu.memref_slice %arg7[%arg0, %dma_wait3A_126] : memref<2x8192xf32, #tpu.memory_space<hbm>> -> memref<1x8192xf32, #tpu.memory_space<hbm>>
        %dma_wait3A_128 = tpu.memref_squeeze %dma_wait3A_127 : memref<1x8192xf32, #tpu.memory_space<hbm>> -> memref<8192xf32, #tpu.memory_space<hbm>>
        tpu.wait_dma2 semaphore(%run_scoped3A_122 : memref<!tpu.dma_semaphore, #tpu.memory_space<semaphore_mem>>) src(%arg14 : memref<8192xf32, #tpu.memory_space<vmem_shared>>) dst(%dma_wait3A_128 : memref<8192xf32, #tpu.memory_space<hbm>>)
        tpu.yield
      }) : () -> ()
    } else {
    }
    return
  }
}

module attributes {stable_mosaic.version = 14 : i64} {
  func.func @_argmin_body(%arg0: i32, %arg1: memref<512x256xf32, #tpu.memory_space<vmem>>, %arg2: memref<8192x256xf32, #tpu.memory_space<vmem>>, %arg3: memref<512xf32, #tpu.memory_space<vmem>>, %arg4: memref<8192xf32, #tpu.memory_space<vmem>>, %arg5: memref<512xi32, #tpu.memory_space<vmem>>) attributes {dimension_semantics = [#tpu.dimension_semantics<arbitrary>], iteration_bounds = array<i64: 32>, scalar_prefetch = 0 : i64, scratch_operands = 0 : i64, tpu.core_type = #tpu.core_type<tc>, window_params = [{transform_indices = @transform_0, window_bounds = array<i64: 512, 256>}, {pipeline_mode = #tpu.pipeline_mode<synchronous>, transform_indices = @transform_1, window_bounds = array<i64: 8192, 256>}, {transform_indices = @transform_2, window_bounds = array<i64: 512>}, {pipeline_mode = #tpu.pipeline_mode<synchronous>, transform_indices = @transform_3, window_bounds = array<i64: 8192>}, {transform_indices = @transform_4, window_bounds = array<i64: 512>}]} {
    %get3A = arith.constant 0 : index
    %get3A_0 = arith.constant 0 : index
    %get3A_1 = vector.load %arg1[%get3A, %get3A_0] : memref<512x256xf32, #tpu.memory_space<vmem>>, vector<512x256xf32>
    %convert_element_type3A = arith.truncf %get3A_1 : vector<512x256xf32> to vector<512x256xbf16>
    %get3A_2 = arith.constant 0 : index
    %get3A_3 = arith.constant 0 : index
    %get3A_4 = vector.load %arg2[%get3A_2, %get3A_3] : memref<8192x256xf32, #tpu.memory_space<vmem>>, vector<8192x256xf32>
    %convert_element_type3A_5 = arith.truncf %get3A_4 : vector<8192x256xf32> to vector<8192x256xbf16>
    %dot_general3A = arith.constant dense<0.000000e+00> : vector<512x8192xf32>
    %dot_general3A_6 = tpu.matmul %convert_element_type3A, %convert_element_type3A_5, %dot_general3A {dimension_numbers = #tpu.dot_dimension_numbers<[1], [1], [0], [0], [0, 0, 1, 0], [], []>, transpose_lhs_hint = false} : vector<512x256xbf16>, vector<8192x256xbf16>, vector<512x8192xf32> -> vector<512x8192xf32>
    %get3A_7 = arith.constant 0 : index
    %get3A_8 = vector.load %arg3[%get3A_7] : memref<512xf32, #tpu.memory_space<vmem>>, vector<512xf32>
    %broadcast_in_dim3A = vector.shape_cast %get3A_8 : vector<512xf32> to vector<512x1xf32>
    %get3A_9 = arith.constant 0 : index
    %get3A_10 = vector.load %arg4[%get3A_9] : memref<8192xf32, #tpu.memory_space<vmem>>, vector<8192xf32>
    %broadcast_in_dim3A_11 = vector.shape_cast %get3A_10 : vector<8192xf32> to vector<1x8192xf32>
    %add3A = vector.broadcast %broadcast_in_dim3A : vector<512x1xf32> to vector<512x8192xf32>
    %add3A_12 = vector.broadcast %broadcast_in_dim3A_11 : vector<1x8192xf32> to vector<512x8192xf32>
    %add3A_13 = arith.addf %add3A, %add3A_12 : vector<512x8192xf32>
    %mul3A = arith.constant 2.000000e+00 : f32
    %mul3A_14 = vector.broadcast %mul3A : f32 to vector<512x8192xf32>
    %mul3A_15 = arith.mulf %mul3A_14, %dot_general3A_6 : vector<512x8192xf32>
    %sub3A = arith.subf %add3A_13, %mul3A_15 : vector<512x8192xf32>
    %iota3A = tpu.iota {dimensions = array<i32: 1>} : vector<512x8192xi32>
    %ge3A = arith.constant 0 : i32
    %ge3A_16 = vector.broadcast %ge3A : i32 to vector<512x8192xi32>
    %ge3A_17 = arith.cmpi sge, %iota3A, %ge3A_16 : vector<512x8192xi32>
    %lt3A = arith.constant 2736 : i32
    %lt3A_18 = vector.broadcast %lt3A : i32 to vector<512x8192xi32>
    %lt3A_19 = arith.cmpi slt, %iota3A, %lt3A_18 : vector<512x8192xi32>
    %and3A = arith.andi %ge3A_17, %lt3A_19 : vector<512x8192xi1>
    %jit3A = arith.constant 0x7F800000 : f32
    %broadcast_in_dim3A_20 = vector.broadcast %jit3A : f32 to vector<512x8192xf32>
    %select_n3A = arith.select %and3A, %sub3A, %broadcast_in_dim3A_20 : vector<512x8192xi1>, vector<512x8192xf32>
    %reduce_min3A = arith.constant dense<0x7F800000> : vector<512xf32>
    %reduce_min3A_21 = vector.multi_reduction <minimumf>, %select_n3A, %reduce_min3A [1] : vector<512x8192xf32> to vector<512xf32>
    %broadcast_in_dim3A_22 = vector.shape_cast %reduce_min3A_21 : vector<512xf32> to vector<512x1xf32>
    %eq3A = vector.broadcast %broadcast_in_dim3A_22 : vector<512x1xf32> to vector<512x8192xf32>
    %eq3A_23 = arith.cmpf oeq, %select_n3A, %eq3A : vector<512x8192xf32>
    %jit3A_24 = arith.constant 8192 : i32
    %broadcast_in_dim3A_25 = vector.broadcast %jit3A_24 : i32 to vector<512x8192xi32>
    %select_n3A_26 = arith.select %eq3A_23, %iota3A, %broadcast_in_dim3A_25 : vector<512x8192xi1>, vector<512x8192xi32>
    %reduce_min3A_27 = arith.constant dense<2147483647> : vector<512xi32>
    %reduce_min3A_28 = vector.multi_reduction <minsi>, %select_n3A_26, %reduce_min3A_27 [1] : vector<512x8192xi32> to vector<512xi32>
    %convert_element_type3A_29 = arith.truncf %reduce_min3A_21 : vector<512xf32> to vector<512xbf16>
    %convert_element_type3A_30 = arith.extf %convert_element_type3A_29 : vector<512xbf16> to vector<512xf32>
    %ge3A_31 = arith.constant 2736 : i32
    %ge3A_32 = vector.broadcast %ge3A_31 : i32 to vector<512x8192xi32>
    %ge3A_33 = arith.cmpi sge, %iota3A, %ge3A_32 : vector<512x8192xi32>
    %lt3A_34 = arith.constant 5472 : i32
    %lt3A_35 = vector.broadcast %lt3A_34 : i32 to vector<512x8192xi32>
    %lt3A_36 = arith.cmpi slt, %iota3A, %lt3A_35 : vector<512x8192xi32>
    %and3A_37 = arith.andi %ge3A_33, %lt3A_36 : vector<512x8192xi1>
    %jit3A_38 = arith.constant 0x7F800000 : f32
    %broadcast_in_dim3A_39 = vector.broadcast %jit3A_38 : f32 to vector<512x8192xf32>
    %select_n3A_40 = arith.select %and3A_37, %sub3A, %broadcast_in_dim3A_39 : vector<512x8192xi1>, vector<512x8192xf32>
    %reduce_min3A_41 = arith.constant dense<0x7F800000> : vector<512xf32>
    %reduce_min3A_42 = vector.multi_reduction <minimumf>, %select_n3A_40, %reduce_min3A_41 [1] : vector<512x8192xf32> to vector<512xf32>
    %broadcast_in_dim3A_43 = vector.shape_cast %reduce_min3A_42 : vector<512xf32> to vector<512x1xf32>
    %eq3A_44 = vector.broadcast %broadcast_in_dim3A_43 : vector<512x1xf32> to vector<512x8192xf32>
    %eq3A_45 = arith.cmpf oeq, %select_n3A_40, %eq3A_44 : vector<512x8192xf32>
    %jit3A_46 = arith.constant 8192 : i32
    %broadcast_in_dim3A_47 = vector.broadcast %jit3A_46 : i32 to vector<512x8192xi32>
    %select_n3A_48 = arith.select %eq3A_45, %iota3A, %broadcast_in_dim3A_47 : vector<512x8192xi1>, vector<512x8192xi32>
    %reduce_min3A_49 = arith.constant dense<2147483647> : vector<512xi32>
    %reduce_min3A_50 = vector.multi_reduction <minsi>, %select_n3A_48, %reduce_min3A_49 [1] : vector<512x8192xi32> to vector<512xi32>
    %convert_element_type3A_51 = arith.truncf %reduce_min3A_42 : vector<512xf32> to vector<512xbf16>
    %convert_element_type3A_52 = arith.extf %convert_element_type3A_51 : vector<512xbf16> to vector<512xf32>
    %le3A = arith.cmpf ole, %convert_element_type3A_30, %reduce_min3A_42 : vector<512xf32>
    %select_n3A_53 = arith.select %le3A, %convert_element_type3A_30, %convert_element_type3A_52 : vector<512xi1>, vector<512xf32>
    %select_n3A_54 = arith.select %le3A, %reduce_min3A_28, %reduce_min3A_50 : vector<512xi1>, vector<512xi32>
    %ge3A_55 = arith.constant 5472 : i32
    %ge3A_56 = vector.broadcast %ge3A_55 : i32 to vector<512x8192xi32>
    %ge3A_57 = arith.cmpi sge, %iota3A, %ge3A_56 : vector<512x8192xi32>
    %lt3A_58 = arith.constant 8192 : i32
    %lt3A_59 = vector.broadcast %lt3A_58 : i32 to vector<512x8192xi32>
    %lt3A_60 = arith.cmpi slt, %iota3A, %lt3A_59 : vector<512x8192xi32>
    %and3A_61 = arith.andi %ge3A_57, %lt3A_60 : vector<512x8192xi1>
    %jit3A_62 = arith.constant 0x7F800000 : f32
    %broadcast_in_dim3A_63 = vector.broadcast %jit3A_62 : f32 to vector<512x8192xf32>
    %select_n3A_64 = arith.select %and3A_61, %sub3A, %broadcast_in_dim3A_63 : vector<512x8192xi1>, vector<512x8192xf32>
    %reduce_min3A_65 = arith.constant dense<0x7F800000> : vector<512xf32>
    %reduce_min3A_66 = vector.multi_reduction <minimumf>, %select_n3A_64, %reduce_min3A_65 [1] : vector<512x8192xf32> to vector<512xf32>
    %broadcast_in_dim3A_67 = vector.shape_cast %reduce_min3A_66 : vector<512xf32> to vector<512x1xf32>
    %eq3A_68 = vector.broadcast %broadcast_in_dim3A_67 : vector<512x1xf32> to vector<512x8192xf32>
    %eq3A_69 = arith.cmpf oeq, %select_n3A_64, %eq3A_68 : vector<512x8192xf32>
    %jit3A_70 = arith.constant 8192 : i32
    %broadcast_in_dim3A_71 = vector.broadcast %jit3A_70 : i32 to vector<512x8192xi32>
    %select_n3A_72 = arith.select %eq3A_69, %iota3A, %broadcast_in_dim3A_71 : vector<512x8192xi1>, vector<512x8192xi32>
    %reduce_min3A_73 = arith.constant dense<2147483647> : vector<512xi32>
    %reduce_min3A_74 = vector.multi_reduction <minsi>, %select_n3A_72, %reduce_min3A_73 [1] : vector<512x8192xi32> to vector<512xi32>
    %le3A_75 = arith.cmpf ole, %select_n3A_53, %reduce_min3A_66 : vector<512xf32>
    %select_n3A_76 = arith.select %le3A_75, %select_n3A_54, %reduce_min3A_74 : vector<512xi1>, vector<512xi32>
    %swap3A = arith.constant 0 : index
    %swap3A_77 = vector.load %arg5[%swap3A] : memref<512xi32, #tpu.memory_space<vmem>>, vector<512xi32>
    tpu.vector_store %arg5[%swap3A], %select_n3A_76 {strides = array<i32>} : memref<512xi32, #tpu.memory_space<vmem>>, vector<512xi32>,
    return
  }
  func.func @transform_0(%arg0: i32) -> (i32, i32) {
    %c0_i32 = arith.constant 0 : i32
    %c0_i32_0 = arith.constant 0 : i32
    return %arg0, %c0_i32 : i32, i32
  }
  func.func @transform_1(%arg0: i32) -> (i32, i32) {
    %c0_i32 = arith.constant 0 : i32
    %c0_i32_0 = arith.constant 0 : i32
    %c0_i32_1 = arith.constant 0 : i32
    return %c0_i32, %c0_i32_0 : i32, i32
  }
  func.func @transform_2(%arg0: i32) -> i32 {
    %c0_i32 = arith.constant 0 : i32
    return %arg0 : i32
  }
  func.func @transform_3(%arg0: i32) -> i32 {
    %c0_i32 = arith.constant 0 : i32
    %c0_i32_0 = arith.constant 0 : i32
    return %c0_i32 : i32
  }
  func.func @transform_4(%arg0: i32) -> i32 {
    %c0_i32 = arith.constant 0 : i32
    return %arg0 : i32
  }
}

module attributes {stable_mosaic.version = 14 : i64} {
  func.func @_scalars_body(%arg0: memref<2x8192xf32, #tpu.memory_space<vmem>>, %arg1: memref<32x16xf32, #tpu.memory_space<vmem>>, %arg2: memref<1x1xf32, #tpu.memory_space<smem>>, %arg3: memref<1x1xf32, #tpu.memory_space<smem>>) attributes {dimension_semantics = [], scalar_prefetch = 0 : i64, scratch_operands = 0 : i64, tpu.core_type = #tpu.core_type<tc>} {
    %get3A = arith.constant 0 : index
    %get3A_0 = arith.constant 0 : index
    %get3A_1 = vector.load %arg0[%get3A, %get3A_0] : memref<2x8192xf32, #tpu.memory_space<vmem>>, vector<1x8192xf32>
    %get3A_2 = vector.shape_cast %get3A_1 : vector<1x8192xf32> to vector<8192xf32>
    %get3A_3 = arith.constant 1 : index
    %get3A_4 = arith.constant 0 : index
    %get3A_5 = vector.load %arg0[%get3A_3, %get3A_4] : memref<2x8192xf32, #tpu.memory_space<vmem>>, vector<1x8192xf32>
    %get3A_6 = vector.shape_cast %get3A_5 : vector<1x8192xf32> to vector<8192xf32>
    %add3A = arith.addf %get3A_2, %get3A_6 : vector<8192xf32>
    %div3A = arith.constant 1.638400e+04 : f32
    %div3A_7 = vector.broadcast %div3A : f32 to vector<8192xf32>
    %div3A_8 = arith.divf %add3A, %div3A_7 : vector<8192xf32>
    %add3A_9 = arith.constant 1.000000e-10 : f32
    %add3A_10 = vector.broadcast %add3A_9 : f32 to vector<8192xf32>
    %add3A_11 = arith.addf %div3A_8, %add3A_10 : vector<8192xf32>
    %log3A = math.log %add3A_11 : vector<8192xf32>
    %mul3A = arith.mulf %div3A_8, %log3A : vector<8192xf32>
    %reduce_sum3A = vector.shape_cast %mul3A : vector<8192xf32> to vector<1x8192xf32>
    %reduce_sum3A_12 = arith.constant dense<0.000000e+00> : vector<1xf32>
    %reduce_sum3A_13 = vector.multi_reduction <add>, %reduce_sum3A, %reduce_sum3A_12 [1] : vector<1x8192xf32> to vector<1xf32>
    %reduce_sum3A_14 = vector.shape_cast %reduce_sum3A_13 : vector<1xf32> to vector<1x1xf32>
    %reduce_sum3A_15 = vector.extract %reduce_sum3A_14[0, 0] : f32 from vector<1x1xf32>
    %neg3A = arith.constant 0.000000e+00 : f32
    %neg3A_16 = arith.subf %neg3A, %reduce_sum3A_15 : f32
    %exp3A = math.exp %neg3A_16 : f32
    %min3A = arith.constant 8.192000e+03 : f32
    %min3A_17 = arith.minimumf %exp3A, %min3A : f32
    %ne3A = arith.cmpf one, %min3A_17, %min3A_17 : f32
    %abs3A = math.absf %min3A_17 : f32
    %eq3A = arith.constant 0x7F800000 : f32
    %eq3A_18 = arith.cmpf oeq, %abs3A, %eq3A : f32
    %or3A = arith.ori %ne3A, %eq3A_18 : i1
    %jit3A = arith.constant 0.000000e+00 : f32
    %select_n3A = arith.select %or3A, %jit3A, %min3A_17 : f32
    %get3A_19 = arith.constant 0 : index
    %get3A_20 = arith.constant 0 : index
    %get3A_21 = vector.load %arg1[%get3A_19, %get3A_20] : memref<32x16xf32, #tpu.memory_space<vmem>>, vector<32x16xf32>
    %reduce_sum3A_22 = vector.shape_cast %get3A_21 : vector<32x16xf32> to vector<1x32x16xf32>
    %reduce_sum3A_23 = arith.constant dense<0.000000e+00> : vector<1xf32>
    %reduce_sum3A_24 = vector.multi_reduction <add>, %reduce_sum3A_22, %reduce_sum3A_23 [1, 2] : vector<1x32x16xf32> to vector<1xf32>
    %reduce_sum3A_25 = vector.shape_cast %reduce_sum3A_24 : vector<1xf32> to vector<1x1x1xf32>
    %reduce_sum3A_26 = vector.extract %reduce_sum3A_25[0, 0, 0] : f32 from vector<1x1x1xf32>
    %div3A_27 = arith.constant 0x4A800000 : f32
    %div3A_28 = arith.divf %reduce_sum3A_26, %div3A_27 : f32
    %mul3A_29 = arith.constant 2.500000e-01 : f32
    %mul3A_30 = arith.mulf %mul3A_29, %div3A_28 : f32
    %swap3A = arith.constant 0 : index
    %swap3A_31 = arith.constant 0 : index
    %swap3A_32 = memref.load %arg2[%swap3A, %swap3A_31] : memref<1x1xf32, #tpu.memory_space<smem>>
    memref.store %mul3A_30, %arg2[%swap3A, %swap3A_31] : memref<1x1xf32, #tpu.memory_space<smem>>
    %swap3A_33 = arith.constant 0 : index
    %swap3A_34 = arith.constant 0 : index
    %swap3A_35 = memref.load %arg3[%swap3A_33, %swap3A_34] : memref<1x1xf32, #tpu.memory_space<smem>>
    memref.store %select_n3A, %arg3[%swap3A_33, %swap3A_34] : memref<1x1xf32, #tpu.memory_space<smem>>
    return
  }
}

</mosaic_0001>

<sc_bundles>
// kernel: kernel.5.cloned.1.call-start
scs
__scs_entry_jumppad:
0x0: {  	(pc) =	sbr.rel $0x88, $3  }
0x1: {  	(tag) =	ssettag $0x0;
	lr =	simm.s32 $0x1  }
0x2: {  	[smem:$0x3F9F] =	sst lr;
	_ =	strace $0xD0000000  }
0x3: {  	_ = 	snop  }
0x4: {  	_ = 	snop  }
0x5: {  	_ = 	snop  }
0x6: {  	_ = 	snop  }
0x7: {  	_ = 	snop  }
__scs_overlays_trampoline_lowered:
0x8: {  	[smem:$0x3FAE] =	sst s0  }
0x9: {  	[smem:$0x3FAF] =	sst s1  }
0xa: {  	[smem:$0x3FB0] =	sst s2  }
0xb: {  	[smem:$0x3FB1] =	sst s3  }
0xc: {  	[smem:$0x3FB2] =	sst s4  }
0xd: {  	[smem:$0x3FB3] =	sst s5  }
0xe: {  	[smem:$0x3FB4] =	sst s6  }
0xf: {  	[smem:$0x3FB5] =	sst s7  }
0x10: {  	[smem:$0x3FB6] =	sst s8  }
0x11: {  	[smem:$0x3FB7] =	sst s9;
	s0 =	simm.s32 @!p0 $0x0  }
0x12: {  	s1 =	sld [smem:$0x3F9D];
	s0 =	simm.s32 @p0 $0x1  }
0x13: {  	[smem:$0x3FB8] =	sst s0;
	s0 =	simm.s32 @!p1 $0x0  }
0x14: {  	s2 =	sld [smem:$0x3F9C];
	s0 =	simm.s32 @p1 $0x1  }
0x15: {  	[smem:$0x3FB9] =	sst s0;
	s0 =	simm.s32 @!p2 $0x0  }
0x16: {  	s3 =	sld [smem:$0x3FDB];
	s0 =	simm.s32 @p2 $0x1  }
0x17: {  	s4 =	simm.s32 $0x1BF5;
	[smem:$0x3FBB] =	sst s0  }
0x18: {  	s0 =	sld [smem:$0x3F9E];
	_ =	swait.ge [sflag:s4], $0x0  }
0x19: {  	s7 =	sld [smem:$0x3F9F]  }
0x1a: {  	s8 =	sadd.s32 $0xFFFFE003, lr  }
0x1b: {  	s9 =	sadd.s32 $0xFFFFFEF7, lr;
	s5 =	simm.s32 $0xFFFFFFFF;
	p2 =	slt.u32 s8, $0xFFFFF086  }
0x1c: {  	p1 =	slt.u32 s9, $0xF7A;
	s5 =	simm.s32 @!p2 $0x0  }
0x1d: {  	s5 =	simm.s32 @p1 $0x1;
	p0 =	seq.s32 s7, s2  }
0x1e: {  	s7 =	smul.u32 @!p0 $0xF7A, s2;
	p2 =	seq.s32 @!p0 s5, $0x0  }
0x1f: {  	s9 =	smul.u32 $0xF7A, s1;
	s8 =	simm.s32 @!p0 $0x1BF5;
	p2 =	por !p2, p0  }
0x20: {  	[sflag:s8] =	ssyncset.s32 @!p0 $0xFFFFF086;
	s6 =	sadd.s32 @!p0 s3, s7;
	s7 =	simm.s32 @!p0 $0x108  }
0x21: {  	s3 =	sadd.s32 s3, s9;
	s6 =	sadd.s32 @!p0 $0x88, s6;
	s7 =	simm.s32 @p2 $0x1082  }
0x22: {  	[simem:s7], [sflag:s8] =	dma.local @!p0 [hbm:s6], $0xF7A  }
0x23: {  	s9 =	sor.u32 $0xD0000000, s2;
	s6 =	simm.s32 $0x108;
	_ =	swait.ge @!p0 [sflag:s8], $0x0  }
0x24: {  	s3 =	sadd.s32 $0x88, s3;
	s6 =	simm.s32 @!p1 $0x1082;
	[sflag:s4] =	ssyncset.s32 $0xFFFFF086  }
0x25: {  	[simem:s6], [sflag:s4] =	dma.local [hbm:s3], $0xF7A  }
0x26: {  	[smem:$0x3F9F] =	sst s1;
	(tag) =	ssettag s2;
	_ =	strace s9  }
0x27: {  	s1 =	sld [smem:$0x3FAF]  }
0x28: {  	s2 =	sld [smem:$0x3FB0]  }
0x29: {  	s4 =	sld [smem:$0x3FB2]  }
0x2a: {  	p0 =	seq.s32 s5, $0x0;
	s5 =	sld [smem:$0x3FB3]  }
0x2b: {  	s6 =	sld [smem:$0x3FB4]  }
0x2c: {  	s7 =	sld [smem:$0x3FB5]  }
0x2d: {  	s3 =	simm.s32 $0x108;
	s8 =	sld [smem:$0x3FB6]  }
0x2e: {  	s3 =	simm.s32 @!p0 $0x1082;
	s9 =	sld [smem:$0x3FB7]  }
0x2f: {  	lr =	sadd.s32 s0, s3;
	s0 =	sld [smem:$0x3FAE]  }
0x30: {  	s3 =	sld [smem:$0x3FB1]  }
0x31: {  	[smem:$0x3FBA] =	sst s10  }
0x32: {  	s10 =	sld [smem:$0x3FB8];
	_ =	sdelay $0x3  }
0x33: {  	p0 =	seq.s32 s10, $0x1;
	s10 =	sld [smem:$0x3FBA];
	_ =	sdelay $0x3  }
0x34: {  	[smem:$0x3FBA] =	sst s10  }
0x35: {  	s10 =	sld [smem:$0x3FB9];
	_ =	sdelay $0x3  }
0x36: {  	p1 =	seq.s32 s10, $0x1;
	s10 =	sld [smem:$0x3FBA];
	_ =	sdelay $0x3  }
0x37: {  	[smem:$0x3FBA] =	sst s10  }
0x38: {  	s10 =	sld [smem:$0x3FBB]  }
0x39: {  	_ = 	snop;
	(pc) =	sbr.ind lr, $3  }
0x3a: {  	_ = 	snop  }
0x3b: {  	_ = 	snop  }
0x3c: {  	p2 =	seq.s32 s10, $0x1;
	s10 =	sld [smem:$0x3FBA]  }
0x3d: {  	_ =	shalt  }
0x3e: {  	_ =	shalt  }
0x3f: {  	_ =	shalt  }
0x40: {  	_ =	shalt  }
0x41: {  	_ =	shalt  }
0x42: {  	_ =	shalt  }
0x43: {  	_ =	shalt  }
0x44: {  	_ =	shalt  }
0x45: {  	_ =	shalt  }
0x46: {  	_ =	shalt  }
0x47: {  	_ =	shalt  }
0x48: {  	_ =	shalt  }
0x49: {  	_ =	shalt  }
0x4a: {  	_ =	shalt  }
0x4b: {  	_ =	shalt  }
0x4c: {  	_ =	shalt  }
0x4d: {  	_ =	shalt  }
0x4e: {  	_ =	shalt  }
0x4f: {  	_ =	shalt  }
0x50: {  	_ =	shalt  }
0x51: {  	_ =	shalt  }
0x52: {  	_ =	shalt  }
0x53: {  	_ =	shalt  }
0x54: {  	_ =	shalt  }
0x55: {  	_ =	shalt  }
0x56: {  	_ =	shalt  }
0x57: {  	_ =	shalt  }
0x58: {  	_ =	shalt  }
0x59: {  	_ =	shalt  }
0x5a: {  	_ =	shalt  }
0x5b: {  	_ =	shalt  }
0x5c: {  	_ =	shalt  }
0x5d: {  	_ =	shalt  }
0x5e: {  	_ =	shalt  }
0x5f: {  	_ =	shalt  }
0x60: {  	_ =	shalt  }
0x61: {  	_ =	shalt  }
0x62: {  	_ =	shalt  }
0x63: {  	_ =	shalt  }
0x64: {  	_ =	shalt  }
0x65: {  	_ =	shalt  }
0x66: {  	_ =	shalt  }
0x67: {  	_ =	shalt  }
0x68: {  	_ =	shalt  }
0x69: {  	_ =	shalt  }
0x6a: {  	_ =	shalt  }
0x6b: {  	_ =	shalt  }
0x6c: {  	_ =	shalt  }
0x6d: {  	_ =	shalt  }
0x6e: {  	_ =	shalt  }
0x6f: {  	_ =	shalt  }
0x70: {  	_ =	shalt  }
0x71: {  	_ =	shalt  }
0x72: {  	_ =	shalt  }
0x73: {  	_ =	shalt  }
0x74: {  	_ =	shalt  }
0x75: {  	_ =	shalt  }
0x76: {  	_ =	shalt  }
0x77: {  	_ =	shalt  }
0x78: {  	_ =	shalt  }
0x79: {  	_ =	shalt  }
0x7a: {  	_ =	shalt  }
0x7b: {  	_ =	shalt  }
0x7c: {  	_ =	shalt  }
0x7d: {  	_ =	shalt  }
0x7e: {  	_ =	shalt  }
0x7f: {  	_ =	shalt  }
0x80: {  	_ =	shalt  }
0x81: {  	_ =	shalt  }
0x82: {  	_ =	shalt  }
0x83: {  	_ =	shalt  }
0x84: {  	_ =	shalt  }
0x85: {  	_ =	shalt  }
0x86: {  	_ =	shalt  }
0x87: {  	_ =	shalt  }
.Lfunc_end0:
.L_simem_size_0:
called_computation_lowered:
.L_overlay_start_0:
0x88: {  	s2 =	sld [smem:$0x3FD9]  }
0x89: {  	s3 =	sld [smem:$0x3FFE];
	_ =	sdelay $0x1  }
0x8a: {  	s1 =	srdreg.scid  }
0x8b: {  	s0 =	sand.u32 $0x1, s1  }
0x8c: {  	s14 =	sshll.u32 s0, $0xA;
	s2 =	sadd.s32 s3, s2  }
0x8d: {  	s2 =	sadd.s32 s2, s14  }
0x8e: {  	[smem:$0x3FC6] =	sst s2  }
0x8f: {  	_ = 	snop  }
0x90: {  	s2 =	sld [smem:$0x3FD0];
	_ =	sdelay $0x1  }
0x91: {  	s15 =	sld [smem:$0x3FC9]  }
0x92: {  	s5 =	simm.s32 $0xA;
	s6 =	simm.s32 $0x10;
	s4 =	sld [smem:$0x3FC8]  }
0x93: {  	[smem:s6], [sflag:s5] =	dma.local [hbm:s2], $0x1  }
0x94: {  	_ =	swait.eq [sflag:s5], $0x1  }
0x95: {  	[sflag:s5] =	ssyncset.done $0x0  }
0x96: {  	[sflag:s5] =	ssyncadd.s32 $0xFFFFFFFF  }
0x97: {  	s16 =	sld [smem:$0x10];
	(tm) =	ssettm $0x1  }
0x98: {  	s17 =	sld [smem:$0x3FFB];
	_ =	sdelay $0x3  }
0x99: {  	_ =	strace s17  }
0x9a: {  	s5 =	sld [smem:$0x3FFC];
	_ =	sdelay $0x3  }
0x9b: {  	_ =	strace s5  }
0x9c: {  	s5 =	sld [smem:$0x3FFD];
	_ =	sdelay $0x3  }
0x9d: {  	_ =	strace s5  }
0x9e: {  	_ =	strace $0x8FFFFFFF  }
0x9f: {  	s18 =	sld [smem:$0x3FDB];
	_ =	sdelay $0x1  }
0xa0: {  	s19 =	simm.s32 $_scs_section_size  }
0xa1: {  	s7 =	simm.s32 $_size__tile_overlayer_lowered;
	s8 =	simm.s32 $_tile_overlayer_lowered  }
0xa2: {  	s22 =	simm.s32 $0x1BFF;
	s21 =	sshll.u32 s8, $0x1;
	s5 =	sadd.s32 s19, s18  }
0xa3: {  	s9 =	simm.s32 $0x0;
	s20 =	sshll.u32 s7, $0x1;
	s7 =	sadd.s32 s21, s5  }
0xa4: {  	[timem:s9], [sflag:s22] =	dma.local [hbm:s7], s20  }
0xa5: {  	_ =	swait.ge [sflag:s22], s20  }
0xa6: {  	s6 =	ssub.s32 $0x0, s20;
	[sflag:s22] =	ssyncset.done $0x0  }
0xa7: {  	[sflag:s22] =	ssyncadd.s32 s6;
	_ =	sdelay $0x1  }
0xa8: {  	s23 =	simm.s32 $0x1B8B  }
0xa9: {  	_ =	swait.ge [sflag:s23], $0x1  }
0xaa: {  	[sflag:s23] =	ssyncset.done $0x0  }
0xab: {  	s25 =	simm.s32 $0x1B8E;
	s24 =	sld [smem:$0x3FFE];
	[sflag:s23] =	ssyncadd.s32 $0xFFFFFFFF  }
0xac: {  	s26 =	simm.s32 $execute0_lowered;
	[smem:$0x3FD2] =	sst s25  }
0xad: {  	s7 =	sshll.u32 s26, $0x1;
	_ =	strace $0x80000046;
	[dreg:$0x1] =	wrdreg $0xFFFFFFFF  }
0xae: {  	s28 =	simm.s32 $_size_execute0_lowered;
	s5 =	sadd.s32 s5, s7;
	[dreg:$0x0] =	wrdreg $0x0  }
0xaf: {  	s7 =	sshll.u32 s28, $0x1;
	[dreg:$0x2] =	wrdreg s5  }
0xb0: {  	[dreg:$0x3] =	wrdreg s7  }
0xb1: {  	[dreg:$0x4] =	wrdreg $0xC0  }
0xb2: {  	_ =	task [dreg:s9], $0x5FFFF  }
0xb3: {  	[dreg:$0x1] =	wrdreg $0xFFFFFFFF  }
0xb4: {  	[dreg:$0x0] =	wrdreg $0x60  }
0xb5: {  	[dreg:$0x2] =	wrdreg s15  }
0xb6: {  	[dreg:$0x3] =	wrdreg s4  }
0xb7: {  	[dreg:$0x4] =	wrdreg s24  }
0xb8: {  	[dreg:$0x5] =	wrdreg s16  }
0xb9: {  	[dreg:$0x6] =	wrdreg $0x103000  }
0xba: {  	[dreg:$0x7] =	wrdreg $0x9  }
0xbb: {  	_ =	task.clear_ibuf [dreg:s9], $0x8FFFF;
	_ =	strace $0x90000046  }
0xbc: {  	s29 =	simm.s32 $0x9;
	_ =	strace $0x80000048  }
0xbd: {  	_ =	swait.ge [sflag:s29], $0x1  }
0xbe: {  	[sflag:s29] =	ssyncadd.s32 $0xFFFFFFFF  }
0xbf: {  	_ =	strace $0x90000048  }
0xc0: {  	_ =	sfence  }
0xc1: {  	s30 =	sld [smem:$0x0];
	_ =	sdelay $0x2  }
0xc2: {  	s31 =	sshll.u32 s1, $0xD;
	s1 =	sshrl.u32 s1, $0x2  }
0xc3: {  	s3 =	sand.u32 $0x4000, s31;
	s1 =	sadd.s32 s1, s30  }
0xc4: {  	s0 =	sor.u32 s3, s0;
	s1 =	sshll.u32 s1, $0x11  }
0xc5: {  	s0 =	sor.u32 s1, s0  }
0xc6: {  	s0 =	sadd.s32 $0x8F2B, s0  }
0xc7: {  	[sflag:s0] =	ssyncadd.remote.s32 $0x1  }
0xc8: {  	_ =	sfence.sel $0xFFFF  }
0xc9: {  	[dreg:$0x0] =	wrdreg $0xFFFFFFFF;
	(pc) =	sbr.abs _section_cstart, $3  }
0xca: {  	[dreg:$0x1] =	wrdreg $0xFFFFFFFF  }
0xcb: {  	_ =	task.clear_ibuf [dreg:s9], $0x2FFFF;
	_ =	strace $0x9FFFFFFF  }
0xcc: {  	(tm) =	ssettm $0x7FFFFFFF  }
0xcd: {  	_ =	shalt  }
tec
execute0_lowered:
.L_overlay_start_1:
0x0: {  	(tag) =	ssettag $0x1  }
0x1: {  	s0 =	rddreg [dreg:$0x0]  }
0x2: {  	s1 =	rddreg [dreg:$0x1]  }
0x3: {  	s4 =	rddreg [dreg:$0x2]  }
0x4: {  	s5 =	rddreg [dreg:$0x3]  }
0x5: {  	s2 =	rddreg [dreg:$0x4];
	s3 =	simm.s32 $0x0  }
0x6: {  	s6 =	srdreg.scid;
	s7 =	stileid.u32;
	s28 =	simm.s32 $0x1200  }
0x7: {  	s29 =	simm.s32 $0x1A00;
	s30 =	simm.s32 $0x2200;
	s31 =	simm.s32 $0x2A00  }
0x8: {  	[smem:$0x7FF] =	sst s3;
	s6 =	sand.u32 $0x1, s6;
	s8 =	sshll.u32 s7, $0x1  }
0x9: {  	s9 =	sadd.s32 $0xE00, s4;
	s10 =	sadd.s32 $0x1600, s4;
	p0 =	sne.s32 s7, $0x0  }
0xa: {  	s7 =	simm.s32 $0x6200;
	_ =	strace $0x80000047;
	[dreg:$0x6] =	wrdreg s10  }
0xb: {  	s8 =	sor.u32 s6, s8;
	s22 =	sshll.u32 s6, $0x4;
	s6 =	ssub.s32 $0x2, s6  }
0xc: {  	s11 =	sshll.u32 s8, $0x4;
	s10 =	sadd.s32 s22, s4;
	s23 =	sshrl.u32 s6, $0x1  }
0xd: {  	s24 =	sshll.u32 s8, $0x9;
	s12 =	sshll.u32 s8, $0x6;
	s8 =	sshll.u32 s8, $0xE  }
0xe: {  	s4 =	sadd.s32 s11, s4;
	s6 =	ssub.s32 s6, s23;
	s12 =	sadd.s32 s9, s12  }
0xf: {  	s25 =	sor.u32 $0x80, s24;
	s13 =	sor.u32 $0x100, s24;
	s11 =	sor.u32 $0x180, s24  }
0x10: {  	s17 =	sadd.s32 s0, s8;
	s8 =	sadd.s32 s5, s8;
	[dreg:$0x7] =	wrdreg s12  }
0x11: {  	s14 =	sshrl.u32 s25, $0x3;
	s15 =	sshrl.u32 s13, $0x3;
	[dreg:$0xb] =	wrdreg s17  }
0x12: {  	s16 =	sshll.u32 s25, $0x5;
	[dreg:$0xc] =	wrdreg s8;
	s20 =	sshll.u32 s13, $0x5  }
0x13: {  	s21 =	sshll.u32 s11, $0x5;
	s24 =	sadd.s32 $0x2200, s4;
	s25 =	sadd.s32 $0x1A00, s10  }
0x14: {  	s4 =	simm.s32 $0x3A00;
	s10 =	simm.s32 $0x7A00;
	[dreg:$0x13] =	wrdreg s24  }
0x15: {  	s12 =	simm.s32 $0x1;
	s14 =	sadd.s32 s9, s14;
	[dreg:$0x14] =	wrdreg s25  }
0x16: {  	s13 =	simm.s32 $0x0;
	s26 =	sadd.s32 s9, s15;
	[dreg:$0x8] =	wrdreg s14  }
0x17: {  	s15 =	sshrl.u32 s11, $0x3;
	s18 =	sadd.s32 s0, s16;
	[dreg:$0x9] =	wrdreg s26  }
0x18: {  	s19 =	sadd.s32 s5, s16;
	s22 =	sadd.s32 s0, s20;
	[dreg:$0xd] =	wrdreg s18  }
0x19: {  	s8 =	sadd.s32 s5, s20;
	s0 =	sadd.s32 s0, s21;
	[dreg:$0xe] =	wrdreg s19  }
0x1a: {  	s23 =	sadd.s32 s5, s21;
	s20 =	simm.s32 $0x2;
	[dreg:$0xf] =	wrdreg s22  }
0x1b: {  	s21 =	simm.s32 $0x80;
	s25 =	simm.s32 $0x200;
	[dreg:$0x10] =	wrdreg s8  }
0x1c: {  	s5 =	simm.s32 $0x5200;
	s11 =	simm.s32 $0x8200;
	[dreg:$0x11] =	wrdreg s0  }
0x1d: {  	s9 =	sadd.s32 s9, s15;
	[dreg:$0x12] =	wrdreg s23;
	s26 =	smax.u32 s6, $0x1  }
0x1e: {  	v3 =	vlaneseq.u32;
	s0 =	simm.s32 $0x3200;
	s22 =	simm.s32 $0x4200;
	s23 =	simm.s32 $0x4A00  }
0x1f: {  	v0 =	vimm.f32 $1.000000000e+00;
	vm0 =	vmmov $0xffff;
	v2 =	vshrl.u32 v3, $0x3;
	s6 =	simm.s32 $0x5A00;
	s8 =	simm.s32 $0x6A00;
	[dreg:$0xa] =	wrdreg s9  }
0x20: {  	v1 =	vand.u32 $0x7, v3;
	v3 =	vor.u32 $0x8, v3;
	v2 =	vmul.u32 $0x8, v2;
	[dreg:$0x15] =	wrdreg s26;
	s26 =	simm.s32 $0xA00;
	s9 =	simm.s32 $0x7200  }
.LBB2_1:
0x21: {  	s14 =	sshrl.u32 @!p0 s2, $0x3;
	s15 =	simm.s32 @!p0 $0x1C02;
	s16 =	rddreg [dreg:$0x6]  }
0x22: {  	[spmem:s14], [sflag:s15] =	dma.local @!p0 [hbm:s16], $0x400  }
0x23: {  	s15 =	simm.s32 @!p0 $0x2  }
0x24: {  	_ =	swait.ge @!p0 [sflag:s15], $0x400  }
0x25: {  	[sflag:s15] =	ssyncset.done @!p0 $0x0  }
0x26: {  	s24 =	rddreg [dreg:$0x7];
	[sflag:s15] =	ssyncadd.s32 @!p0 $0xFFFFFC00  }
0x27: {  	[tilespmem:s3], [sflag:$0x2] =	stream.linear.gather [hbm4b:s24+s3], $0x80, $0x38;
	[tilespmem:$0x10500] =	vst v63  }
0x28: {  	_ =	swait.ge [sflag:s20], $0x80  }
0x29: {  	[sflag:s20] =	ssyncset.done $0x0  }
0x2a: {  	s16 =	rddreg [dreg:$0x8];
	[sflag:s20] =	ssyncadd.s32 $0xFFFFFF80  }
0x2b: {  	[tilespmem:s21], [sflag:$0x2] =	stream.linear.gather [hbm4b:s16+s3], $0x80, $0x38;
	[tilespmem:$0x10500] =	vst v63  }
0x2c: {  	_ =	swait.ge [sflag:s20], $0x80  }
0x2d: {  	[sflag:s20] =	ssyncset.done $0x0  }
0x2e: {  	s18 =	simm.s32 $0x100;
	s17 =	rddreg [dreg:$0x9];
	[sflag:s20] =	ssyncadd.s32 $0xFFFFFF80  }
0x2f: {  	[tilespmem:s18], [sflag:$0x2] =	stream.linear.gather [hbm4b:s17+s3], $0x80, $0x38;
	[tilespmem:$0x10500] =	vst v63  }
0x30: {  	_ =	swait.ge [sflag:s20], $0x80  }
0x31: {  	[sflag:s20] =	ssyncset.done $0x0  }
0x32: {  	s17 =	simm.s32 $0x180;
	s19 =	rddreg [dreg:$0xa];
	[sflag:s20] =	ssyncadd.s32 $0xFFFFFF80  }
0x33: {  	[tilespmem:s17], [sflag:$0x2] =	stream.linear.gather [hbm4b:s19+s3], $0x80, $0x38;
	[tilespmem:$0x10500] =	vst v63  }
0x34: {  	_ =	swait.ge [sflag:s20], $0x80  }
0x35: {  	[sflag:s20] =	ssyncset.done $0x0  }
0x36: {  	[sflag:s20] =	ssyncadd.s32 $0xFFFFFF80  }
0x37: {  	[tilespmem:$0x10200] =	vst v0  }
0x38: {  	[tilespmem:$0x10210] =	vst v0  }
0x39: {  	[tilespmem:$0x10220] =	vst v0  }
0x3a: {  	[tilespmem:$0x10230] =	vst v0  }
0x3b: {  	[tilespmem:$0x10240] =	vst v0  }
0x3c: {  	[tilespmem:$0x10250] =	vst v0  }
0x3d: {  	[tilespmem:$0x10260] =	vst v0  }
0x3e: {  	[tilespmem:$0x10270] =	vst v0  }
0x3f: {  	s24 =	simm.s32 $0x10200;
	[bflag:$0x0] =	sbarrier.arrive $0xFFFF  }
0x40: {  	[spmem:s2] =	stream.indirect.scatter.add.f32 [tilespmem:s24], [sflag:$0x2], $0x1, s3, s21, $0xb8;
	[tilespmem:$0x10500] =	vst v63  }
0x41: {  	_ =	swait.ge [sflag:s20], $0x80  }
0x42: {  	[sflag:s20] =	ssyncset.done $0x0  }
0x43: {  	[sflag:s20] =	ssyncadd.s32 $0xFFFFFF80  }
0x44: {  	[spmem:s2] =	stream.indirect.scatter.add.f32 [tilespmem:s24], [sflag:$0x2], $0x1, s21, s21, $0xb8;
	[tilespmem:$0x10500] =	vst v63  }
0x45: {  	_ =	swait.ge [sflag:s20], $0x80  }
0x46: {  	[sflag:s20] =	ssyncset.done $0x0  }
0x47: {  	[sflag:s20] =	ssyncadd.s32 $0xFFFFFF80  }
0x48: {  	[spmem:s2] =	stream.indirect.scatter.add.f32 [tilespmem:s24], [sflag:$0x2], $0x1, s18, s21, $0xb8;
	[tilespmem:$0x10500] =	vst v63  }
0x49: {  	_ =	swait.ge [sflag:s20], $0x80  }
0x4a: {  	[sflag:s20] =	ssyncset.done $0x0  }
0x4b: {  	[sflag:s20] =	ssyncadd.s32 $0xFFFFFF80  }
0x4c: {  	[spmem:s2] =	stream.indirect.scatter.add.f32 [tilespmem:s24], [sflag:$0x2], $0x1, s17, s21, $0xb8;
	[tilespmem:$0x10500] =	vst v63  }
0x4d: {  	_ =	swait.ge [sflag:s20], $0x80  }
0x4e: {  	[sflag:s20] =	ssyncset.done $0x0  }
0x4f: {  	[sflag:s20] =	ssyncadd.s32 $0xFFFFFF80  }
0x50: {  	v4 =	vld [tilespmem:$0x0];
	_ =	sdelay $0x4  }
0x51: {  	v5 =	vshll.u32 v4, $0x1  }
0x52: {  	v4 =	vand.u32 $0x7, v4;
	v5 =	vand.u32 $0xFFFFFFF0, v5  }
0x53: {  	v4 =	vor.u32 v4, v5  }
0x54: {  	v5 =	vperm.xlane v4, v1;
	_ =	sdelay $0x1  }
0x55: {  	v4 =	vperm.xlane v4, v3;
	v5 =	vadd.s32 v2, v5;
	_ =	sdelay $0x1  }
0x56: {  	v4 =	vadd.s32 v2, v4;
	_ =	sdelay $0x2  }
0x57: {  	[tilespmem:s25], [sflag:$0x1] =	stream.indirect_vreg.gather [hbm4b:s1+s3], $0x80, v5, vm0, $0xb8;
	[tilespmem:$0x10500] =	vst v63  }
0x58: {  	_ = 	snop  }
0x59: {  	[tilespmem:s26], [sflag:$0x1] =	stream.indirect_vreg.gather [hbm4b:s1+s3], $0x80, v4, vm0, $0xb8;
	[tilespmem:$0x10500] =	vst v63  }
0x5a: {  	v4 =	vld [tilespmem:$0x10];
	_ =	sdelay $0x4  }
0x5b: {  	v5 =	vshll.u32 v4, $0x1  }
0x5c: {  	v4 =	vand.u32 $0x7, v4;
	v5 =	vand.u32 $0xFFFFFFF0, v5  }
0x5d: {  	v4 =	vor.u32 v4, v5  }
0x5e: {  	v5 =	vperm.xlane v4, v1;
	_ =	sdelay $0x1  }
0x5f: {  	v4 =	vperm.xlane v4, v3;
	v5 =	vadd.s32 v2, v5;
	_ =	sdelay $0x1  }
0x60: {  	v4 =	vadd.s32 v2, v4;
	_ =	sdelay $0x2  }
0x61: {  	[tilespmem:s28], [sflag:$0x1] =	stream.indirect_vreg.gather [hbm4b:s1+s3], $0x80, v5, vm0, $0xb8;
	[tilespmem:$0x10500] =	vst v63  }
0x62: {  	_ = 	snop  }
0x63: {  	[tilespmem:s29], [sflag:$0x1] =	stream.indirect_vreg.gather [hbm4b:s1+s3], $0x80, v4, vm0, $0xb8;
	[tilespmem:$0x10500] =	vst v63  }
0x64: {  	v4 =	vld [tilespmem:$0x20];
	_ =	sdelay $0x4  }
0x65: {  	v5 =	vshll.u32 v4, $0x1  }
0x66: {  	v4 =	vand.u32 $0x7, v4;
	v5 =	vand.u32 $0xFFFFFFF0, v5  }
0x67: {  	v4 =	vor.u32 v4, v5  }
0x68: {  	v5 =	vperm.xlane v4, v1;
	_ =	sdelay $0x1  }
0x69: {  	v4 =	vperm.xlane v4, v3;
	v5 =	vadd.s32 v2, v5;
	_ =	sdelay $0x1  }
0x6a: {  	v4 =	vadd.s32 v2, v4;
	_ =	sdelay $0x2  }
0x6b: {  	[tilespmem:s30], [sflag:$0x1] =	stream.indirect_vreg.gather [hbm4b:s1+s3], $0x80, v5, vm0, $0xb8;
	[tilespmem:$0x10500] =	vst v63  }
0x6c: {  	_ = 	snop  }
0x6d: {  	[tilespmem:s31], [sflag:$0x1] =	stream.indirect_vreg.gather [hbm4b:s1+s3], $0x80, v4, vm0, $0xb8;
	[tilespmem:$0x10500] =	vst v63  }
0x6e: {  	v4 =	vld [tilespmem:$0x30];
	_ =	sdelay $0x4  }
0x6f: {  	v5 =	vshll.u32 v4, $0x1  }
0x70: {  	v4 =	vand.u32 $0x7, v4;
	v5 =	vand.u32 $0xFFFFFFF0, v5  }
0x71: {  	v4 =	vor.u32 v4, v5  }
0x72: {  	v5 =	vperm.xlane v4, v1;
	_ =	sdelay $0x1  }
0x73: {  	v4 =	vperm.xlane v4, v3;
	v5 =	vadd.s32 v2, v5;
	_ =	sdelay $0x1  }
0x74: {  	v4 =	vadd.s32 v2, v4;
	_ =	sdelay $0x2  }
0x75: {  	[tilespmem:s0], [sflag:$0x1] =	stream.indirect_vreg.gather [hbm4b:s1+s3], $0x80, v5, vm0, $0xb8;
	[tilespmem:$0x10500] =	vst v63  }
0x76: {  	_ = 	snop  }
0x77: {  	[tilespmem:s4], [sflag:$0x1] =	stream.indirect_vreg.gather [hbm4b:s1+s3], $0x80, v4, vm0, $0xb8;
	[tilespmem:$0x10500] =	vst v63  }
0x78: {  	v4 =	vld [tilespmem:$0x40];
	_ =	sdelay $0x4  }
0x79: {  	v5 =	vshll.u32 v4, $0x1  }
0x7a: {  	v4 =	vand.u32 $0x7, v4;
	v5 =	vand.u32 $0xFFFFFFF0, v5  }
0x7b: {  	v4 =	vor.u32 v4, v5  }
0x7c: {  	v5 =	vperm.xlane v4, v1;
	_ =	sdelay $0x1  }
0x7d: {  	v4 =	vperm.xlane v4, v3;
	v5 =	vadd.s32 v2, v5;
	_ =	sdelay $0x1  }
0x7e: {  	v4 =	vadd.s32 v2, v4;
	_ =	sdelay $0x2  }
0x7f: {  	[tilespmem:s22], [sflag:$0x1] =	stream.indirect_vreg.gather [hbm4b:s1+s3], $0x80, v5, vm0, $0xb8;
	[tilespmem:$0x10500] =	vst v63  }
0x80: {  	_ = 	snop  }
0x81: {  	[tilespmem:s23], [sflag:$0x1] =	stream.indirect_vreg.gather [hbm4b:s1+s3], $0x80, v4, vm0, $0xb8;
	[tilespmem:$0x10500] =	vst v63  }
0x82: {  	v4 =	vld [tilespmem:$0x50];
	_ =	sdelay $0x4  }
0x83: {  	v5 =	vshll.u32 v4, $0x1  }
0x84: {  	v4 =	vand.u32 $0x7, v4;
	v5 =	vand.u32 $0xFFFFFFF0, v5  }
0x85: {  	v4 =	vor.u32 v4, v5  }
0x86: {  	v5 =	vperm.xlane v4, v1;
	_ =	sdelay $0x1  }
0x87: {  	v4 =	vperm.xlane v4, v3;
	v5 =	vadd.s32 v2, v5;
	_ =	sdelay $0x1  }
0x88: {  	v4 =	vadd.s32 v2, v4;
	_ =	sdelay $0x2  }
0x89: {  	[tilespmem:s5], [sflag:$0x1] =	stream.indirect_vreg.gather [hbm4b:s1+s3], $0x80, v5, vm0, $0xb8;
	[tilespmem:$0x10500] =	vst v63  }
0x8a: {  	_ = 	snop  }
0x8b: {  	[tilespmem:s6], [sflag:$0x1] =	stream.indirect_vreg.gather [hbm4b:s1+s3], $0x80, v4, vm0, $0xb8;
	[tilespmem:$0x10500] =	vst v63  }
0x8c: {  	v4 =	vld [tilespmem:$0x60];
	_ =	sdelay $0x4  }
0x8d: {  	v5 =	vshll.u32 v4, $0x1  }
0x8e: {  	v4 =	vand.u32 $0x7, v4;
	v5 =	vand.u32 $0xFFFFFFF0, v5  }
0x8f: {  	v4 =	vor.u32 v4, v5  }
0x90: {  	v5 =	vperm.xlane v4, v1;
	_ =	sdelay $0x1  }
0x91: {  	v4 =	vperm.xlane v4, v3;
	v5 =	vadd.s32 v2, v5;
	_ =	sdelay $0x1  }
0x92: {  	v4 =	vadd.s32 v2, v4;
	_ =	sdelay $0x2  }
0x93: {  	[tilespmem:s7], [sflag:$0x1] =	stream.indirect_vreg.gather [hbm4b:s1+s3], $0x80, v5, vm0, $0xb8;
	[tilespmem:$0x10500] =	vst v63  }
0x94: {  	_ = 	snop  }
0x95: {  	[tilespmem:s8], [sflag:$0x1] =	stream.indirect_vreg.gather [hbm4b:s1+s3], $0x80, v4, vm0, $0xb8;
	[tilespmem:$0x10500] =	vst v63  }
0x96: {  	v4 =	vld [tilespmem:$0x70];
	_ =	sdelay $0x4  }
0x97: {  	v5 =	vshll.u32 v4, $0x1  }
0x98: {  	v4 =	vand.u32 $0x7, v4;
	v5 =	vand.u32 $0xFFFFFFF0, v5  }
0x99: {  	v4 =	vor.u32 v4, v5  }
0x9a: {  	v5 =	vperm.xlane v4, v1;
	_ =	sdelay $0x1  }
0x9b: {  	v4 =	vperm.xlane v4, v3;
	v5 =	vadd.s32 v2, v5;
	_ =	sdelay $0x1  }
0x9c: {  	v4 =	vadd.s32 v2, v4;
	_ =	sdelay $0x2  }
0x9d: {  	[tilespmem:s9], [sflag:$0x1] =	stream.indirect_vreg.gather [hbm4b:s1+s3], $0x80, v5, vm0, $0xb8;
	[tilespmem:$0x10500] =	vst v63  }
0x9e: {  	_ = 	snop  }
0x9f: {  	[tilespmem:s10], [sflag:$0x1] =	stream.indirect_vreg.gather [hbm4b:s1+s3], $0x80, v4, vm0, $0xb8;
	[tilespmem:$0x10500] =	vst v63  }
0xa0: {  	s16 =	rddreg [dreg:$0xb]  }
0xa1: {  	[tilespmem:s11], [sflag:$0x2] =	stream.linear.gather [hbm4b:s16+s3], $0x8000, $0x38;
	[tilespmem:$0x10500] =	vst v63  }
0xa2: {  	_ =	swait.ge [sflag:s20], $0x8000  }
0xa3: {  	[sflag:s20] =	ssyncset.done $0x0  }
0xa4: {  	[sflag:s20] =	ssyncadd.s32 $0xFFFF8000  }
0xa5: {  	_ =	swait.ge [sflag:s12], $0x8000  }
0xa6: {  	s18 =	sand.u32 $0x380, s3;
	s17 =	sand.u32 $0x7800, s3;
	[sflag:s12] =	ssyncset.done $0x0  }
0xa7: {  	s16 =	sor.u32 s18, s17;
	[sflag:s12] =	ssyncadd.s32 $0xFFFF8000  }
0xa8: {  	v4 =	vld [tilespmem:s16+$0x8620]  }
0xa9: {  	v5 =	vld [tilespmem:s16+$0x610]  }
0xaa: {  	v6 =	vld [tilespmem:s16+$0x8610]  }
0xab: {  	v7 =	vld [tilespmem:s16+$0x600]  }
0xac: {  	v8 =	vld [tilespmem:s16+$0x8600]  }
0xad: {  	v9 =	vld [tilespmem:s16+$0x270]  }
0xae: {  	v10 =	vld [tilespmem:s16+$0x8270]  }
0xaf: {  	v11 =	vld [tilespmem:s16+$0x260]  }
0xb0: {  	v12 =	vld [tilespmem:s16+$0x8260]  }
0xb1: {  	v13 =	vld [tilespmem:s16+$0x250]  }
0xb2: {  	v14 =	vld [tilespmem:s16+$0x220]  }
0xb3: {  	v15 =	vld [tilespmem:s16+$0x8250]  }
0xb4: {  	v16 =	vld [tilespmem:s16+$0x230]  }
0xb5: {  	v17 =	vld [tilespmem:s16+$0x210]  }
0xb6: {  	v18 =	vld [tilespmem:s16+$0x8230]  }
0xb7: {  	v19 =	vld [tilespmem:s16+$0x8210]  }
0xb8: {  	v20 =	vld [tilespmem:s16+$0x200]  }
0xb9: {  	v21 =	vld [tilespmem:s16+$0x670]  }
0xba: {  	v22 =	vld [tilespmem:s16+$0x8200]  }
0xbb: {  	v23 =	vld [tilespmem:s16+$0x8220];
	v13 =	vsub.f32 v13, v15  }
0xbc: {  	v24 =	vld [tilespmem:s16+$0x650];
	v11 =	vsub.f32 v11, v12;
	v16 =	vsub.f32 v16, v18  }
0xbd: {  	v26 =	vld [tilespmem:s16+$0x240];
	v17 =	vsub.f32 v17, v19;
	v15 =	vadd.f32 v13, v15  }
0xbe: {  	v27 =	vld [tilespmem:s16+$0x8660];
	v9 =	vsub.f32 v9, v10;
	v12 =	vadd.f32 v11, v12  }
0xbf: {  	v29 =	vld [tilespmem:s16+$0x660];
	v25 =	vsub.f32 v7, v8;
	v7 =	vadd.f32 v17, v19;
	[tilespmem:s16+$0x250] =	vst v15  }
0xc0: {  	v5 =	vsub.f32 v5, v6;
	v18 =	vadd.f32 v16, v18;
	[tilespmem:s16+$0x260] =	vst v12;
	v12 =	vld [tilespmem:s16+$0x8650]  }
0xc1: {  	v10 =	vadd.f32 v9, v10;
	[tilespmem:s16+$0x210] =	vst v7;
	v7 =	vadd.f32 v25, v8;
	v8 =	vld [tilespmem:s16+$0x8670]  }
0xc2: {  	v14 =	vsub.f32 v14, v23;
	v19 =	vld [tilespmem:s16+$0x640];
	v6 =	vadd.f32 v5, v6;
	[tilespmem:s16+$0x230] =	vst v18  }
0xc3: {  	s19 =	simm.s32 $0x100;
	s24 =	simm.s32 $0x80;
	v15 =	vld [tilespmem:s16+$0x620];
	[tilespmem:s16+$0x270] =	vst v10  }
0xc4: {  	s15 =	sand.u32 $0x7800, s19;
	s17 =	sand.u32 $0x380, s24;
	v23 =	vadd.f32 v14, v23;
	v10 =	vsub.f32 v20, v22;
	v20 =	vld [tilespmem:s16+$0x8240];
	[tilespmem:s16+$0x610] =	vst v6  }
0xc5: {  	s15 =	sor.u32 s17, s15;
	v18 =	vld [tilespmem:s16+$0x8640];
	[tilespmem:s16+$0x600] =	vst v7;
	v6 =	vsub.f32 v24, v12  }
0xc6: {  	v7 =	vld [tilespmem:s15+$0x8620];
	[tilespmem:s16+$0x220] =	vst v23;
	v24 =	vmul.f32 v10, v10;
	v21 =	vsub.f32 v21, v8  }
0xc7: {  	v23 =	vimm.f32 $0.0e+00;
	v28 =	vld [tilespmem:s15+$0x8610];
	v10 =	vadd.f32 v10, v22;
	v12 =	vadd.f32 v6, v12  }
0xc8: {  	v17 =	vmul.f32 v17, v17;
	v15 =	vsub.f32 v15, v4;
	v22 =	vld [tilespmem:s15+$0x270];
	v23 =	vadd.f32 v24, v23  }
0xc9: {  	v8 =	vadd.f32 v21, v8;
	[tilespmem:s16+$0x650] =	vst v12;
	v12 =	vsub.f32 v26, v20;
	v26 =	vld [tilespmem:s15+$0x610]  }
0xca: {  	v17 =	vadd.f32 v17, v23;
	v23 =	vld [tilespmem:s15+$0x600]  }
0xcb: {  	v14 =	vmul.f32 v14, v14;
	v4 =	vadd.f32 v15, v4;
	v24 =	vld [tilespmem:s15+$0x8600];
	[tilespmem:s16+$0x670] =	vst v8  }
0xcc: {  	v8 =	vsub.f32 v19, v18;
	[tilespmem:s16+$0x200] =	vst v10;
	v10 =	vmul.f32 v16, v16;
	v16 =	vld [tilespmem:s16+$0x8630];
	v19 =	vadd.f32 v12, v20  }
0xcd: {  	v14 =	vadd.f32 v14, v17;
	v17 =	vld [tilespmem:s15+$0x8270];
	[tilespmem:s16+$0x620] =	vst v4  }
0xce: {  	v29 =	vsub.f32 v29, v27;
	v18 =	vadd.f32 v8, v18;
	[tilespmem:s16+$0x240] =	vst v19;
	v19 =	vld [tilespmem:s16+$0x630]  }
0xcf: {  	v12 =	vmul.f32 v12, v12;
	v10 =	vadd.f32 v10, v14;
	v4 =	vld [tilespmem:s15+$0x8260]  }
0xd0: {  	v14 =	vadd.f32 v29, v27;
	[tilespmem:s16+$0x640] =	vst v18;
	v18 =	vld [tilespmem:s15+$0x230]  }
0xd1: {  	v13 =	vmul.f32 v13, v13;
	v20 =	vmul.f32 v25, v25;
	v25 =	vld [tilespmem:s15+$0x210];
	v10 =	vadd.f32 v12, v10  }
0xd2: {  	v12 =	vld [tilespmem:s15+$0x250];
	[tilespmem:s16+$0x660] =	vst v14  }
0xd3: {  	v11 =	vmul.f32 v11, v11;
	v14 =	vld [tilespmem:s15+$0x8250];
	v10 =	vadd.f32 v13, v10  }
0xd4: {  	v13 =	vld [tilespmem:s15+$0x260]  }
0xd5: {  	v9 =	vmul.f32 v9, v9;
	v10 =	vadd.f32 v11, v10;
	v11 =	vld [tilespmem:s15+$0x8230]  }
0xd6: {  	v30 =	vld [tilespmem:s15+$0x220];
	v19 =	vsub.f32 v19, v16  }
0xd7: {  	v9 =	vadd.f32 v9, v10;
	v10 =	vld [tilespmem:s15+$0x8210]  }
0xd8: {  	v31 =	vld [tilespmem:s15+$0x8220];
	v16 =	vadd.f32 v19, v16;
	v27 =	vsub.f32 v12, v14  }
0xd9: {  	v5 =	vmul.f32 v5, v5;
	v13 =	vsub.f32 v13, v4;
	v12 =	vadd.f32 v20, v9;
	v20 =	vld [tilespmem:s15+$0x8200]  }
0xda: {  	v14 =	vadd.f32 v27, v14;
	[tilespmem:s16+$0x630] =	vst v16;
	v16 =	vld [tilespmem:s15+$0x670];
	v9 =	vsub.f32 v18, v11  }
0xdb: {  	v18 =	vld [tilespmem:s15+$0x200];
	v4 =	vadd.f32 v13, v4;
	v5 =	vadd.f32 v5, v12;
	v12 =	vmul.f32 v15, v15  }
0xdc: {  	v33 =	vmul.f32 v6, v6;
	v32 =	vld [tilespmem:s15+$0x620];
	[tilespmem:s15+$0x250] =	vst v14;
	v14 =	vsub.f32 v25, v10;
	v11 =	vadd.f32 v9, v11  }
0xdd: {  	v15 =	vld [tilespmem:s15+$0x8630];
	v25 =	vsub.f32 v22, v17;
	[tilespmem:s15+$0x260] =	vst v4;
	v4 =	vmul.f32 v19, v19;
	v5 =	vadd.f32 v12, v5  }
0xde: {  	v8 =	vmul.f32 v8, v8;
	v22 =	vld [tilespmem:s15+$0x8640];
	v10 =	vadd.f32 v14, v10;
	[tilespmem:s15+$0x230] =	vst v11;
	v11 =	vsub.f32 v23, v24  }
0xdf: {  	v12 =	vmul.f32 v21, v21;
	v21 =	vld [tilespmem:s15+$0x630];
	v17 =	vadd.f32 v25, v17;
	v23 =	vadd.f32 v4, v5  }
0xe0: {  	v19 =	vld [tilespmem:s15+$0x650];
	v6 =	vmul.f32 v25, v25;
	v5 =	vmul.f32 v13, v13;
	v13 =	vsub.f32 v26, v28  }
0xe1: {  	v4 =	vmul.f32 v27, v27;
	v27 =	vld [tilespmem:s15+$0x640];
	v18 =	vsub.f32 v18, v20;
	[tilespmem:s15+$0x210] =	vst v10;
	v25 =	vadd.f32 v8, v23  }
0xe2: {  	v63 =	vmul.f32 v29, v29;
	v26 =	vld [tilespmem:s15+$0x8670];
	v10 =	vadd.f32 v11, v24;
	[tilespmem:s15+$0x270] =	vst v17;
	v17 =	vsub.f32 v30, v31  }
0xe3: {  	v24 =	vsub.f32 v32, v7;
	v23 =	vld [tilespmem:s15+$0x8650];
	v8 =	vmul.f32 v11, v11;
	v33 =	vadd.f32 v33, v25  }
0xe4: {  	v30 =	vadd.f32 v13, v28;
	v28 =	vld [tilespmem:s15+$0x240];
	[tilespmem:s15+$0x600] =	vst v10;
	v10 =	vmul.f32 v13, v13;
	v13 =	vsub.f32 v21, v15  }
0xe5: {  	s17 =	simm.s32 $0x200;
	s16 =	simm.s32 $0x100;
	v11 =	vmul.f32 v24, v24;
	v29 =	vadd.f32 v17, v31;
	v25 =	vld [tilespmem:s15+$0x8240];
	v21 =	vadd.f32 v63, v33  }
.LBB2_2:
0xe6: {  	s19 =	smov.u32 s17  }
0xe7: {  	s18 =	sand.u32 $0x7800, s17;
	s24 =	sand.u32 $0x380, s16;
	v31 =	vmul.f32 v18, v18;
	v32 =	vmul.f32 v13, v13;
	v27 =	vsub.f32 v27, v22;
	v33 =	vld [tilespmem:s15+$0x8660];
	s19 =	sadd.s32 $0x100, s17  }
0xe8: {  	p1 =	sne.s32 s17, $0x7F00;
	s18 =	sor.u32 s24, s18;
	v19 =	vsub.f32 v19, v23;
	v12 =	vadd.f32 v12, v21;
	[tilespmem:s15+$0x610] =	vst v30;
	v30 =	vld [tilespmem:s15+$0x660]  }
0xe9: {  	v14 =	vmul.f32 v14, v14;
	v16 =	vsub.f32 v16, v26;
	v21 =	vld [tilespmem:s18+$0x8620];
	[tilespmem:s15+$0x220] =	vst v29;
	v29 =	vmul.f32 v27, v27  }
0xea: {  	v12 =	vadd.f32 v31, v12;
	v23 =	vadd.f32 v19, v23;
	v31 =	vmul.f32 v19, v19;
	v34 =	vld [tilespmem:s18+$0x610]  }
0xeb: {  	v17 =	vmul.f32 v17, v17;
	v19 =	vsub.f32 v28, v25;
	v26 =	vadd.f32 v16, v26;
	v35 =	vld [tilespmem:s18+$0x8610]  }
0xec: {  	v18 =	vadd.f32 v18, v20;
	v12 =	vadd.f32 v14, v12;
	v28 =	vld [tilespmem:s18+$0x600];
	[tilespmem:s15+$0x650] =	vst v23  }
0xed: {  	v9 =	vmul.f32 v9, v9;
	v14 =	vadd.f32 v19, v25;
	v19 =	vmul.f32 v19, v19;
	v23 =	vld [tilespmem:s18+$0x8600];
	[tilespmem:s15+$0x670] =	vst v26  }
0xee: {  	v17 =	vadd.f32 v17, v12;
	v25 =	vld [tilespmem:s18+$0x270];
	[tilespmem:s15+$0x200] =	vst v18;
	v18 =	vadd.f32 v24, v7;
	v7 =	vmov v21  }
0xef: {  	v12 =	vmul.f32 v16, v16;
	v24 =	vsub.f32 v30, v33;
	v21 =	vld [tilespmem:s18+$0x8270];
	[tilespmem:s15+$0x240] =	vst v14;
	v14 =	vadd.f32 v27, v22  }
0xf0: {  	v9 =	vadd.f32 v9, v17;
	v22 =	vld [tilespmem:s18+$0x260];
	[tilespmem:s15+$0x620] =	vst v18  }
0xf1: {  	v17 =	vld [tilespmem:s18+$0x8260];
	[tilespmem:s15+$0x640] =	vst v14;
	v14 =	vadd.f32 v24, v33  }
0xf2: {  	v9 =	vadd.f32 v19, v9;
	v16 =	vld [tilespmem:s18+$0x250]  }
0xf3: {  	v18 =	vld [tilespmem:s18+$0x220];
	[tilespmem:s15+$0x660] =	vst v14  }
0xf4: {  	v4 =	vadd.f32 v4, v9;
	v14 =	vld [tilespmem:s18+$0x8250]  }
0xf5: {  	v9 =	vld [tilespmem:s18+$0x230]  }
0xf6: {  	v4 =	vadd.f32 v5, v4;
	v19 =	vld [tilespmem:s18+$0x210]  }
0xf7: {  	v26 =	vld [tilespmem:s18+$0x8230]  }
0xf8: {  	v4 =	vadd.f32 v6, v4;
	v27 =	vld [tilespmem:s18+$0x8210]  }
0xf9: {  	v30 =	vld [tilespmem:s18+$0x200];
	v5 =	vsub.f32 v16, v14  }
0xfa: {  	v6 =	vadd.f32 v8, v4;
	v8 =	vadd.f32 v13, v15;
	v16 =	vld [tilespmem:s18+$0x670]  }
0xfb: {  	v15 =	vsub.f32 v22, v17;
	v20 =	vld [tilespmem:s18+$0x8200];
	v13 =	vadd.f32 v5, v14;
	v4 =	vmul.f32 v5, v5  }
0xfc: {  	v6 =	vadd.f32 v10, v6;
	v33 =	vld [tilespmem:s18+$0x8220];
	v9 =	vsub.f32 v9, v26;
	[tilespmem:s15+$0x630] =	vst v8;
	s15 =	smov.u32 s18  }
0xfd: {  	v5 =	vmul.f32 v15, v15;
	v8 =	vsub.f32 v25, v21;
	v14 =	vsub.f32 v19, v27;
	[tilespmem:s15+$0x250] =	vst v13;
	v19 =	vld [tilespmem:s15+$0x650]  }
0xfe: {  	v10 =	vadd.f32 v15, v17;
	v11 =	vadd.f32 v11, v6;
	v13 =	vld [tilespmem:s15+$0x620]  }
0xff: {  	v25 =	vsub.f32 v28, v23;
	v17 =	vadd.f32 v9, v26;
	v6 =	vmul.f32 v8, v8;
	v15 =	vld [tilespmem:s15+$0x8630]  }
0x100: {  	v26 =	vadd.f32 v14, v27;
	[tilespmem:s15+$0x260] =	vst v10;
	v28 =	vld [tilespmem:s15+$0x630];
	v10 =	vadd.f32 v32, v11  }
0x101: {  	v11 =	vadd.f32 v8, v21;
	v8 =	vmul.f32 v25, v25;
	v21 =	vsub.f32 v34, v35;
	[tilespmem:s15+$0x230] =	vst v17;
	v22 =	vld [tilespmem:s15+$0x8640]  }
.Ltmp0:
0x102: {  	v25 =	vadd.f32 v25, v23;
	v32 =	vmul.f32 v24, v24;
	[tilespmem:s15+$0x210] =	vst v26;
	v27 =	vld [tilespmem:s15+$0x640];
	v29 =	vadd.f32 v29, v10;
	(pc) =	sbr.rel @p1 .LBB2_2-.Ltmp0, $4  }
0x103: {  	v17 =	vsub.f32 v18, v33;
	v10 =	vmul.f32 v21, v21;
	[tilespmem:s15+$0x270] =	vst v11;
	v24 =	vsub.f32 v13, v7;
	v23 =	vld [tilespmem:s15+$0x8650]  }
0x104: {  	v18 =	vsub.f32 v30, v20;
	[tilespmem:s15+$0x600] =	vst v25;
	v26 =	vld [tilespmem:s15+$0x8670];
	v31 =	vadd.f32 v31, v29  }
0x105: {  	v30 =	vadd.f32 v21, v35;
	v25 =	vld [tilespmem:s15+$0x8240];
	v11 =	vmul.f32 v24, v24;
	v13 =	vsub.f32 v28, v15  }
0x106: {  	s16 =	sadd.s32 $0x80, s16;
	s17 =	smov.u32 s19;
	v29 =	vadd.f32 v17, v33;
	v28 =	vld [tilespmem:s15+$0x240];
	v21 =	vadd.f32 v32, v31  }
0x107: {  	v31 =	vld [tilespmem:s15+$0x8660]  }
0x108: {  	v32 =	vld [tilespmem:s15+$0x660];
	[tilespmem:s15+$0x610] =	vst v30;
	v24 =	vadd.f32 v24, v7;
	v19 =	vsub.f32 v19, v23  }
0x109: {  	v15 =	vadd.f32 v13, v15;
	[tilespmem:s15+$0x220] =	vst v29;
	v16 =	vsub.f32 v16, v26  }
0x10a: {  	[tilespmem:s15+$0x620] =	vst v24;
	v30 =	vadd.f32 v19, v23  }
0x10b: {  	[tilespmem:s15+$0x630] =	vst v15;
	v23 =	vsub.f32 v28, v25;
	v26 =	vadd.f32 v16, v26  }
0x10c: {  	v28 =	vadd.f32 v18, v20;
	v20 =	vsub.f32 v27, v22;
	[tilespmem:s15+$0x650] =	vst v30  }
0x10d: {  	v7 =	vsub.f32 v32, v31;
	v25 =	vadd.f32 v23, v25;
	[tilespmem:s15+$0x670] =	vst v26  }
0x10e: {  	[tilespmem:s15+$0x200] =	vst v28;
	v22 =	vadd.f32 v20, v22  }
0x10f: {  	v24 =	vadd.f32 v7, v31;
	[tilespmem:s15+$0x240] =	vst v25  }
0x110: {  	[tilespmem:s15+$0x640] =	vst v22  }
0x111: {  	s17 =	simm.s32 $0x0;
	s16 =	rddreg [dreg:$0xc];
	[tilespmem:s15+$0x660] =	vst v24  }
0x112: {  	[hbm4b:s16+s17] =	stream.linear.scatter [tilespmem:s25], [sflag:$0x2], $0x8000, $0x38;
	[tilespmem:$0x10500] =	vst v63  }
0x113: {  	_ =	swait.ge [sflag:s20], $0x8000  }
0x114: {  	[sflag:s20] =	ssyncset.done $0x0  }
0x115: {  	[sflag:s20] =	ssyncadd.s32 $0xFFFF8000  }
0x116: {  	v15 =	vld [tilespmem:$0x80];
	_ =	sdelay $0x4  }
0x117: {  	v22 =	vshll.u32 v15, $0x1  }
0x118: {  	v15 =	vand.u32 $0x7, v15;
	v22 =	vand.u32 $0xFFFFFFF0, v22  }
0x119: {  	v15 =	vor.u32 v15, v22  }
0x11a: {  	v22 =	vperm.xlane v15, v1;
	_ =	sdelay $0x1  }
0x11b: {  	v15 =	vperm.xlane v15, v3;
	v22 =	vadd.s32 v2, v22;
	_ =	sdelay $0x1  }
0x11c: {  	v15 =	vadd.s32 v2, v15;
	_ =	sdelay $0x2  }
0x11d: {  	[tilespmem:s25], [sflag:$0x1] =	stream.indirect_vreg.gather [hbm4b:s1+s17], $0x80, v22, vm0, $0xb8;
	[tilespmem:$0x10500] =	vst v63  }
0x11e: {  	_ = 	snop  }
0x11f: {  	[tilespmem:s26], [sflag:$0x1] =	stream.indirect_vreg.gather [hbm4b:s1+s17], $0x80, v15, vm0, $0xb8;
	[tilespmem:$0x10500] =	vst v63  }
0x120: {  	v15 =	vld [tilespmem:$0x90];
	_ =	sdelay $0x4  }
0x121: {  	v22 =	vshll.u32 v15, $0x1  }
0x122: {  	v15 =	vand.u32 $0x7, v15;
	v22 =	vand.u32 $0xFFFFFFF0, v22  }
0x123: {  	v15 =	vor.u32 v15, v22  }
0x124: {  	v22 =	vperm.xlane v15, v1;
	_ =	sdelay $0x1  }
0x125: {  	v15 =	vperm.xlane v15, v3;
	v22 =	vadd.s32 v2, v22;
	_ =	sdelay $0x1  }
0x126: {  	v15 =	vadd.s32 v2, v15;
	_ =	sdelay $0x2  }
0x127: {  	[tilespmem:s28], [sflag:$0x1] =	stream.indirect_vreg.gather [hbm4b:s1+s17], $0x80, v22, vm0, $0xb8;
	[tilespmem:$0x10500] =	vst v63  }
0x128: {  	_ = 	snop  }
0x129: {  	[tilespmem:s29], [sflag:$0x1] =	stream.indirect_vreg.gather [hbm4b:s1+s17], $0x80, v15, vm0, $0xb8;
	[tilespmem:$0x10500] =	vst v63  }
0x12a: {  	v15 =	vld [tilespmem:$0xA0];
	_ =	sdelay $0x4  }
0x12b: {  	v22 =	vshll.u32 v15, $0x1  }
0x12c: {  	v15 =	vand.u32 $0x7, v15;
	v22 =	vand.u32 $0xFFFFFFF0, v22  }
0x12d: {  	v15 =	vor.u32 v15, v22  }
0x12e: {  	v22 =	vperm.xlane v15, v1;
	_ =	sdelay $0x1  }
0x12f: {  	v15 =	vperm.xlane v15, v3;
	v22 =	vadd.s32 v2, v22;
	_ =	sdelay $0x1  }
0x130: {  	v15 =	vadd.s32 v2, v15;
	_ =	sdelay $0x2  }
0x131: {  	[tilespmem:s30], [sflag:$0x1] =	stream.indirect_vreg.gather [hbm4b:s1+s17], $0x80, v22, vm0, $0xb8;
	[tilespmem:$0x10500] =	vst v63  }
0x132: {  	_ = 	snop  }
0x133: {  	[tilespmem:s31], [sflag:$0x1] =	stream.indirect_vreg.gather [hbm4b:s1+s17], $0x80, v15, vm0, $0xb8;
	[tilespmem:$0x10500] =	vst v63  }
0x134: {  	v15 =	vld [tilespmem:$0xB0];
	_ =	sdelay $0x4  }
0x135: {  	v22 =	vshll.u32 v15, $0x1  }
0x136: {  	v15 =	vand.u32 $0x7, v15;
	v22 =	vand.u32 $0xFFFFFFF0, v22  }
0x137: {  	v15 =	vor.u32 v15, v22  }
0x138: {  	v22 =	vperm.xlane v15, v1;
	_ =	sdelay $0x1  }
0x139: {  	v15 =	vperm.xlane v15, v3;
	v22 =	vadd.s32 v2, v22;
	_ =	sdelay $0x1  }
0x13a: {  	v15 =	vadd.s32 v2, v15;
	_ =	sdelay $0x2  }
0x13b: {  	[tilespmem:s0], [sflag:$0x1] =	stream.indirect_vreg.gather [hbm4b:s1+s17], $0x80, v22, vm0, $0xb8;
	[tilespmem:$0x10500] =	vst v63  }
0x13c: {  	_ = 	snop  }
0x13d: {  	[tilespmem:s4], [sflag:$0x1] =	stream.indirect_vreg.gather [hbm4b:s1+s17], $0x80, v15, vm0, $0xb8;
	[tilespmem:$0x10500] =	vst v63  }
0x13e: {  	v15 =	vld [tilespmem:$0xC0];
	_ =	sdelay $0x4  }
0x13f: {  	v22 =	vshll.u32 v15, $0x1  }
0x140: {  	v15 =	vand.u32 $0x7, v15;
	v22 =	vand.u32 $0xFFFFFFF0, v22  }
0x141: {  	v15 =	vor.u32 v15, v22  }
0x142: {  	v22 =	vperm.xlane v15, v1;
	_ =	sdelay $0x1  }
0x143: {  	v15 =	vperm.xlane v15, v3;
	v22 =	vadd.s32 v2, v22;
	_ =	sdelay $0x1  }
0x144: {  	v15 =	vadd.s32 v2, v15;
	_ =	sdelay $0x2  }
0x145: {  	[tilespmem:s22], [sflag:$0x1] =	stream.indirect_vreg.gather [hbm4b:s1+s17], $0x80, v22, vm0, $0xb8;
	[tilespmem:$0x10500] =	vst v63  }
0x146: {  	_ = 	snop  }
0x147: {  	[tilespmem:s23], [sflag:$0x1] =	stream.indirect_vreg.gather [hbm4b:s1+s17], $0x80, v15, vm0, $0xb8;
	[tilespmem:$0x10500] =	vst v63  }
0x148: {  	v15 =	vld [tilespmem:$0xD0];
	_ =	sdelay $0x4  }
0x149: {  	v22 =	vshll.u32 v15, $0x1  }
0x14a: {  	v15 =	vand.u32 $0x7, v15;
	v22 =	vand.u32 $0xFFFFFFF0, v22  }
0x14b: {  	v15 =	vor.u32 v15, v22  }
0x14c: {  	v22 =	vperm.xlane v15, v1;
	_ =	sdelay $0x1  }
0x14d: {  	v15 =	vperm.xlane v15, v3;
	v22 =	vadd.s32 v2, v22;
	_ =	sdelay $0x1  }
0x14e: {  	v15 =	vadd.s32 v2, v15;
	_ =	sdelay $0x2  }
0x14f: {  	[tilespmem:s5], [sflag:$0x1] =	stream.indirect_vreg.gather [hbm4b:s1+s17], $0x80, v22, vm0, $0xb8;
	[tilespmem:$0x10500] =	vst v63  }
0x150: {  	_ = 	snop  }
0x151: {  	[tilespmem:s6], [sflag:$0x1] =	stream.indirect_vreg.gather [hbm4b:s1+s17], $0x80, v15, vm0, $0xb8;
	[tilespmem:$0x10500] =	vst v63  }
0x152: {  	v15 =	vld [tilespmem:$0xE0];
	_ =	sdelay $0x4  }
0x153: {  	v22 =	vshll.u32 v15, $0x1  }
0x154: {  	v15 =	vand.u32 $0x7, v15;
	v22 =	vand.u32 $0xFFFFFFF0, v22  }
0x155: {  	v15 =	vor.u32 v15, v22  }
0x156: {  	v22 =	vperm.xlane v15, v1;
	_ =	sdelay $0x1  }
0x157: {  	v15 =	vperm.xlane v15, v3;
	v22 =	vadd.s32 v2, v22;
	_ =	sdelay $0x1  }
0x158: {  	v15 =	vadd.s32 v2, v15;
	_ =	sdelay $0x2  }
0x159: {  	[tilespmem:s7], [sflag:$0x1] =	stream.indirect_vreg.gather [hbm4b:s1+s17], $0x80, v22, vm0, $0xb8;
	[tilespmem:$0x10500] =	vst v63  }
0x15a: {  	_ = 	snop  }
0x15b: {  	[tilespmem:s8], [sflag:$0x1] =	stream.indirect_vreg.gather [hbm4b:s1+s17], $0x80, v15, vm0, $0xb8;
	[tilespmem:$0x10500] =	vst v63  }
0x15c: {  	v15 =	vld [tilespmem:$0xF0];
	_ =	sdelay $0x4  }
0x15d: {  	v22 =	vshll.u32 v15, $0x1  }
0x15e: {  	v15 =	vand.u32 $0x7, v15;
	v22 =	vand.u32 $0xFFFFFFF0, v22  }
0x15f: {  	v15 =	vor.u32 v15, v22  }
0x160: {  	v22 =	vperm.xlane v15, v1;
	_ =	sdelay $0x1  }
0x161: {  	v15 =	vperm.xlane v15, v3;
	v22 =	vadd.s32 v2, v22;
	_ =	sdelay $0x1  }
0x162: {  	v15 =	vadd.s32 v2, v15;
	_ =	sdelay $0x2  }
0x163: {  	[tilespmem:s9], [sflag:$0x1] =	stream.indirect_vreg.gather [hbm4b:s1+s17], $0x80, v22, vm0, $0xb8;
	[tilespmem:$0x10500] =	vst v63  }
0x164: {  	_ = 	snop  }
0x165: {  	[tilespmem:s10], [sflag:$0x1] =	stream.indirect_vreg.gather [hbm4b:s1+s17], $0x80, v15, vm0, $0xb8;
	[tilespmem:$0x10500] =	vst v63  }
0x166: {  	v12 =	vadd.f32 v12, v21;
	s18 =	rddreg [dreg:$0xd];
	v15 =	vmul.f32 v18, v18  }
0x167: {  	[tilespmem:s11], [sflag:$0x2] =	stream.linear.gather [hbm4b:s18+s17], $0x8000, $0x38;
	[tilespmem:$0x10500] =	vst v63  }
0x168: {  	v14 =	vmul.f32 v14, v14;
	v12 =	vadd.f32 v15, v12;
	_ =	swait.ge [sflag:s20], $0x8000  }
0x169: {  	[sflag:s20] =	ssyncset.done $0x0  }
0x16a: {  	v15 =	vmul.f32 v17, v17;
	v12 =	vadd.f32 v14, v12;
	[sflag:s20] =	ssyncadd.s32 $0xFFFF8000  }
0x16b: {  	_ =	swait.ge [sflag:s12], $0x8000  }
0x16c: {  	v9 =	vmul.f32 v9, v9;
	s19 =	sand.u32 $0x7800, s17;
	s15 =	sand.u32 $0x380, s17;
	v12 =	vadd.f32 v15, v12;
	[sflag:s12] =	ssyncset.done $0x0  }
0x16d: {  	s16 =	sor.u32 s15, s19;
	[sflag:s12] =	ssyncadd.s32 $0xFFFF8000  }
0x16e: {  	v9 =	vadd.f32 v9, v12;
	v12 =	vld [tilespmem:s16+$0x8620]  }
0x16f: {  	v14 =	vmul.f32 v23, v23;
	v15 =	vld [tilespmem:s16+$0x610]  }
0x170: {  	v17 =	vld [tilespmem:s16+$0x600]  }
0x171: {  	v18 =	vld [tilespmem:s16+$0x270];
	v9 =	vadd.f32 v14, v9  }
0x172: {  	v21 =	vld [tilespmem:s16+$0x260]  }
0x173: {  	v22 =	vld [tilespmem:s16+$0x250];
	v4 =	vadd.f32 v4, v9  }
0x174: {  	v23 =	vld [tilespmem:s16+$0x8250]  }
0x175: {  	v24 =	vld [tilespmem:s16+$0x210];
	v4 =	vadd.f32 v5, v4  }
0x176: {  	v25 =	vld [tilespmem:s16+$0x8210]  }
0x177: {  	v26 =	vld [tilespmem:s16+$0x670];
	v4 =	vadd.f32 v6, v4  }
0x178: {  	v27 =	vld [tilespmem:s16+$0x8220]  }
0x179: {  	v28 =	vld [tilespmem:s16+$0x650];
	v4 =	vadd.f32 v8, v4  }
0x17a: {  	v9 =	vld [tilespmem:s16+$0x8600]  }
0x17b: {  	v6 =	vld [tilespmem:s16+$0x8260];
	v4 =	vadd.f32 v10, v4  }
0x17c: {  	v10 =	vld [tilespmem:s16+$0x230]  }
0x17d: {  	v22 =	vsub.f32 v22, v23;
	v4 =	vadd.f32 v11, v4;
	v11 =	vld [tilespmem:s16+$0x8230]  }
0x17e: {  	v5 =	vld [tilespmem:s16+$0x8270];
	v24 =	vsub.f32 v24, v25  }
0x17f: {  	v14 =	vld [tilespmem:s16+$0x8610];
	v23 =	vadd.f32 v22, v23  }
0x180: {  	v13 =	vmul.f32 v13, v13;
	v25 =	vadd.f32 v24, v25;
	v8 =	vld [tilespmem:s16+$0x220]  }
0x181: {  	v17 =	vsub.f32 v17, v9;
	[tilespmem:s16+$0x250] =	vst v23;
	v23 =	vld [tilespmem:s16+$0x620];
	v21 =	vsub.f32 v21, v6  }
0x182: {  	v20 =	vmul.f32 v20, v20;
	[tilespmem:s16+$0x210] =	vst v25;
	v25 =	vld [tilespmem:s16+$0x640];
	v4 =	vadd.f32 v13, v4;
	v10 =	vsub.f32 v10, v11  }
0x183: {  	v18 =	vsub.f32 v18, v5;
	v6 =	vadd.f32 v21, v6;
	v13 =	vld [tilespmem:s16+$0x200]  }
0x184: {  	v19 =	vmul.f32 v19, v19;
	v4 =	vadd.f32 v20, v4;
	v20 =	vld [tilespmem:s16+$0x8200];
	v11 =	vadd.f32 v10, v11  }
0x185: {  	v9 =	vadd.f32 v17, v9;
	v5 =	vadd.f32 v18, v5;
	[tilespmem:s16+$0x260] =	vst v6;
	v6 =	vld [tilespmem:s16+$0x8650]  }
0x186: {  	v7 =	vmul.f32 v7, v7;
	v4 =	vadd.f32 v19, v4;
	v19 =	vld [tilespmem:s16+$0x8670];
	[tilespmem:s16+$0x230] =	vst v11;
	v11 =	vsub.f32 v15, v14  }
0x187: {  	[tilespmem:s16+$0x600] =	vst v9;
	v9 =	vld [tilespmem:s16+$0x8240];
	v8 =	vsub.f32 v8, v27  }
0x188: {  	s24 =	simm.s32 $0x100;
	s17 =	simm.s32 $0x80;
	[tilespmem:s16+$0x270] =	vst v5;
	v4 =	vadd.f32 v7, v4;
	v15 =	vld [tilespmem:s16+$0x8640];
	v5 =	vadd.f32 v11, v14  }
0x189: {  	s15 =	sand.u32 $0x7800, s24;
	s17 =	sand.u32 $0x380, s17;
	v13 =	vsub.f32 v13, v20;
	v14 =	vmul.f32 v16, v16;
	v16 =	vadd.f32 v8, v27;
	v27 =	vld [tilespmem:s16+$0x240]  }
0x18a: {  	s15 =	sor.u32 s17, s15;
	[tilespmem:s16+$0x610] =	vst v5;
	v5 =	vsub.f32 v28, v6;
	v28 =	vld [tilespmem:s16+$0x8660]  }
0x18b: {  	v26 =	vsub.f32 v26, v19;
	v4 =	vadd.f32 v14, v4;
	v14 =	vmul.f32 v13, v13;
	v7 =	vld [tilespmem:s15+$0x8620]  }
0x18c: {  	v13 =	vadd.f32 v13, v20;
	[tilespmem:s16+$0x220] =	vst v16;
	v16 =	vld [tilespmem:s16+$0x660];
	v6 =	vadd.f32 v5, v6  }
0x18d: {  	v24 =	vmul.f32 v24, v24;
	v29 =	vld [tilespmem:s15+$0x8610];
	v4 =	vadd.f32 v14, v4;
	v14 =	vadd.f32 v26, v19  }
0x18e: {  	v19 =	vsub.f32 v23, v12;
	v23 =	vld [tilespmem:s15+$0x610];
	[tilespmem:s16+$0x650] =	vst v6;
	v6 =	vsub.f32 v27, v9  }
0x18f: {  	v4 =	vadd.f32 v24, v4;
	v24 =	vsub.f32 v25, v15;
	v25 =	vld [tilespmem:s15+$0x270]  }
0x190: {  	v8 =	vmul.f32 v8, v8;
	v27 =	vld [tilespmem:s15+$0x8600];
	[tilespmem:s16+$0x670] =	vst v14  }
0x191: {  	[tilespmem:s16+$0x200] =	vst v13;
	v13 =	vld [tilespmem:s15+$0x600];
	v9 =	vadd.f32 v6, v9  }
0x192: {  	v10 =	vmul.f32 v10, v10;
	v4 =	vadd.f32 v8, v4;
	v8 =	vadd.f32 v19, v12;
	v12 =	vld [tilespmem:s15+$0x8270]  }
0x193: {  	v30 =	vsub.f32 v16, v28;
	v16 =	vld [tilespmem:s16+$0x630];
	[tilespmem:s16+$0x240] =	vst v9  }
0x194: {  	v6 =	vmul.f32 v6, v6;
	v14 =	vadd.f32 v24, v15;
	v9 =	vld [tilespmem:s16+$0x8630];
	v4 =	vadd.f32 v10, v4;
	[tilespmem:s16+$0x620] =	vst v8  }
0x195: {  	v10 =	vadd.f32 v30, v28;
	v8 =	vld [tilespmem:s15+$0x8260]  }
0x196: {  	v15 =	vmul.f32 v22, v22;
	[tilespmem:s16+$0x640] =	vst v14;
	v62 =	vld [tilespmem:s15+$0x220];
	v4 =	vadd.f32 v6, v4  }
0x197: {  	v6 =	vld [tilespmem:s15+$0x250];
	[tilespmem:s16+$0x660] =	vst v10  }
0x198: {  	v10 =	vmul.f32 v21, v21;
	v14 =	vld [tilespmem:s15+$0x8250];
	v4 =	vadd.f32 v15, v4  }
0x199: {  	v21 =	vld [tilespmem:s15+$0x230]  }
0x19a: {  	v18 =	vmul.f32 v18, v18;
	v15 =	vld [tilespmem:s15+$0x260];
	v4 =	vadd.f32 v10, v4  }
0x19b: {  	v10 =	vld [tilespmem:s15+$0x8230]  }
0x19c: {  	v17 =	vmul.f32 v17, v17;
	v22 =	vsub.f32 v16, v9;
	v16 =	vld [tilespmem:s15+$0x210];
	v4 =	vadd.f32 v18, v4  }
0x19d: {  	v18 =	vld [tilespmem:s15+$0x8210];
	v6 =	vsub.f32 v6, v14  }
0x19e: {  	v20 =	vld [tilespmem:s15+$0x8200];
	v4 =	vadd.f32 v17, v4;
	v17 =	vadd.f32 v22, v9  }
0x19f: {  	v11 =	vmul.f32 v11, v11;
	v31 =	vld [tilespmem:s15+$0x8220];
	v28 =	vsub.f32 v15, v8  }
0x1a0: {  	v33 =	vmul.f32 v5, v5;
	v14 =	vadd.f32 v6, v14;
	v9 =	vsub.f32 v21, v10;
	v21 =	vld [tilespmem:s15+$0x200];
	[tilespmem:s16+$0x630] =	vst v17  }
0x1a1: {  	v8 =	vadd.f32 v28, v8;
	v4 =	vadd.f32 v11, v4;
	v11 =	vmul.f32 v19, v19;
	v15 =	vld [tilespmem:s15+$0x8630]  }
0x1a2: {  	v63 =	vmul.f32 v30, v30;
	[tilespmem:s15+$0x250] =	vst v14;
	v17 =	vsub.f32 v25, v12;
	v14 =	vsub.f32 v16, v18;
	v16 =	vld [tilespmem:s15+$0x670]  }
0x1a3: {  	v10 =	vadd.f32 v9, v10;
	[tilespmem:s15+$0x260] =	vst v8;
	v8 =	vmul.f32 v22, v22;
	v25 =	vld [tilespmem:s15+$0x620];
	v4 =	vadd.f32 v11, v4  }
0x1a4: {  	v13 =	vsub.f32 v13, v27;
	v5 =	vmul.f32 v28, v28;
	v28 =	vsub.f32 v23, v29;
	v22 =	vld [tilespmem:s15+$0x8640]  }
0x1a5: {  	v34 =	vld [tilespmem:s15+$0x630];
	v11 =	vadd.f32 v14, v18;
	[tilespmem:s15+$0x230] =	vst v10;
	v10 =	vmul.f32 v24, v24;
	v8 =	vadd.f32 v8, v4  }
0x1a6: {  	v19 =	vld [tilespmem:s15+$0x650];
	v30 =	vadd.f32 v28, v29;
	v18 =	vadd.f32 v17, v12;
	v4 =	vmul.f32 v6, v6  }
0x1a7: {  	v23 =	vld [tilespmem:s15+$0x8650];
	v6 =	vmul.f32 v17, v17;
	v17 =	vsub.f32 v62, v31;
	[tilespmem:s15+$0x210] =	vst v11;
	v10 =	vadd.f32 v10, v8  }
0x1a8: {  	v11 =	vadd.f32 v13, v27;
	[tilespmem:s15+$0x270] =	vst v18;
	v27 =	vld [tilespmem:s15+$0x640];
	v18 =	vsub.f32 v21, v20  }
0x1a9: {  	v12 =	vmul.f32 v26, v26;
	v26 =	vld [tilespmem:s15+$0x8670];
	v24 =	vsub.f32 v25, v7;
	v21 =	vadd.f32 v33, v10  }
0x1aa: {  	v8 =	vmul.f32 v13, v13;
	v25 =	vld [tilespmem:s15+$0x8240];
	v13 =	vsub.f32 v34, v15;
	v29 =	vadd.f32 v17, v31  }
0x1ab: {  	s19 =	simm.s32 $0x200;
	s16 =	simm.s32 $0x100;
	[tilespmem:s15+$0x600] =	vst v11;
	v10 =	vmul.f32 v28, v28;
	v11 =	vmul.f32 v24, v24;
	v28 =	vld [tilespmem:s15+$0x240];
	v21 =	vadd.f32 v63, v21  }
.LBB2_4:
0x1ac: {  	s17 =	smov.u32 s19  }
0x1ad: {  	s18 =	sand.u32 $0x7800, s19;
	s24 =	sand.u32 $0x380, s16;
	v31 =	vmul.f32 v18, v18;
	v32 =	vmul.f32 v13, v13;
	v27 =	vsub.f32 v27, v22;
	v33 =	vld [tilespmem:s15+$0x8660];
	s17 =	sadd.s32 $0x100, s19  }
0x1ae: {  	p1 =	sne.s32 s19, $0x7F00;
	s18 =	sor.u32 s24, s18;
	v19 =	vsub.f32 v19, v23;
	v12 =	vadd.f32 v12, v21;
	[tilespmem:s15+$0x610] =	vst v30;
	v30 =	vld [tilespmem:s15+$0x660]  }
0x1af: {  	v14 =	vmul.f32 v14, v14;
	v16 =	vsub.f32 v16, v26;
	v21 =	vld [tilespmem:s18+$0x8620];
	[tilespmem:s15+$0x220] =	vst v29;
	v29 =	vmul.f32 v27, v27  }
0x1b0: {  	v12 =	vadd.f32 v31, v12;
	v23 =	vadd.f32 v19, v23;
	v31 =	vmul.f32 v19, v19;
	v34 =	vld [tilespmem:s18+$0x610]  }
0x1b1: {  	v17 =	vmul.f32 v17, v17;
	v19 =	vsub.f32 v28, v25;
	v26 =	vadd.f32 v16, v26;
	v35 =	vld [tilespmem:s18+$0x8610]  }
0x1b2: {  	v18 =	vadd.f32 v18, v20;
	v12 =	vadd.f32 v14, v12;
	v28 =	vld [tilespmem:s18+$0x600];
	[tilespmem:s15+$0x650] =	vst v23  }
0x1b3: {  	v9 =	vmul.f32 v9, v9;
	v14 =	vadd.f32 v19, v25;
	v19 =	vmul.f32 v19, v19;
	v23 =	vld [tilespmem:s18+$0x8600];
	[tilespmem:s15+$0x670] =	vst v26  }
0x1b4: {  	v17 =	vadd.f32 v17, v12;
	v25 =	vld [tilespmem:s18+$0x270];
	[tilespmem:s15+$0x200] =	vst v18;
	v18 =	vadd.f32 v24, v7;
	v7 =	vmov v21  }
0x1b5: {  	v12 =	vmul.f32 v16, v16;
	v24 =	vsub.f32 v30, v33;
	v21 =	vld [tilespmem:s18+$0x8270];
	[tilespmem:s15+$0x240] =	vst v14;
	v14 =	vadd.f32 v27, v22  }
0x1b6: {  	v9 =	vadd.f32 v9, v17;
	v22 =	vld [tilespmem:s18+$0x260];
	[tilespmem:s15+$0x620] =	vst v18  }
0x1b7: {  	v17 =	vld [tilespmem:s18+$0x8260];
	[tilespmem:s15+$0x640] =	vst v14;
	v14 =	vadd.f32 v24, v33  }
0x1b8: {  	v9 =	vadd.f32 v19, v9;
	v16 =	vld [tilespmem:s18+$0x250]  }
0x1b9: {  	v18 =	vld [tilespmem:s18+$0x220];
	[tilespmem:s15+$0x660] =	vst v14  }
0x1ba: {  	v4 =	vadd.f32 v4, v9;
	v14 =	vld [tilespmem:s18+$0x8250]  }
0x1bb: {  	v9 =	vld [tilespmem:s18+$0x230]  }
0x1bc: {  	v4 =	vadd.f32 v5, v4;
	v19 =	vld [tilespmem:s18+$0x210]  }
0x1bd: {  	v26 =	vld [tilespmem:s18+$0x8230]  }
0x1be: {  	v4 =	vadd.f32 v6, v4;
	v27 =	vld [tilespmem:s18+$0x8210]  }
0x1bf: {  	v30 =	vld [tilespmem:s18+$0x200];
	v5 =	vsub.f32 v16, v14  }
0x1c0: {  	v6 =	vadd.f32 v8, v4;
	v8 =	vadd.f32 v13, v15;
	v16 =	vld [tilespmem:s18+$0x670]  }
0x1c1: {  	v15 =	vsub.f32 v22, v17;
	v20 =	vld [tilespmem:s18+$0x8200];
	v13 =	vadd.f32 v5, v14;
	v4 =	vmul.f32 v5, v5  }
0x1c2: {  	v6 =	vadd.f32 v10, v6;
	v33 =	vld [tilespmem:s18+$0x8220];
	v9 =	vsub.f32 v9, v26;
	[tilespmem:s15+$0x630] =	vst v8;
	s15 =	smov.u32 s18  }
0x1c3: {  	v5 =	vmul.f32 v15, v15;
	v8 =	vsub.f32 v25, v21;
	v14 =	vsub.f32 v19, v27;
	[tilespmem:s15+$0x250] =	vst v13;
	v19 =	vld [tilespmem:s15+$0x650]  }
0x1c4: {  	v10 =	vadd.f32 v15, v17;
	v11 =	vadd.f32 v11, v6;
	v13 =	vld [tilespmem:s15+$0x620]  }
0x1c5: {  	v25 =	vsub.f32 v28, v23;
	v17 =	vadd.f32 v9, v26;
	v6 =	vmul.f32 v8, v8;
	v15 =	vld [tilespmem:s15+$0x8630]  }
0x1c6: {  	v26 =	vadd.f32 v14, v27;
	[tilespmem:s15+$0x260] =	vst v10;
	v28 =	vld [tilespmem:s15+$0x630];
	v10 =	vadd.f32 v32, v11  }
0x1c7: {  	v11 =	vadd.f32 v8, v21;
	v8 =	vmul.f32 v25, v25;
	v21 =	vsub.f32 v34, v35;
	[tilespmem:s15+$0x230] =	vst v17;
	v22 =	vld [tilespmem:s15+$0x8640]  }
.Ltmp1:
0x1c8: {  	v25 =	vadd.f32 v25, v23;
	v32 =	vmul.f32 v24, v24;
	[tilespmem:s15+$0x210] =	vst v26;
	v27 =	vld [tilespmem:s15+$0x640];
	v29 =	vadd.f32 v29, v10;
	(pc) =	sbr.rel @p1 .LBB2_4-.Ltmp1, $4  }
0x1c9: {  	v17 =	vsub.f32 v18, v33;
	v10 =	vmul.f32 v21, v21;
	[tilespmem:s15+$0x270] =	vst v11;
	v24 =	vsub.f32 v13, v7;
	v23 =	vld [tilespmem:s15+$0x8650]  }
0x1ca: {  	v18 =	vsub.f32 v30, v20;
	[tilespmem:s15+$0x600] =	vst v25;
	v26 =	vld [tilespmem:s15+$0x8670];
	v31 =	vadd.f32 v31, v29  }
0x1cb: {  	v30 =	vadd.f32 v21, v35;
	v25 =	vld [tilespmem:s15+$0x8240];
	v11 =	vmul.f32 v24, v24;
	v13 =	vsub.f32 v28, v15  }
0x1cc: {  	s16 =	sadd.s32 $0x80, s16;
	s19 =	smov.u32 s17;
	v29 =	vadd.f32 v17, v33;
	v28 =	vld [tilespmem:s15+$0x240];
	v21 =	vadd.f32 v32, v31  }
0x1cd: {  	v31 =	vld [tilespmem:s15+$0x8660]  }
0x1ce: {  	v32 =	vld [tilespmem:s15+$0x660];
	[tilespmem:s15+$0x610] =	vst v30;
	v24 =	vadd.f32 v24, v7;
	v19 =	vsub.f32 v19, v23  }
0x1cf: {  	v15 =	vadd.f32 v13, v15;
	[tilespmem:s15+$0x220] =	vst v29;
	v16 =	vsub.f32 v16, v26  }
0x1d0: {  	[tilespmem:s15+$0x620] =	vst v24;
	v30 =	vadd.f32 v19, v23  }
0x1d1: {  	[tilespmem:s15+$0x630] =	vst v15;
	v23 =	vsub.f32 v28, v25;
	v26 =	vadd.f32 v16, v26  }
0x1d2: {  	v28 =	vadd.f32 v18, v20;
	v20 =	vsub.f32 v27, v22;
	[tilespmem:s15+$0x650] =	vst v30  }
0x1d3: {  	v7 =	vsub.f32 v32, v31;
	v25 =	vadd.f32 v23, v25;
	[tilespmem:s15+$0x670] =	vst v26  }
0x1d4: {  	[tilespmem:s15+$0x200] =	vst v28;
	v22 =	vadd.f32 v20, v22  }
0x1d5: {  	v24 =	vadd.f32 v7, v31;
	[tilespmem:s15+$0x240] =	vst v25  }
0x1d6: {  	[tilespmem:s15+$0x640] =	vst v22  }
0x1d7: {  	s17 =	simm.s32 $0x0;
	s16 =	rddreg [dreg:$0xe];
	[tilespmem:s15+$0x660] =	vst v24  }
0x1d8: {  	[hbm4b:s16+s17] =	stream.linear.scatter [tilespmem:s25], [sflag:$0x2], $0x8000, $0x38;
	[tilespmem:$0x10500] =	vst v63  }
0x1d9: {  	_ =	swait.ge [sflag:s20], $0x8000  }
0x1da: {  	[sflag:s20] =	ssyncset.done $0x0  }
0x1db: {  	[sflag:s20] =	ssyncadd.s32 $0xFFFF8000  }
0x1dc: {  	v15 =	vld [tilespmem:$0x100];
	_ =	sdelay $0x4  }
0x1dd: {  	v22 =	vshll.u32 v15, $0x1  }
0x1de: {  	v15 =	vand.u32 $0x7, v15;
	v22 =	vand.u32 $0xFFFFFFF0, v22  }
0x1df: {  	v15 =	vor.u32 v15, v22  }
0x1e0: {  	v22 =	vperm.xlane v15, v1;
	_ =	sdelay $0x1  }
0x1e1: {  	v15 =	vperm.xlane v15, v3;
	v22 =	vadd.s32 v2, v22;
	_ =	sdelay $0x1  }
0x1e2: {  	v15 =	vadd.s32 v2, v15;
	_ =	sdelay $0x2  }
0x1e3: {  	[tilespmem:s25], [sflag:$0x1] =	stream.indirect_vreg.gather [hbm4b:s1+s17], $0x80, v22, vm0, $0xb8;
	[tilespmem:$0x10500] =	vst v63  }
0x1e4: {  	_ = 	snop  }
0x1e5: {  	[tilespmem:s26], [sflag:$0x1] =	stream.indirect_vreg.gather [hbm4b:s1+s17], $0x80, v15, vm0, $0xb8;
	[tilespmem:$0x10500] =	vst v63  }
0x1e6: {  	v15 =	vld [tilespmem:$0x110];
	_ =	sdelay $0x4  }
0x1e7: {  	v22 =	vshll.u32 v15, $0x1  }
0x1e8: {  	v15 =	vand.u32 $0x7, v15;
	v22 =	vand.u32 $0xFFFFFFF0, v22  }
0x1e9: {  	v15 =	vor.u32 v15, v22  }
0x1ea: {  	v22 =	vperm.xlane v15, v1;
	_ =	sdelay $0x1  }
0x1eb: {  	v15 =	vperm.xlane v15, v3;
	v22 =	vadd.s32 v2, v22;
	_ =	sdelay $0x1  }
0x1ec: {  	v15 =	vadd.s32 v2, v15;
	_ =	sdelay $0x2  }
0x1ed: {  	[tilespmem:s28], [sflag:$0x1] =	stream.indirect_vreg.gather [hbm4b:s1+s17], $0x80, v22, vm0, $0xb8;
	[tilespmem:$0x10500] =	vst v63  }
0x1ee: {  	_ = 	snop  }
0x1ef: {  	[tilespmem:s29], [sflag:$0x1] =	stream.indirect_vreg.gather [hbm4b:s1+s17], $0x80, v15, vm0, $0xb8;
	[tilespmem:$0x10500] =	vst v63  }
0x1f0: {  	v15 =	vld [tilespmem:$0x120];
	_ =	sdelay $0x4  }
0x1f1: {  	v22 =	vshll.u32 v15, $0x1  }
0x1f2: {  	v15 =	vand.u32 $0x7, v15;
	v22 =	vand.u32 $0xFFFFFFF0, v22  }
0x1f3: {  	v15 =	vor.u32 v15, v22  }
0x1f4: {  	v22 =	vperm.xlane v15, v1;
	_ =	sdelay $0x1  }
0x1f5: {  	v15 =	vperm.xlane v15, v3;
	v22 =	vadd.s32 v2, v22;
	_ =	sdelay $0x1  }
0x1f6: {  	v15 =	vadd.s32 v2, v15;
	_ =	sdelay $0x2  }
0x1f7: {  	[tilespmem:s30], [sflag:$0x1] =	stream.indirect_vreg.gather [hbm4b:s1+s17], $0x80, v22, vm0, $0xb8;
	[tilespmem:$0x10500] =	vst v63  }
0x1f8: {  	_ = 	snop  }
0x1f9: {  	[tilespmem:s31], [sflag:$0x1] =	stream.indirect_vreg.gather [hbm4b:s1+s17], $0x80, v15, vm0, $0xb8;
	[tilespmem:$0x10500] =	vst v63  }
0x1fa: {  	v15 =	vld [tilespmem:$0x130];
	_ =	sdelay $0x4  }
0x1fb: {  	v22 =	vshll.u32 v15, $0x1  }
0x1fc: {  	v15 =	vand.u32 $0x7, v15;
	v22 =	vand.u32 $0xFFFFFFF0, v22  }
0x1fd: {  	v15 =	vor.u32 v15, v22  }
0x1fe: {  	v22 =	vperm.xlane v15, v1;
	_ =	sdelay $0x1  }
0x1ff: {  	v15 =	vperm.xlane v15, v3;
	v22 =	vadd.s32 v2, v22;
	_ =	sdelay $0x1  }
0x200: {  	v15 =	vadd.s32 v2, v15;
	_ =	sdelay $0x2  }
0x201: {  	[tilespmem:s0], [sflag:$0x1] =	stream.indirect_vreg.gather [hbm4b:s1+s17], $0x80, v22, vm0, $0xb8;
	[tilespmem:$0x10500] =	vst v63  }
0x202: {  	_ = 	snop  }
0x203: {  	[tilespmem:s4], [sflag:$0x1] =	stream.indirect_vreg.gather [hbm4b:s1+s17], $0x80, v15, vm0, $0xb8;
	[tilespmem:$0x10500] =	vst v63  }
0x204: {  	v15 =	vld [tilespmem:$0x140];
	_ =	sdelay $0x4  }
0x205: {  	v22 =	vshll.u32 v15, $0x1  }
0x206: {  	v15 =	vand.u32 $0x7, v15;
	v22 =	vand.u32 $0xFFFFFFF0, v22  }
0x207: {  	v15 =	vor.u32 v15, v22  }
0x208: {  	v22 =	vperm.xlane v15, v1;
	_ =	sdelay $0x1  }
0x209: {  	v15 =	vperm.xlane v15, v3;
	v22 =	vadd.s32 v2, v22;
	_ =	sdelay $0x1  }
0x20a: {  	v15 =	vadd.s32 v2, v15;
	_ =	sdelay $0x2  }
0x20b: {  	[tilespmem:s22], [sflag:$0x1] =	stream.indirect_vreg.gather [hbm4b:s1+s17], $0x80, v22, vm0, $0xb8;
	[tilespmem:$0x10500] =	vst v63  }
0x20c: {  	_ = 	snop  }
0x20d: {  	[tilespmem:s23], [sflag:$0x1] =	stream.indirect_vreg.gather [hbm4b:s1+s17], $0x80, v15, vm0, $0xb8;
	[tilespmem:$0x10500] =	vst v63  }
0x20e: {  	v15 =	vld [tilespmem:$0x150];
	_ =	sdelay $0x4  }
0x20f: {  	v22 =	vshll.u32 v15, $0x1  }
0x210: {  	v15 =	vand.u32 $0x7, v15;
	v22 =	vand.u32 $0xFFFFFFF0, v22  }
0x211: {  	v15 =	vor.u32 v15, v22  }
0x212: {  	v22 =	vperm.xlane v15, v1;
	_ =	sdelay $0x1  }
0x213: {  	v15 =	vperm.xlane v15, v3;
	v22 =	vadd.s32 v2, v22;
	_ =	sdelay $0x1  }
0x214: {  	v15 =	vadd.s32 v2, v15;
	_ =	sdelay $0x2  }
0x215: {  	[tilespmem:s5], [sflag:$0x1] =	stream.indirect_vreg.gather [hbm4b:s1+s17], $0x80, v22, vm0, $0xb8;
	[tilespmem:$0x10500] =	vst v63  }
0x216: {  	_ = 	snop  }
0x217: {  	[tilespmem:s6], [sflag:$0x1] =	stream.indirect_vreg.gather [hbm4b:s1+s17], $0x80, v15, vm0, $0xb8;
	[tilespmem:$0x10500] =	vst v63  }
0x218: {  	v15 =	vld [tilespmem:$0x160];
	_ =	sdelay $0x4  }
0x219: {  	v22 =	vshll.u32 v15, $0x1  }
0x21a: {  	v15 =	vand.u32 $0x7, v15;
	v22 =	vand.u32 $0xFFFFFFF0, v22  }
0x21b: {  	v15 =	vor.u32 v15, v22  }
0x21c: {  	v22 =	vperm.xlane v15, v1;
	_ =	sdelay $0x1  }
0x21d: {  	v15 =	vperm.xlane v15, v3;
	v22 =	vadd.s32 v2, v22;
	_ =	sdelay $0x1  }
0x21e: {  	v15 =	vadd.s32 v2, v15;
	_ =	sdelay $0x2  }
0x21f: {  	[tilespmem:s7], [sflag:$0x1] =	stream.indirect_vreg.gather [hbm4b:s1+s17], $0x80, v22, vm0, $0xb8;
	[tilespmem:$0x10500] =	vst v63  }
0x220: {  	_ = 	snop  }
0x221: {  	[tilespmem:s8], [sflag:$0x1] =	stream.indirect_vreg.gather [hbm4b:s1+s17], $0x80, v15, vm0, $0xb8;
	[tilespmem:$0x10500] =	vst v63  }
0x222: {  	v15 =	vld [tilespmem:$0x170];
	_ =	sdelay $0x4  }
0x223: {  	v22 =	vshll.u32 v15, $0x1  }
0x224: {  	v15 =	vand.u32 $0x7, v15;
	v22 =	vand.u32 $0xFFFFFFF0, v22  }
0x225: {  	v15 =	vor.u32 v15, v22  }
0x226: {  	v22 =	vperm.xlane v15, v1;
	_ =	sdelay $0x1  }
0x227: {  	v15 =	vperm.xlane v15, v3;
	v22 =	vadd.s32 v2, v22;
	_ =	sdelay $0x1  }
0x228: {  	v15 =	vadd.s32 v2, v15;
	_ =	sdelay $0x2  }
0x229: {  	[tilespmem:s9], [sflag:$0x1] =	stream.indirect_vreg.gather [hbm4b:s1+s17], $0x80, v22, vm0, $0xb8;
	[tilespmem:$0x10500] =	vst v63  }
0x22a: {  	_ = 	snop  }
0x22b: {  	[tilespmem:s10], [sflag:$0x1] =	stream.indirect_vreg.gather [hbm4b:s1+s17], $0x80, v15, vm0, $0xb8;
	[tilespmem:$0x10500] =	vst v63  }
0x22c: {  	v12 =	vadd.f32 v12, v21;
	s18 =	rddreg [dreg:$0xf];
	v15 =	vmul.f32 v18, v18  }
0x22d: {  	[tilespmem:s11], [sflag:$0x2] =	stream.linear.gather [hbm4b:s18+s17], $0x8000, $0x38;
	[tilespmem:$0x10500] =	vst v63  }
0x22e: {  	v14 =	vmul.f32 v14, v14;
	v12 =	vadd.f32 v15, v12;
	_ =	swait.ge [sflag:s20], $0x8000  }
0x22f: {  	[sflag:s20] =	ssyncset.done $0x0  }
0x230: {  	v15 =	vmul.f32 v17, v17;
	v12 =	vadd.f32 v14, v12;
	[sflag:s20] =	ssyncadd.s32 $0xFFFF8000  }
0x231: {  	_ =	swait.ge [sflag:s12], $0x8000  }
0x232: {  	v9 =	vmul.f32 v9, v9;
	s19 =	sand.u32 $0x7800, s17;
	s15 =	sand.u32 $0x380, s17;
	v12 =	vadd.f32 v15, v12;
	[sflag:s12] =	ssyncset.done $0x0  }
0x233: {  	s16 =	sor.u32 s15, s19;
	[sflag:s12] =	ssyncadd.s32 $0xFFFF8000  }
0x234: {  	v9 =	vadd.f32 v9, v12;
	v12 =	vld [tilespmem:s16+$0x8620]  }
0x235: {  	v14 =	vmul.f32 v23, v23;
	v15 =	vld [tilespmem:s16+$0x610]  }
0x236: {  	v17 =	vld [tilespmem:s16+$0x600]  }
0x237: {  	v18 =	vld [tilespmem:s16+$0x270];
	v9 =	vadd.f32 v14, v9  }
0x238: {  	v21 =	vld [tilespmem:s16+$0x260]  }
0x239: {  	v22 =	vld [tilespmem:s16+$0x250];
	v4 =	vadd.f32 v4, v9  }
0x23a: {  	v23 =	vld [tilespmem:s16+$0x8250]  }
0x23b: {  	v24 =	vld [tilespmem:s16+$0x210];
	v4 =	vadd.f32 v5, v4  }
0x23c: {  	v25 =	vld [tilespmem:s16+$0x8210]  }
0x23d: {  	v26 =	vld [tilespmem:s16+$0x670];
	v4 =	vadd.f32 v6, v4  }
0x23e: {  	v27 =	vld [tilespmem:s16+$0x8220]  }
0x23f: {  	v28 =	vld [tilespmem:s16+$0x650];
	v4 =	vadd.f32 v8, v4  }
0x240: {  	v9 =	vld [tilespmem:s16+$0x8600]  }
0x241: {  	v6 =	vld [tilespmem:s16+$0x8260];
	v4 =	vadd.f32 v10, v4  }
0x242: {  	v10 =	vld [tilespmem:s16+$0x230]  }
0x243: {  	v22 =	vsub.f32 v22, v23;
	v4 =	vadd.f32 v11, v4;
	v11 =	vld [tilespmem:s16+$0x8230]  }
0x244: {  	v5 =	vld [tilespmem:s16+$0x8270];
	v24 =	vsub.f32 v24, v25  }
0x245: {  	v14 =	vld [tilespmem:s16+$0x8610];
	v23 =	vadd.f32 v22, v23  }
0x246: {  	v13 =	vmul.f32 v13, v13;
	v25 =	vadd.f32 v24, v25;
	v8 =	vld [tilespmem:s16+$0x220]  }
0x247: {  	v17 =	vsub.f32 v17, v9;
	[tilespmem:s16+$0x250] =	vst v23;
	v23 =	vld [tilespmem:s16+$0x620];
	v21 =	vsub.f32 v21, v6  }
0x248: {  	v20 =	vmul.f32 v20, v20;
	[tilespmem:s16+$0x210] =	vst v25;
	v25 =	vld [tilespmem:s16+$0x640];
	v4 =	vadd.f32 v13, v4;
	v10 =	vsub.f32 v10, v11  }
0x249: {  	v18 =	vsub.f32 v18, v5;
	v6 =	vadd.f32 v21, v6;
	v13 =	vld [tilespmem:s16+$0x200]  }
0x24a: {  	v19 =	vmul.f32 v19, v19;
	v4 =	vadd.f32 v20, v4;
	v20 =	vld [tilespmem:s16+$0x8200];
	v11 =	vadd.f32 v10, v11  }
0x24b: {  	v9 =	vadd.f32 v17, v9;
	v5 =	vadd.f32 v18, v5;
	[tilespmem:s16+$0x260] =	vst v6;
	v6 =	vld [tilespmem:s16+$0x8650]  }
0x24c: {  	v7 =	vmul.f32 v7, v7;
	v4 =	vadd.f32 v19, v4;
	v19 =	vld [tilespmem:s16+$0x8670];
	[tilespmem:s16+$0x230] =	vst v11;
	v11 =	vsub.f32 v15, v14  }
0x24d: {  	[tilespmem:s16+$0x600] =	vst v9;
	v9 =	vld [tilespmem:s16+$0x8240];
	v8 =	vsub.f32 v8, v27  }
0x24e: {  	s24 =	simm.s32 $0x100;
	s17 =	simm.s32 $0x80;
	[tilespmem:s16+$0x270] =	vst v5;
	v4 =	vadd.f32 v7, v4;
	v15 =	vld [tilespmem:s16+$0x8640];
	v5 =	vadd.f32 v11, v14  }
0x24f: {  	s15 =	sand.u32 $0x7800, s24;
	s17 =	sand.u32 $0x380, s17;
	v13 =	vsub.f32 v13, v20;
	v14 =	vmul.f32 v16, v16;
	v16 =	vadd.f32 v8, v27;
	v27 =	vld [tilespmem:s16+$0x240]  }
0x250: {  	s15 =	sor.u32 s17, s15;
	[tilespmem:s16+$0x610] =	vst v5;
	v5 =	vsub.f32 v28, v6;
	v28 =	vld [tilespmem:s16+$0x8660]  }
0x251: {  	v26 =	vsub.f32 v26, v19;
	v4 =	vadd.f32 v14, v4;
	v14 =	vmul.f32 v13, v13;
	v7 =	vld [tilespmem:s15+$0x8620]  }
0x252: {  	v13 =	vadd.f32 v13, v20;
	[tilespmem:s16+$0x220] =	vst v16;
	v16 =	vld [tilespmem:s16+$0x660];
	v6 =	vadd.f32 v5, v6  }
0x253: {  	v24 =	vmul.f32 v24, v24;
	v29 =	vld [tilespmem:s15+$0x8610];
	v4 =	vadd.f32 v14, v4;
	v14 =	vadd.f32 v26, v19  }
0x254: {  	v19 =	vsub.f32 v23, v12;
	v23 =	vld [tilespmem:s15+$0x610];
	[tilespmem:s16+$0x650] =	vst v6;
	v6 =	vsub.f32 v27, v9  }
0x255: {  	v4 =	vadd.f32 v24, v4;
	v24 =	vsub.f32 v25, v15;
	v25 =	vld [tilespmem:s15+$0x270]  }
0x256: {  	v8 =	vmul.f32 v8, v8;
	v27 =	vld [tilespmem:s15+$0x8600];
	[tilespmem:s16+$0x670] =	vst v14  }
0x257: {  	[tilespmem:s16+$0x200] =	vst v13;
	v13 =	vld [tilespmem:s15+$0x600];
	v9 =	vadd.f32 v6, v9  }
0x258: {  	v10 =	vmul.f32 v10, v10;
	v4 =	vadd.f32 v8, v4;
	v8 =	vadd.f32 v19, v12;
	v12 =	vld [tilespmem:s15+$0x8270]  }
0x259: {  	v30 =	vsub.f32 v16, v28;
	v16 =	vld [tilespmem:s16+$0x630];
	[tilespmem:s16+$0x240] =	vst v9  }
0x25a: {  	v6 =	vmul.f32 v6, v6;
	v14 =	vadd.f32 v24, v15;
	v9 =	vld [tilespmem:s16+$0x8630];
	v4 =	vadd.f32 v10, v4;
	[tilespmem:s16+$0x620] =	vst v8  }
0x25b: {  	v10 =	vadd.f32 v30, v28;
	v8 =	vld [tilespmem:s15+$0x8260]  }
0x25c: {  	v15 =	vmul.f32 v22, v22;
	[tilespmem:s16+$0x640] =	vst v14;
	v62 =	vld [tilespmem:s15+$0x220];
	v4 =	vadd.f32 v6, v4  }
0x25d: {  	v6 =	vld [tilespmem:s15+$0x250];
	[tilespmem:s16+$0x660] =	vst v10  }
0x25e: {  	v10 =	vmul.f32 v21, v21;
	v14 =	vld [tilespmem:s15+$0x8250];
	v4 =	vadd.f32 v15, v4  }
0x25f: {  	v21 =	vld [tilespmem:s15+$0x230]  }
0x260: {  	v18 =	vmul.f32 v18, v18;
	v15 =	vld [tilespmem:s15+$0x260];
	v4 =	vadd.f32 v10, v4  }
0x261: {  	v10 =	vld [tilespmem:s15+$0x8230]  }
0x262: {  	v17 =	vmul.f32 v17, v17;
	v22 =	vsub.f32 v16, v9;
	v16 =	vld [tilespmem:s15+$0x210];
	v4 =	vadd.f32 v18, v4  }
0x263: {  	v18 =	vld [tilespmem:s15+$0x8210];
	v6 =	vsub.f32 v6, v14  }
0x264: {  	v20 =	vld [tilespmem:s15+$0x8200];
	v4 =	vadd.f32 v17, v4;
	v17 =	vadd.f32 v22, v9  }
0x265: {  	v11 =	vmul.f32 v11, v11;
	v31 =	vld [tilespmem:s15+$0x8220];
	v28 =	vsub.f32 v15, v8  }
0x266: {  	v33 =	vmul.f32 v5, v5;
	v14 =	vadd.f32 v6, v14;
	v9 =	vsub.f32 v21, v10;
	v21 =	vld [tilespmem:s15+$0x200];
	[tilespmem:s16+$0x630] =	vst v17  }
0x267: {  	v8 =	vadd.f32 v28, v8;
	v4 =	vadd.f32 v11, v4;
	v11 =	vmul.f32 v19, v19;
	v15 =	vld [tilespmem:s15+$0x8630]  }
0x268: {  	v63 =	vmul.f32 v30, v30;
	[tilespmem:s15+$0x250] =	vst v14;
	v17 =	vsub.f32 v25, v12;
	v14 =	vsub.f32 v16, v18;
	v16 =	vld [tilespmem:s15+$0x670]  }
0x269: {  	v10 =	vadd.f32 v9, v10;
	[tilespmem:s15+$0x260] =	vst v8;
	v8 =	vmul.f32 v22, v22;
	v25 =	vld [tilespmem:s15+$0x620];
	v4 =	vadd.f32 v11, v4  }
0x26a: {  	v13 =	vsub.f32 v13, v27;
	v5 =	vmul.f32 v28, v28;
	v28 =	vsub.f32 v23, v29;
	v22 =	vld [tilespmem:s15+$0x8640]  }
0x26b: {  	v34 =	vld [tilespmem:s15+$0x630];
	v11 =	vadd.f32 v14, v18;
	[tilespmem:s15+$0x230] =	vst v10;
	v10 =	vmul.f32 v24, v24;
	v8 =	vadd.f32 v8, v4  }
0x26c: {  	v19 =	vld [tilespmem:s15+$0x650];
	v30 =	vadd.f32 v28, v29;
	v18 =	vadd.f32 v17, v12;
	v4 =	vmul.f32 v6, v6  }
0x26d: {  	v23 =	vld [tilespmem:s15+$0x8650];
	v6 =	vmul.f32 v17, v17;
	v17 =	vsub.f32 v62, v31;
	[tilespmem:s15+$0x210] =	vst v11;
	v10 =	vadd.f32 v10, v8  }
0x26e: {  	v11 =	vadd.f32 v13, v27;
	[tilespmem:s15+$0x270] =	vst v18;
	v27 =	vld [tilespmem:s15+$0x640];
	v18 =	vsub.f32 v21, v20  }
0x26f: {  	v12 =	vmul.f32 v26, v26;
	v26 =	vld [tilespmem:s15+$0x8670];
	v24 =	vsub.f32 v25, v7;
	v21 =	vadd.f32 v33, v10  }
0x270: {  	v8 =	vmul.f32 v13, v13;
	v25 =	vld [tilespmem:s15+$0x8240];
	v13 =	vsub.f32 v34, v15;
	v29 =	vadd.f32 v17, v31  }
0x271: {  	s19 =	simm.s32 $0x200;
	s16 =	simm.s32 $0x100;
	[tilespmem:s15+$0x600] =	vst v11;
	v10 =	vmul.f32 v28, v28;
	v11 =	vmul.f32 v24, v24;
	v28 =	vld [tilespmem:s15+$0x240];
	v21 =	vadd.f32 v63, v21  }
.LBB2_6:
0x272: {  	s17 =	smov.u32 s19  }
0x273: {  	s18 =	sand.u32 $0x7800, s19;
	s24 =	sand.u32 $0x380, s16;
	v31 =	vmul.f32 v18, v18;
	v32 =	vmul.f32 v13, v13;
	v27 =	vsub.f32 v27, v22;
	v33 =	vld [tilespmem:s15+$0x8660];
	s17 =	sadd.s32 $0x100, s19  }
0x274: {  	p1 =	sne.s32 s19, $0x7F00;
	s18 =	sor.u32 s24, s18;
	v19 =	vsub.f32 v19, v23;
	v12 =	vadd.f32 v12, v21;
	[tilespmem:s15+$0x610] =	vst v30;
	v30 =	vld [tilespmem:s15+$0x660]  }
0x275: {  	v14 =	vmul.f32 v14, v14;
	v16 =	vsub.f32 v16, v26;
	v21 =	vld [tilespmem:s18+$0x8620];
	[tilespmem:s15+$0x220] =	vst v29;
	v29 =	vmul.f32 v27, v27  }
0x276: {  	v12 =	vadd.f32 v31, v12;
	v23 =	vadd.f32 v19, v23;
	v31 =	vmul.f32 v19, v19;
	v34 =	vld [tilespmem:s18+$0x610]  }
0x277: {  	v17 =	vmul.f32 v17, v17;
	v19 =	vsub.f32 v28, v25;
	v26 =	vadd.f32 v16, v26;
	v35 =	vld [tilespmem:s18+$0x8610]  }
0x278: {  	v18 =	vadd.f32 v18, v20;
	v12 =	vadd.f32 v14, v12;
	v28 =	vld [tilespmem:s18+$0x600];
	[tilespmem:s15+$0x650] =	vst v23  }
0x279: {  	v9 =	vmul.f32 v9, v9;
	v14 =	vadd.f32 v19, v25;
	v19 =	vmul.f32 v19, v19;
	v23 =	vld [tilespmem:s18+$0x8600];
	[tilespmem:s15+$0x670] =	vst v26  }
0x27a: {  	v17 =	vadd.f32 v17, v12;
	v25 =	vld [tilespmem:s18+$0x270];
	[tilespmem:s15+$0x200] =	vst v18;
	v18 =	vadd.f32 v24, v7;
	v7 =	vmov v21  }
0x27b: {  	v12 =	vmul.f32 v16, v16;
	v24 =	vsub.f32 v30, v33;
	v21 =	vld [tilespmem:s18+$0x8270];
	[tilespmem:s15+$0x240] =	vst v14;
	v14 =	vadd.f32 v27, v22  }
0x27c: {  	v9 =	vadd.f32 v9, v17;
	v22 =	vld [tilespmem:s18+$0x260];
	[tilespmem:s15+$0x620] =	vst v18  }
0x27d: {  	v17 =	vld [tilespmem:s18+$0x8260];
	[tilespmem:s15+$0x640] =	vst v14;
	v14 =	vadd.f32 v24, v33  }
0x27e: {  	v9 =	vadd.f32 v19, v9;
	v16 =	vld [tilespmem:s18+$0x250]  }
0x27f: {  	v18 =	vld [tilespmem:s18+$0x220];
	[tilespmem:s15+$0x660] =	vst v14  }
0x280: {  	v4 =	vadd.f32 v4, v9;
	v14 =	vld [tilespmem:s18+$0x8250]  }
0x281: {  	v9 =	vld [tilespmem:s18+$0x230]  }
0x282: {  	v4 =	vadd.f32 v5, v4;
	v19 =	vld [tilespmem:s18+$0x210]  }
0x283: {  	v26 =	vld [tilespmem:s18+$0x8230]  }
0x284: {  	v4 =	vadd.f32 v6, v4;
	v27 =	vld [tilespmem:s18+$0x8210]  }
0x285: {  	v30 =	vld [tilespmem:s18+$0x200];
	v5 =	vsub.f32 v16, v14  }
0x286: {  	v6 =	vadd.f32 v8, v4;
	v8 =	vadd.f32 v13, v15;
	v16 =	vld [tilespmem:s18+$0x670]  }
0x287: {  	v15 =	vsub.f32 v22, v17;
	v20 =	vld [tilespmem:s18+$0x8200];
	v13 =	vadd.f32 v5, v14;
	v4 =	vmul.f32 v5, v5  }
0x288: {  	v6 =	vadd.f32 v10, v6;
	v33 =	vld [tilespmem:s18+$0x8220];
	v9 =	vsub.f32 v9, v26;
	[tilespmem:s15+$0x630] =	vst v8;
	s15 =	smov.u32 s18  }
0x289: {  	v5 =	vmul.f32 v15, v15;
	v8 =	vsub.f32 v25, v21;
	v14 =	vsub.f32 v19, v27;
	[tilespmem:s15+$0x250] =	vst v13;
	v19 =	vld [tilespmem:s15+$0x650]  }
0x28a: {  	v10 =	vadd.f32 v15, v17;
	v11 =	vadd.f32 v11, v6;
	v13 =	vld [tilespmem:s15+$0x620]  }
0x28b: {  	v25 =	vsub.f32 v28, v23;
	v17 =	vadd.f32 v9, v26;
	v6 =	vmul.f32 v8, v8;
	v15 =	vld [tilespmem:s15+$0x8630]  }
0x28c: {  	v26 =	vadd.f32 v14, v27;
	[tilespmem:s15+$0x260] =	vst v10;
	v28 =	vld [tilespmem:s15+$0x630];
	v10 =	vadd.f32 v32, v11  }
0x28d: {  	v11 =	vadd.f32 v8, v21;
	v8 =	vmul.f32 v25, v25;
	v21 =	vsub.f32 v34, v35;
	[tilespmem:s15+$0x230] =	vst v17;
	v22 =	vld [tilespmem:s15+$0x8640]  }
.Ltmp2:
0x28e: {  	v25 =	vadd.f32 v25, v23;
	v32 =	vmul.f32 v24, v24;
	[tilespmem:s15+$0x210] =	vst v26;
	v27 =	vld [tilespmem:s15+$0x640];
	v29 =	vadd.f32 v29, v10;
	(pc) =	sbr.rel @p1 .LBB2_6-.Ltmp2, $4  }
0x28f: {  	v17 =	vsub.f32 v18, v33;
	v10 =	vmul.f32 v21, v21;
	[tilespmem:s15+$0x270] =	vst v11;
	v24 =	vsub.f32 v13, v7;
	v23 =	vld [tilespmem:s15+$0x8650]  }
0x290: {  	v18 =	vsub.f32 v30, v20;
	[tilespmem:s15+$0x600] =	vst v25;
	v26 =	vld [tilespmem:s15+$0x8670];
	v31 =	vadd.f32 v31, v29  }
0x291: {  	v30 =	vadd.f32 v21, v35;
	v25 =	vld [tilespmem:s15+$0x8240];
	v11 =	vmul.f32 v24, v24;
	v13 =	vsub.f32 v28, v15  }
0x292: {  	s16 =	sadd.s32 $0x80, s16;
	s19 =	smov.u32 s17;
	v29 =	vadd.f32 v17, v33;
	v28 =	vld [tilespmem:s15+$0x240];
	v21 =	vadd.f32 v32, v31  }
0x293: {  	v31 =	vld [tilespmem:s15+$0x8660]  }
0x294: {  	v32 =	vld [tilespmem:s15+$0x660];
	[tilespmem:s15+$0x610] =	vst v30;
	v24 =	vadd.f32 v24, v7;
	v19 =	vsub.f32 v19, v23  }
0x295: {  	v15 =	vadd.f32 v13, v15;
	[tilespmem:s15+$0x220] =	vst v29;
	v16 =	vsub.f32 v16, v26  }
0x296: {  	[tilespmem:s15+$0x620] =	vst v24;
	v30 =	vadd.f32 v19, v23  }
0x297: {  	[tilespmem:s15+$0x630] =	vst v15;
	v23 =	vsub.f32 v28, v25;
	v26 =	vadd.f32 v16, v26  }
0x298: {  	v28 =	vadd.f32 v18, v20;
	v20 =	vsub.f32 v27, v22;
	[tilespmem:s15+$0x650] =	vst v30  }
0x299: {  	v7 =	vsub.f32 v32, v31;
	v25 =	vadd.f32 v23, v25;
	[tilespmem:s15+$0x670] =	vst v26  }
0x29a: {  	[tilespmem:s15+$0x200] =	vst v28;
	v22 =	vadd.f32 v20, v22  }
0x29b: {  	v24 =	vadd.f32 v7, v31;
	[tilespmem:s15+$0x240] =	vst v25  }
0x29c: {  	[tilespmem:s15+$0x640] =	vst v22  }
0x29d: {  	s17 =	simm.s32 $0x0;
	s16 =	rddreg [dreg:$0x10];
	[tilespmem:s15+$0x660] =	vst v24  }
0x29e: {  	[hbm4b:s16+s17] =	stream.linear.scatter [tilespmem:s25], [sflag:$0x2], $0x8000, $0x38;
	[tilespmem:$0x10500] =	vst v63  }
0x29f: {  	_ =	swait.ge [sflag:s20], $0x8000  }
0x2a0: {  	[sflag:s20] =	ssyncset.done $0x0  }
0x2a1: {  	[sflag:s20] =	ssyncadd.s32 $0xFFFF8000  }
0x2a2: {  	v15 =	vld [tilespmem:$0x180];
	_ =	sdelay $0x4  }
0x2a3: {  	v22 =	vshll.u32 v15, $0x1  }
0x2a4: {  	v15 =	vand.u32 $0x7, v15;
	v22 =	vand.u32 $0xFFFFFFF0, v22  }
0x2a5: {  	v15 =	vor.u32 v15, v22  }
0x2a6: {  	v22 =	vperm.xlane v15, v1;
	_ =	sdelay $0x1  }
0x2a7: {  	v15 =	vperm.xlane v15, v3;
	v22 =	vadd.s32 v2, v22;
	_ =	sdelay $0x1  }
0x2a8: {  	v15 =	vadd.s32 v2, v15;
	_ =	sdelay $0x2  }
0x2a9: {  	[tilespmem:s25], [sflag:$0x1] =	stream.indirect_vreg.gather [hbm4b:s1+s17], $0x80, v22, vm0, $0xb8;
	[tilespmem:$0x10500] =	vst v63  }
0x2aa: {  	_ = 	snop  }
0x2ab: {  	[tilespmem:s26], [sflag:$0x1] =	stream.indirect_vreg.gather [hbm4b:s1+s17], $0x80, v15, vm0, $0xb8;
	[tilespmem:$0x10500] =	vst v63  }
0x2ac: {  	v15 =	vld [tilespmem:$0x190];
	_ =	sdelay $0x4  }
0x2ad: {  	v22 =	vshll.u32 v15, $0x1  }
0x2ae: {  	v15 =	vand.u32 $0x7, v15;
	v22 =	vand.u32 $0xFFFFFFF0, v22  }
0x2af: {  	v15 =	vor.u32 v15, v22  }
0x2b0: {  	v22 =	vperm.xlane v15, v1;
	_ =	sdelay $0x1  }
0x2b1: {  	v15 =	vperm.xlane v15, v3;
	v22 =	vadd.s32 v2, v22;
	_ =	sdelay $0x1  }
0x2b2: {  	v15 =	vadd.s32 v2, v15;
	_ =	sdelay $0x2  }
0x2b3: {  	[tilespmem:s28], [sflag:$0x1] =	stream.indirect_vreg.gather [hbm4b:s1+s17], $0x80, v22, vm0, $0xb8;
	[tilespmem:$0x10500] =	vst v63  }
0x2b4: {  	_ = 	snop  }
0x2b5: {  	[tilespmem:s29], [sflag:$0x1] =	stream.indirect_vreg.gather [hbm4b:s1+s17], $0x80, v15, vm0, $0xb8;
	[tilespmem:$0x10500] =	vst v63  }
0x2b6: {  	v15 =	vld [tilespmem:$0x1A0];
	_ =	sdelay $0x4  }
0x2b7: {  	v22 =	vshll.u32 v15, $0x1  }
0x2b8: {  	v15 =	vand.u32 $0x7, v15;
	v22 =	vand.u32 $0xFFFFFFF0, v22  }
0x2b9: {  	v15 =	vor.u32 v15, v22  }
0x2ba: {  	v22 =	vperm.xlane v15, v1;
	_ =	sdelay $0x1  }
0x2bb: {  	v15 =	vperm.xlane v15, v3;
	v22 =	vadd.s32 v2, v22;
	_ =	sdelay $0x1  }
0x2bc: {  	v15 =	vadd.s32 v2, v15;
	_ =	sdelay $0x2  }
0x2bd: {  	[tilespmem:s30], [sflag:$0x1] =	stream.indirect_vreg.gather [hbm4b:s1+s17], $0x80, v22, vm0, $0xb8;
	[tilespmem:$0x10500] =	vst v63  }
0x2be: {  	_ = 	snop  }
0x2bf: {  	[tilespmem:s31], [sflag:$0x1] =	stream.indirect_vreg.gather [hbm4b:s1+s17], $0x80, v15, vm0, $0xb8;
	[tilespmem:$0x10500] =	vst v63  }
0x2c0: {  	v15 =	vld [tilespmem:$0x1B0];
	_ =	sdelay $0x4  }
0x2c1: {  	v22 =	vshll.u32 v15, $0x1  }
0x2c2: {  	v15 =	vand.u32 $0x7, v15;
	v22 =	vand.u32 $0xFFFFFFF0, v22  }
0x2c3: {  	v15 =	vor.u32 v15, v22  }
0x2c4: {  	v22 =	vperm.xlane v15, v1;
	_ =	sdelay $0x1  }
0x2c5: {  	v15 =	vperm.xlane v15, v3;
	v22 =	vadd.s32 v2, v22;
	_ =	sdelay $0x1  }
0x2c6: {  	v15 =	vadd.s32 v2, v15;
	_ =	sdelay $0x2  }
0x2c7: {  	[tilespmem:s0], [sflag:$0x1] =	stream.indirect_vreg.gather [hbm4b:s1+s17], $0x80, v22, vm0, $0xb8;
	[tilespmem:$0x10500] =	vst v63  }
0x2c8: {  	_ = 	snop  }
0x2c9: {  	[tilespmem:s4], [sflag:$0x1] =	stream.indirect_vreg.gather [hbm4b:s1+s17], $0x80, v15, vm0, $0xb8;
	[tilespmem:$0x10500] =	vst v63  }
0x2ca: {  	v15 =	vld [tilespmem:$0x1C0];
	_ =	sdelay $0x4  }
0x2cb: {  	v22 =	vshll.u32 v15, $0x1  }
0x2cc: {  	v15 =	vand.u32 $0x7, v15;
	v22 =	vand.u32 $0xFFFFFFF0, v22  }
0x2cd: {  	v15 =	vor.u32 v15, v22  }
0x2ce: {  	v22 =	vperm.xlane v15, v1;
	_ =	sdelay $0x1  }
0x2cf: {  	v15 =	vperm.xlane v15, v3;
	v22 =	vadd.s32 v2, v22;
	_ =	sdelay $0x1  }
0x2d0: {  	v15 =	vadd.s32 v2, v15;
	_ =	sdelay $0x2  }
0x2d1: {  	[tilespmem:s22], [sflag:$0x1] =	stream.indirect_vreg.gather [hbm4b:s1+s17], $0x80, v22, vm0, $0xb8;
	[tilespmem:$0x10500] =	vst v63  }
0x2d2: {  	_ = 	snop  }
0x2d3: {  	[tilespmem:s23], [sflag:$0x1] =	stream.indirect_vreg.gather [hbm4b:s1+s17], $0x80, v15, vm0, $0xb8;
	[tilespmem:$0x10500] =	vst v63  }
0x2d4: {  	v15 =	vld [tilespmem:$0x1D0];
	_ =	sdelay $0x4  }
0x2d5: {  	v22 =	vshll.u32 v15, $0x1  }
0x2d6: {  	v15 =	vand.u32 $0x7, v15;
	v22 =	vand.u32 $0xFFFFFFF0, v22  }
0x2d7: {  	v15 =	vor.u32 v15, v22  }
0x2d8: {  	v22 =	vperm.xlane v15, v1;
	_ =	sdelay $0x1  }
0x2d9: {  	v15 =	vperm.xlane v15, v3;
	v22 =	vadd.s32 v2, v22;
	_ =	sdelay $0x1  }
0x2da: {  	v15 =	vadd.s32 v2, v15;
	_ =	sdelay $0x2  }
0x2db: {  	[tilespmem:s5], [sflag:$0x1] =	stream.indirect_vreg.gather [hbm4b:s1+s17], $0x80, v22, vm0, $0xb8;
	[tilespmem:$0x10500] =	vst v63  }
0x2dc: {  	_ = 	snop  }
0x2dd: {  	[tilespmem:s6], [sflag:$0x1] =	stream.indirect_vreg.gather [hbm4b:s1+s17], $0x80, v15, vm0, $0xb8;
	[tilespmem:$0x10500] =	vst v63  }
0x2de: {  	v15 =	vld [tilespmem:$0x1E0];
	_ =	sdelay $0x4  }
0x2df: {  	v22 =	vshll.u32 v15, $0x1  }
0x2e0: {  	v15 =	vand.u32 $0x7, v15;
	v22 =	vand.u32 $0xFFFFFFF0, v22  }
0x2e1: {  	v15 =	vor.u32 v15, v22  }
0x2e2: {  	v22 =	vperm.xlane v15, v1;
	_ =	sdelay $0x1  }
0x2e3: {  	v15 =	vperm.xlane v15, v3;
	v22 =	vadd.s32 v2, v22;
	_ =	sdelay $0x1  }
0x2e4: {  	v15 =	vadd.s32 v2, v15;
	_ =	sdelay $0x2  }
0x2e5: {  	[tilespmem:s7], [sflag:$0x1] =	stream.indirect_vreg.gather [hbm4b:s1+s17], $0x80, v22, vm0, $0xb8;
	[tilespmem:$0x10500] =	vst v63  }
0x2e6: {  	_ = 	snop  }
0x2e7: {  	[tilespmem:s8], [sflag:$0x1] =	stream.indirect_vreg.gather [hbm4b:s1+s17], $0x80, v15, vm0, $0xb8;
	[tilespmem:$0x10500] =	vst v63  }
0x2e8: {  	v15 =	vld [tilespmem:$0x1F0];
	_ =	sdelay $0x4  }
0x2e9: {  	v22 =	vshll.u32 v15, $0x1  }
0x2ea: {  	v15 =	vand.u32 $0x7, v15;
	v22 =	vand.u32 $0xFFFFFFF0, v22  }
0x2eb: {  	v15 =	vor.u32 v15, v22  }
0x2ec: {  	v22 =	vperm.xlane v15, v1;
	_ =	sdelay $0x1  }
0x2ed: {  	v15 =	vperm.xlane v15, v3;
	v22 =	vadd.s32 v2, v22;
	_ =	sdelay $0x1  }
0x2ee: {  	v15 =	vadd.s32 v2, v15;
	_ =	sdelay $0x2  }
0x2ef: {  	[tilespmem:s9], [sflag:$0x1] =	stream.indirect_vreg.gather [hbm4b:s1+s17], $0x80, v22, vm0, $0xb8;
	[tilespmem:$0x10500] =	vst v63  }
0x2f0: {  	_ = 	snop  }
0x2f1: {  	[tilespmem:s10], [sflag:$0x1] =	stream.indirect_vreg.gather [hbm4b:s1+s17], $0x80, v15, vm0, $0xb8;
	[tilespmem:$0x10500] =	vst v63  }
0x2f2: {  	v12 =	vadd.f32 v12, v21;
	s18 =	rddreg [dreg:$0x11];
	v15 =	vmul.f32 v18, v18  }
0x2f3: {  	[tilespmem:s11], [sflag:$0x2] =	stream.linear.gather [hbm4b:s18+s17], $0x8000, $0x38;
	[tilespmem:$0x10500] =	vst v63  }
0x2f4: {  	v14 =	vmul.f32 v14, v14;
	v12 =	vadd.f32 v15, v12;
	_ =	swait.ge [sflag:s20], $0x8000  }
0x2f5: {  	[sflag:s20] =	ssyncset.done $0x0  }
0x2f6: {  	v15 =	vmul.f32 v17, v17;
	v12 =	vadd.f32 v14, v12;
	[sflag:s20] =	ssyncadd.s32 $0xFFFF8000  }
0x2f7: {  	_ =	swait.ge [sflag:s12], $0x8000  }
0x2f8: {  	v9 =	vmul.f32 v9, v9;
	s19 =	sand.u32 $0x7800, s17;
	s15 =	sand.u32 $0x380, s17;
	v12 =	vadd.f32 v15, v12;
	[sflag:s12] =	ssyncset.done $0x0  }
0x2f9: {  	s16 =	sor.u32 s15, s19;
	[sflag:s12] =	ssyncadd.s32 $0xFFFF8000  }
0x2fa: {  	v9 =	vadd.f32 v9, v12;
	v12 =	vld [tilespmem:s16+$0x8620]  }
0x2fb: {  	v15 =	vld [tilespmem:s16+$0x610]  }
0x2fc: {  	v14 =	vmul.f32 v23, v23;
	v17 =	vld [tilespmem:s16+$0x600]  }
0x2fd: {  	v18 =	vld [tilespmem:s16+$0x270]  }
0x2fe: {  	v21 =	vld [tilespmem:s16+$0x260];
	v9 =	vadd.f32 v14, v9  }
0x2ff: {  	v22 =	vld [tilespmem:s16+$0x250]  }
0x300: {  	v23 =	vld [tilespmem:s16+$0x8250];
	v4 =	vadd.f32 v4, v9  }
0x301: {  	v24 =	vld [tilespmem:s16+$0x210]  }
0x302: {  	v25 =	vld [tilespmem:s16+$0x8210];
	v4 =	vadd.f32 v5, v4  }
0x303: {  	v26 =	vld [tilespmem:s16+$0x670]  }
0x304: {  	v27 =	vld [tilespmem:s16+$0x8220];
	v4 =	vadd.f32 v6, v4  }
0x305: {  	v28 =	vld [tilespmem:s16+$0x650]  }
0x306: {  	v14 =	vld [tilespmem:s16+$0x8610];
	v4 =	vadd.f32 v8, v4  }
0x307: {  	v6 =	vld [tilespmem:s16+$0x8260]  }
0x308: {  	v9 =	vld [tilespmem:s16+$0x8600];
	v4 =	vadd.f32 v10, v4  }
0x309: {  	v22 =	vsub.f32 v22, v23;
	v10 =	vld [tilespmem:s16+$0x230]  }
0x30a: {  	v4 =	vadd.f32 v11, v4;
	v11 =	vld [tilespmem:s16+$0x8230]  }
0x30b: {  	v13 =	vmul.f32 v13, v13;
	v5 =	vld [tilespmem:s16+$0x8270];
	v24 =	vsub.f32 v24, v25;
	v23 =	vadd.f32 v22, v23  }
0x30c: {  	v8 =	vld [tilespmem:s16+$0x220];
	v21 =	vsub.f32 v21, v6  }
0x30d: {  	v20 =	vmul.f32 v20, v20;
	v25 =	vadd.f32 v24, v25;
	[tilespmem:s16+$0x250] =	vst v23;
	v23 =	vld [tilespmem:s16+$0x620];
	v4 =	vadd.f32 v13, v4  }
0x30e: {  	v17 =	vsub.f32 v17, v9;
	v6 =	vadd.f32 v21, v6;
	v13 =	vld [tilespmem:s16+$0x200]  }
0x30f: {  	v19 =	vmul.f32 v19, v19;
	v4 =	vadd.f32 v20, v4;
	v20 =	vld [tilespmem:s16+$0x8200];
	v10 =	vsub.f32 v10, v11  }
0x310: {  	v18 =	vsub.f32 v18, v5;
	v9 =	vadd.f32 v17, v9;
	[tilespmem:s16+$0x260] =	vst v6;
	v6 =	vld [tilespmem:s16+$0x8650]  }
0x311: {  	v7 =	vmul.f32 v7, v7;
	[tilespmem:s16+$0x210] =	vst v25;
	v25 =	vld [tilespmem:s16+$0x640];
	v4 =	vadd.f32 v19, v4;
	v11 =	vadd.f32 v10, v11  }
0x312: {  	v5 =	vadd.f32 v18, v5;
	[tilespmem:s16+$0x600] =	vst v9;
	v9 =	vld [tilespmem:s16+$0x8240];
	v8 =	vsub.f32 v8, v27  }
0x313: {  	v19 =	vld [tilespmem:s16+$0x8670];
	v4 =	vadd.f32 v7, v4;
	[tilespmem:s16+$0x230] =	vst v11;
	v11 =	vsub.f32 v15, v14  }
0x314: {  	s24 =	simm.s32 $0x100;
	s17 =	simm.s32 $0x80;
	v15 =	vld [tilespmem:s16+$0x8640];
	v7 =	vsub.f32 v13, v20;
	v13 =	vadd.f32 v8, v27  }
0x315: {  	s15 =	sand.u32 $0x7800, s24;
	s17 =	sand.u32 $0x380, s17;
	[tilespmem:s16+$0x270] =	vst v5;
	v27 =	vsub.f32 v28, v6;
	v28 =	vld [tilespmem:s16+$0x8660];
	v5 =	vadd.f32 v11, v14;
	v14 =	vmul.f32 v16, v16  }
0x316: {  	s15 =	sor.u32 s17, s15;
	v16 =	vld [tilespmem:s16+$0x240]  }
0x317: {  	[tilespmem:s16+$0x610] =	vst v5;
	v5 =	vadd.f32 v14, v4;
	v14 =	vmul.f32 v7, v7;
	v7 =	vadd.f32 v7, v20;
	v20 =	vld [tilespmem:s15+$0x270]  }
0x318: {  	v26 =	vsub.f32 v26, v19;
	v4 =	vld [tilespmem:s15+$0x8620]  }
0x319: {  	v6 =	vadd.f32 v27, v6;
	[tilespmem:s16+$0x220] =	vst v13;
	v13 =	vld [tilespmem:s16+$0x660]  }
0x31a: {  	v24 =	vmul.f32 v24, v24;
	v29 =	vld [tilespmem:s15+$0x8610];
	v5 =	vadd.f32 v14, v5;
	v14 =	vadd.f32 v26, v19  }
0x31b: {  	[tilespmem:s16+$0x650] =	vst v6;
	v19 =	vsub.f32 v23, v12;
	v23 =	vld [tilespmem:s15+$0x610];
	v6 =	vsub.f32 v16, v9  }
0x31c: {  	v8 =	vmul.f32 v8, v8;
	v16 =	vld [tilespmem:s15+$0x8600];
	[tilespmem:s16+$0x200] =	vst v7;
	v5 =	vadd.f32 v24, v5  }
0x31d: {  	[tilespmem:s16+$0x670] =	vst v14;
	v14 =	vsub.f32 v25, v15;
	v24 =	vld [tilespmem:s15+$0x600];
	v9 =	vadd.f32 v6, v9  }
0x31e: {  	v5 =	vadd.f32 v8, v5;
	v8 =	vadd.f32 v19, v12;
	v12 =	vld [tilespmem:s15+$0x8270]  }
0x31f: {  	v7 =	vmul.f32 v10, v10;
	v10 =	vadd.f32 v14, v15;
	v15 =	vld [tilespmem:s16+$0x630]  }
0x320: {  	v30 =	vsub.f32 v13, v28;
	[tilespmem:s16+$0x240] =	vst v9;
	v9 =	vld [tilespmem:s16+$0x8630]  }
0x321: {  	v6 =	vmul.f32 v6, v6;
	v13 =	vmul.f32 v22, v22;
	v5 =	vadd.f32 v7, v5;
	v22 =	vld [tilespmem:s15+$0x210]  }
0x322: {  	[tilespmem:s16+$0x620] =	vst v8;
	v8 =	vadd.f32 v30, v28;
	v33 =	vld [tilespmem:s15+$0x220]  }
0x323: {  	v7 =	vld [tilespmem:s15+$0x8260];
	[tilespmem:s16+$0x640] =	vst v10;
	v5 =	vadd.f32 v6, v5  }
0x324: {  	v6 =	vld [tilespmem:s15+$0x250];
	[tilespmem:s16+$0x660] =	vst v8  }
0x325: {  	v8 =	vmul.f32 v21, v21;
	v10 =	vld [tilespmem:s15+$0x8250];
	v5 =	vadd.f32 v13, v5  }
0x326: {  	v13 =	vld [tilespmem:s15+$0x260]  }
0x327: {  	v18 =	vmul.f32 v18, v18;
	v25 =	vld [tilespmem:s15+$0x8210];
	v5 =	vadd.f32 v8, v5  }
0x328: {  	v21 =	vld [tilespmem:s15+$0x230];
	v15 =	vsub.f32 v15, v9  }
0x329: {  	v17 =	vmul.f32 v17, v17;
	v8 =	vld [tilespmem:s15+$0x8230];
	v5 =	vadd.f32 v18, v5  }
0x32a: {  	v63 =	vld [tilespmem:s15+$0x8220];
	v9 =	vadd.f32 v15, v9;
	v28 =	vsub.f32 v6, v10  }
0x32b: {  	v11 =	vmul.f32 v11, v11;
	v6 =	vld [tilespmem:s15+$0x8200];
	v31 =	vsub.f32 v13, v7;
	v5 =	vadd.f32 v17, v5  }
0x32c: {  	[tilespmem:s16+$0x630] =	vst v9;
	v18 =	vsub.f32 v22, v25;
	v22 =	vsub.f32 v24, v16;
	v13 =	vld [tilespmem:s15+$0x670]  }
0x32d: {  	v34 =	vld [tilespmem:s15+$0x630];
	v7 =	vadd.f32 v31, v7;
	v9 =	vadd.f32 v11, v5;
	v11 =	vmul.f32 v19, v19  }
0x32e: {  	v27 =	vmul.f32 v27, v27;
	v17 =	vadd.f32 v28, v10;
	v10 =	vsub.f32 v21, v8;
	v21 =	vld [tilespmem:s15+$0x200]  }
0x32f: {  	v16 =	vadd.f32 v22, v16;
	v5 =	vld [tilespmem:s15+$0x8630];
	[tilespmem:s15+$0x260] =	vst v7;
	v7 =	vmul.f32 v15, v15;
	v9 =	vadd.f32 v11, v9  }
0x330: {  	v14 =	vmul.f32 v14, v14;
	[tilespmem:s15+$0x250] =	vst v17;
	v17 =	vsub.f32 v20, v12;
	v19 =	vld [tilespmem:s15+$0x620];
	v8 =	vadd.f32 v10, v8  }
0x331: {  	v30 =	vmul.f32 v30, v30;
	v20 =	vld [tilespmem:s15+$0x650];
	v11 =	vadd.f32 v18, v25;
	v25 =	vadd.f32 v7, v9  }
0x332: {  	v15 =	vmul.f32 v26, v26;
	v26 =	vsub.f32 v33, v63;
	v24 =	vadd.f32 v17, v12;
	v12 =	vld [tilespmem:s15+$0x8640]  }
0x333: {  	[tilespmem:s15+$0x230] =	vst v8;
	v9 =	vmul.f32 v17, v17;
	v17 =	vsub.f32 v23, v29;
	v23 =	vld [tilespmem:s15+$0x8650];
	v14 =	vadd.f32 v14, v25  }
0x334: {  	v8 =	vmul.f32 v31, v31;
	[tilespmem:s15+$0x210] =	vst v11;
	v7 =	vmul.f32 v28, v28;
	v21 =	vsub.f32 v21, v6;
	v25 =	vld [tilespmem:s15+$0x640]  }
0x335: {  	[tilespmem:s15+$0x270] =	vst v24;
	v11 =	vmul.f32 v22, v22;
	v24 =	vld [tilespmem:s15+$0x8670];
	v19 =	vsub.f32 v19, v4;
	v31 =	vadd.f32 v27, v14  }
0x336: {  	[tilespmem:s15+$0x600] =	vst v16;
	v22 =	vld [tilespmem:s15+$0x8240];
	v16 =	vmul.f32 v17, v17;
	v28 =	vadd.f32 v17, v29;
	v17 =	vsub.f32 v34, v5  }
0x337: {  	s19 =	simm.s32 $0x200;
	s16 =	simm.s32 $0x100;
	v29 =	vld [tilespmem:s15+$0x240];
	v14 =	vmul.f32 v19, v19;
	v27 =	vadd.f32 v26, v63;
	v30 =	vadd.f32 v30, v31  }
.LBB2_8:
0x338: {  	s17 =	smov.u32 s19  }
0x339: {  	s18 =	sand.u32 $0x7800, s19;
	s24 =	sand.u32 $0x380, s16;
	v31 =	vmul.f32 v21, v21;
	v32 =	vmul.f32 v17, v17;
	v25 =	vsub.f32 v25, v12;
	v33 =	vld [tilespmem:s15+$0x8660];
	s17 =	sadd.s32 $0x100, s19  }
0x33a: {  	p1 =	sne.s32 s19, $0x7F00;
	s18 =	sor.u32 s24, s18;
	v20 =	vsub.f32 v20, v23;
	v15 =	vadd.f32 v15, v30;
	[tilespmem:s15+$0x610] =	vst v28;
	v28 =	vld [tilespmem:s15+$0x660]  }
0x33b: {  	v18 =	vmul.f32 v18, v18;
	v13 =	vsub.f32 v13, v24;
	v30 =	vld [tilespmem:s18+$0x8620];
	[tilespmem:s15+$0x220] =	vst v27;
	v27 =	vmul.f32 v25, v25  }
0x33c: {  	v15 =	vadd.f32 v31, v15;
	v23 =	vadd.f32 v20, v23;
	v31 =	vmul.f32 v20, v20;
	v34 =	vld [tilespmem:s18+$0x610]  }
0x33d: {  	v20 =	vmul.f32 v26, v26;
	v26 =	vsub.f32 v29, v22;
	v24 =	vadd.f32 v13, v24;
	v35 =	vld [tilespmem:s18+$0x8610]  }
0x33e: {  	v6 =	vadd.f32 v21, v6;
	v15 =	vadd.f32 v18, v15;
	v29 =	vld [tilespmem:s18+$0x600];
	[tilespmem:s15+$0x650] =	vst v23  }
0x33f: {  	v10 =	vmul.f32 v10, v10;
	v18 =	vadd.f32 v26, v22;
	v22 =	vmul.f32 v26, v26;
	v21 =	vld [tilespmem:s18+$0x8600];
	[tilespmem:s15+$0x670] =	vst v24  }
0x340: {  	v19 =	vadd.f32 v19, v4;
	v23 =	vld [tilespmem:s18+$0x270];
	[tilespmem:s15+$0x200] =	vst v6;
	v6 =	vadd.f32 v20, v15;
	v4 =	vmov v30  }
0x341: {  	v12 =	vadd.f32 v25, v12;
	v26 =	vsub.f32 v28, v33;
	v15 =	vmul.f32 v13, v13;
	v24 =	vld [tilespmem:s18+$0x8270];
	[tilespmem:s15+$0x240] =	vst v18  }
0x342: {  	v18 =	vld [tilespmem:s18+$0x260];
	v6 =	vadd.f32 v10, v6;
	[tilespmem:s15+$0x620] =	vst v19  }
0x343: {  	v10 =	vadd.f32 v26, v33;
	v19 =	vld [tilespmem:s18+$0x8260];
	[tilespmem:s15+$0x640] =	vst v12  }
0x344: {  	v12 =	vld [tilespmem:s18+$0x250];
	v6 =	vadd.f32 v22, v6  }
0x345: {  	v22 =	vld [tilespmem:s18+$0x220];
	[tilespmem:s15+$0x660] =	vst v10  }
0x346: {  	v10 =	vld [tilespmem:s18+$0x8250];
	v6 =	vadd.f32 v7, v6  }
0x347: {  	v20 =	vld [tilespmem:s18+$0x230]  }
0x348: {  	v25 =	vld [tilespmem:s18+$0x210];
	v6 =	vadd.f32 v8, v6  }
0x349: {  	v28 =	vld [tilespmem:s18+$0x8230]  }
0x34a: {  	v30 =	vld [tilespmem:s18+$0x8210];
	v6 =	vadd.f32 v9, v6  }
0x34b: {  	v33 =	vld [tilespmem:s18+$0x200];
	v7 =	vsub.f32 v12, v10  }
0x34c: {  	v5 =	vadd.f32 v17, v5;
	v13 =	vld [tilespmem:s18+$0x670];
	v8 =	vadd.f32 v11, v6  }
0x34d: {  	v11 =	vsub.f32 v18, v19;
	v6 =	vld [tilespmem:s18+$0x8200];
	v9 =	vadd.f32 v7, v10;
	v7 =	vmul.f32 v7, v7  }
0x34e: {  	v36 =	vld [tilespmem:s18+$0x8220];
	v10 =	vsub.f32 v20, v28;
	v12 =	vadd.f32 v16, v8;
	[tilespmem:s15+$0x630] =	vst v5;
	s15 =	smov.u32 s18  }
0x34f: {  	v8 =	vmul.f32 v11, v11;
	v16 =	vsub.f32 v23, v24;
	v18 =	vsub.f32 v25, v30;
	[tilespmem:s15+$0x250] =	vst v9;
	v20 =	vld [tilespmem:s15+$0x650]  }
0x350: {  	v11 =	vadd.f32 v11, v19;
	v17 =	vld [tilespmem:s15+$0x620];
	v12 =	vadd.f32 v14, v12  }
0x351: {  	v19 =	vsub.f32 v29, v21;
	v14 =	vadd.f32 v10, v28;
	v9 =	vmul.f32 v16, v16;
	v5 =	vld [tilespmem:s15+$0x8630]  }
0x352: {  	v23 =	vadd.f32 v18, v30;
	[tilespmem:s15+$0x260] =	vst v11;
	v29 =	vld [tilespmem:s15+$0x630];
	v28 =	vadd.f32 v32, v12  }
0x353: {  	v30 =	vsub.f32 v34, v35;
	v11 =	vmul.f32 v19, v19;
	[tilespmem:s15+$0x230] =	vst v14;
	v14 =	vadd.f32 v16, v24;
	v12 =	vld [tilespmem:s15+$0x8640]  }
.Ltmp3:
0x354: {  	v32 =	vmul.f32 v26, v26;
	v24 =	vadd.f32 v19, v21;
	[tilespmem:s15+$0x210] =	vst v23;
	v25 =	vld [tilespmem:s15+$0x640];
	v27 =	vadd.f32 v27, v28;
	(pc) =	sbr.rel @p1 .LBB2_8-.Ltmp3, $4  }
0x355: {  	v26 =	vsub.f32 v22, v36;
	v16 =	vmul.f32 v30, v30;
	[tilespmem:s15+$0x270] =	vst v14;
	v19 =	vsub.f32 v17, v4;
	v23 =	vld [tilespmem:s15+$0x8650]  }
0x356: {  	v21 =	vsub.f32 v33, v6;
	[tilespmem:s15+$0x600] =	vst v24;
	v24 =	vld [tilespmem:s15+$0x8670];
	v31 =	vadd.f32 v31, v27  }
0x357: {  	v28 =	vadd.f32 v30, v35;
	v22 =	vld [tilespmem:s15+$0x8240];
	v14 =	vmul.f32 v19, v19;
	v17 =	vsub.f32 v29, v5  }
0x358: {  	s16 =	sadd.s32 $0x80, s16;
	s19 =	smov.u32 s17;
	v27 =	vadd.f32 v26, v36;
	v29 =	vld [tilespmem:s15+$0x240];
	v30 =	vadd.f32 v32, v31  }
0x359: {  	_ = 	snop  }
0x35a: {  	v31 =	vmul.f32 v21, v21;
	v15 =	vadd.f32 v15, v30;
	_ =	sdelay $0x1  }
0x35b: {  	v18 =	vmul.f32 v18, v18;
	v15 =	vadd.f32 v31, v15;
	_ =	sdelay $0x1  }
0x35c: {  	v26 =	vmul.f32 v26, v26;
	v15 =	vadd.f32 v18, v15;
	_ =	sdelay $0x1  }
0x35d: {  	v10 =	vmul.f32 v10, v10;
	v49 =	vsub.f32 v29, v22;
	v15 =	vadd.f32 v26, v15;
	_ =	sdelay $0x1  }
0x35e: {  	v50 =	vmul.f32 v49, v49;
	v10 =	vadd.f32 v10, v15;
	_ =	sdelay $0x1  }
0x35f: {  	v10 =	vadd.f32 v50, v10;
	_ =	sdelay $0x1  }
0x360: {  	v7 =	vadd.f32 v7, v10;
	_ =	sdelay $0x1  }
0x361: {  	v7 =	vadd.f32 v8, v7;
	_ =	sdelay $0x1  }
0x362: {  	v7 =	vadd.f32 v9, v7;
	_ =	sdelay $0x1  }
0x363: {  	v51 =	vld [tilespmem:s15+$0x8660];
	v7 =	vadd.f32 v11, v7  }
0x364: {  	v53 =	vld [tilespmem:s15+$0x660];
	v56 =	vsub.f32 v25, v12;
	v6 =	vadd.f32 v21, v6  }
0x365: {  	[tilespmem:s15+$0x610] =	vst v28;
	v4 =	vadd.f32 v19, v4;
	v7 =	vadd.f32 v16, v7  }
0x366: {  	v5 =	vadd.f32 v17, v5;
	v52 =	vsub.f32 v20, v23;
	[tilespmem:s15+$0x220] =	vst v27  }
0x367: {  	v58 =	vmul.f32 v17, v17;
	v54 =	vsub.f32 v13, v24;
	[tilespmem:s15+$0x200] =	vst v6;
	v7 =	vadd.f32 v14, v7  }
0x368: {  	v62 =	vadd.f32 v56, v12;
	[tilespmem:s15+$0x620] =	vst v4;
	v55 =	vadd.f32 v52, v23  }
0x369: {  	v60 =	vmul.f32 v56, v56;
	[tilespmem:s15+$0x630] =	vst v5;
	v61 =	vsub.f32 v53, v51;
	v7 =	vadd.f32 v58, v7  }
0x36a: {  	v57 =	vadd.f32 v54, v24;
	[tilespmem:s15+$0x640] =	vst v62  }
0x36b: {  	[tilespmem:s15+$0x650] =	vst v55;
	v4 =	vadd.f32 v61, v51;
	v9 =	vmul.f32 v52, v52;
	v7 =	vadd.f32 v60, v7  }
0x36c: {  	v59 =	vadd.f32 v49, v22;
	[tilespmem:s15+$0x670] =	vst v57  }
0x36d: {  	[tilespmem:s15+$0x660] =	vst v4;
	v4 =	vmul.f32 v61, v61;
	v63 =	vadd.f32 v9, v7  }
0x36e: {  	s18 =	rddreg [dreg:$0x12];
	[tilespmem:s15+$0x240] =	vst v59  }
0x36f: {  	v5 =	vmul.f32 v54, v54;
	[hbm4b:s18+s3] =	stream.linear.scatter [tilespmem:s25], [sflag:$0x2], $0x8000, $0x38;
	v4 =	vadd.f32 v4, v63;
	[tilespmem:$0x10500] =	vst v63  }
0x370: {  	_ =	swait.ge [sflag:s20], $0x8000  }
0x371: {  	[sflag:s20] =	ssyncset.done $0x0;
	v4 =	vadd.f32 v5, v4  }
0x372: {  	[sflag:s20] =	ssyncadd.s32 $0xFFFF8000  }
0x373: {  	s16 =	simm.s32 $0x10280;
	s19 =	rddreg [dreg:$0x13];
	[tilespmem:$0x10280] =	vst v4  }
0x374: {  	[hbm4b:s19+s3] =	stream.linear.scatter [tilespmem:s16], [sflag:$0x2], $0x80, $0x38;
	[tilespmem:$0x10500] =	vst v63  }
0x375: {  	_ =	swait.ge [sflag:s20], $0x80  }
0x376: {  	[sflag:s20] =	ssyncset.done $0x0  }
0x377: {  	[sflag:s20] =	ssyncadd.s32 $0xFFFFFF80  }
0x378: {  	s17 =	simm.s32 @!p0 $0x10;
	s15 =	simm.s32 @!p0 $0x1;
	[bflag:$0x0] =	sbarrier.arrive $0xFFFF  }
0x379: {  	s18 =	simm.s32 @!p0 $0x1C02;
	s16 =	simm.s32 @!p0 $0x20;
	s19 =	rddreg [dreg:$0x14]  }
0x37a: {  	[hbm:s19@s16], [sflag:s18] =	dma.strided @!p0 [spmem:s14@s17], $0x400, s15, $0x10   }
0x37b: {  	s14 =	simm.s32 @!p0 $0x2  }
0x37c: {  	_ =	swait.ge @!p0 [sflag:s14], $0x400  }
0x37d: {  	s13 =	sadd.s32 $0x1, s13;
	s24 =	rddreg [dreg:$0x15]  }
0x37e: {  	p1 =	sne.s32 s13, s24  }
.Ltmp4:
0x37f: {  	_ = 	snop;
	(pc) =	sbr.rel @p1 .LBB2_1-.Ltmp4, $3  }
0x380: {  	_ =	sdelay $0x1  }
0x381: {  	[sflag:s14] =	ssyncset.done @!p0 $0x0  }
0x382: {  	[sflag:s14] =	ssyncadd.s32 @!p0 $0xFFFFFC00  }
0x383: {  	_ =	sfence.sel $0x180000  }
0x384: {  	[bflag:$0x0] =	sbarrier.arrive $0xFFFF  }
0x385: {  	_ =	strace $0x90000047  }
0x386: {  	[bflag:$0x2] =	sbarrier.arrive $0xFFFF  }
0x387: {  	s0 =	rddreg [dreg:$0x5]  }
0x388: {  	s0 =	sadd.s32 @!p0 $0x100000, s0  }
0x389: {  	[sflag:s0] =	ssyncadd.tile.s32 @!p0 $0x1;
	_ =	shalt  }
.Lfunc_end2:
_tile_overlayer_lowered:
.L_overlay_start_2:
0x38a: {  	(tag) =	ssettag $0x2  }
0x38b: {  	s0 =	rddreg [dreg:$0x0];
	s2 =	stileid.u32  }
0x38c: {  	s1 =	rddreg [dreg:$0x1];
	p0 =	sne.s32 s2, $0x0  }
0x38d: {  	s3 =	rddreg [dreg:$0x2];
	[bflag:$0x3] =	sbarrier.arrive $0xFFFF;
	s2 =	simm.s32 @!p0 $0x1C02  }
0x38e: {  	[timem:s3], [sflag:s2] =	dma.local @!p0 [hbm:s0], s1  }
0x38f: {  	s0 =	simm.s32 @!p0 $0x2  }
0x390: {  	_ =	swait.ge @!p0 [sflag:s0], s1  }
0x391: {  	s1 =	ssub.s32 @!p0 $0x0, s1;
	[sflag:s0] =	ssyncset.done @!p0 $0x0  }
0x392: {  	[sflag:s0] =	ssyncadd.s32 @!p0 s1  }
0x393: {  	[bflag:$0x3] =	sbarrier.arrive $0xFFFF  }
0x394: {  	_ =	shalt  }

</sc_bundles>
